<compile_context>
chip_gen: v7x
topology: tpu7x:2x2x1
jax: 0.10.2.dev20260603
libtpu: 0.0.44.dev20260713+nightly
codegen_flags: <defaults>
</compile_context>

<pallas_src>
import functools
import math

import jax
import jax.numpy as jnp
import numpy as np
from jax import lax
from jax.experimental import pallas as pl
from jax.experimental.pallas import tpu as pltpu
from jax.experimental.pallas import tpu_sc as plsc

STATE_DIM = 1024
VMD_MODES = 4
PERM_DIM = 3
NUM_GROUPS = 16
T = 4096
N1 = 64
B = 4
NPAIR = B * NUM_GROUPS
P6 = math.factorial(PERM_DIM)

_HIGH = jax.lax.Precision.DEFAULT


def _build_constants():
    M = np.zeros((STATE_DIM, NUM_GROUPS), np.float32)
    for g in range(NUM_GROUPS):
        M[g * 64:(g + 1) * 64, g] = 1.0 / 64.0
    idx = np.arange(N1)
    om = np.exp(-2j * np.pi / N1) ** np.outer(idx, idx)
    tw = np.exp(-2j * np.pi / T) ** np.outer(idx, idx)
    freqs = np.fft.fftfreq(T)
    bw = 1.0 / VMD_MODES
    centers = np.linspace(-0.5, 0.5, VMD_MODES)
    filt = np.exp(-0.5 * (np.abs(freqs[None, :] - centers[:, None]) / bw) ** 2)
    filt_pq = filt.reshape(VMD_MODES, N1, N1).transpose(0, 2, 1)
    n = NUM_GROUPS
    return dict(
        M=M,
        Fre=om.real.astype(np.float32),
        Fim=om.imag.astype(np.float32),
        TW3re=np.repeat(tw.real[:, None, :], n, axis=1).astype(np.float32),
        TW3im=np.repeat(tw.imag[:, None, :], n, axis=1).astype(np.float32),
        filtf=np.repeat(filt_pq, n, axis=1).astype(np.float32),
    )


_CONSTS = _build_constants()


def _reduce_kernel(h_ref, m_ref, out_ref):
    h = h_ref[0]
    s = jnp.dot(h, m_ref[...], preferred_element_type=jnp.float32,
                precision=_HIGH)
    out_ref[...] = s.reshape(32, N1, NUM_GROUPS).swapaxes(1, 2)


def _main_kernel(s_ref, fre_ref, fim_ref, tw3re_ref, tw3im_ref,
                 filtf_ref, lin_ref, modes_ref):
    n = NUM_GROUPS
    Fre = fre_ref[...]
    Fim = fim_ref[...]
    TW3re = tw3re_ref[...]
    TW3im = tw3im_ref[...]

    def mm(a, b, dn=None):
        if dn is None:
            return jnp.dot(a, b, preferred_element_type=jnp.float32,
                           precision=_HIGH)
        return jax.lax.dot_general(a, b, dimension_numbers=(dn, ((), ())),
                                   preferred_element_type=jnp.float32,
                                   precision=_HIGH)

    X2 = s_ref[...]
    G3re = mm(Fre, X2).reshape(N1, n, N1)
    G3im = mm(Fim, X2).reshape(N1, n, N1)
    Gp2re = (G3re * TW3re - G3im * TW3im).reshape(N1 * n, N1)
    Gp2im = (G3re * TW3im + G3im * TW3re).reshape(N1 * n, N1)
    Hre = mm(Gp2re, Fre) - mm(Gp2im, Fim)
    Him = mm(Gp2re, Fim) + mm(Gp2im, Fre)

    modes = []
    for k in range(VMD_MODES):
        fk = filtf_ref[k]
        Hk2re = Hre * fk
        Hk2im = Him * fk
        U3re = (mm(Hk2re, Fre) + mm(Hk2im, Fim)).reshape(N1, n, N1)
        U3im = (mm(Hk2im, Fre) - mm(Hk2re, Fim)).reshape(N1, n, N1)
        Upre = (U3re * TW3re + U3im * TW3im).reshape(N1, n * N1)
        Upim = (U3im * TW3re - U3re * TW3im).reshape(N1, n * N1)
        V = (mm(Upre, Fre, dn=((0,), (0,))) +
             mm(Upim, Fim, dn=((0,), (0,)))) * (1.0 / T)
        mk = V.reshape(n, N1, N1).swapaxes(1, 2).reshape(n, T)
        modes.append(mk)

    lins = []
    for k in range(VMD_MODES):
        m = modes[k]
        x0 = m[:, 0:T - 2]
        x1 = m[:, 1:T - 1]
        x2 = m[:, 2:T]
        a = jnp.where(x1 < x0, 1.0, 0.0)
        b = jnp.where(x2 < x0, 1.0, 0.0)
        c = jnp.where(x2 < x1, 1.0, 0.0)
        pk = 2.0 * a + 3.0 * b + c - 2.0 * a * b + a * c
        lin = pk[:, :T - 3] * 6.0 + pk[:, 1:T - 2]
        lins.append(jnp.concatenate(
            [lin, jnp.full((n, 3), 36.0, jnp.float32)], axis=1))
    lin_ref[...] = jnp.concatenate(lins, axis=1).astype(jnp.int32)
    modes_ref[...] = jnp.concatenate(modes, axis=1)


def _fm_kernel(modes_ref, fm_ref):
    n = NUM_GROUPS
    ne = []
    for k in range(VMD_MODES):
        m = modes_ref[:, k * T:(k + 1) * T]
        e = m * m
        mu = jnp.mean(e, axis=1, keepdims=True)
        d = e - mu
        sd = jnp.clip(jnp.sqrt(jnp.sum(d * d, axis=1, keepdims=True)
                               / (T - 1)), 1e-8, None)
        ne.append(d / sd)
    iota6 = jax.lax.broadcasted_iota(jnp.int32, (n, P6), 1)
    fm = jnp.zeros((n, P6), jnp.float32)
    for pidx, (i, j) in enumerate([(0, 1), (0, 2), (0, 3),
                                   (1, 2), (1, 3), (2, 3)]):
        s = jnp.sum(ne[i] * ne[j], axis=1) * (1.0 / T)
        fm += jnp.where(iota6 == pidx, s[:, None], 0.0)
    fm_ref[...] = fm


def _sc_hist_body(lin_hbm, out_hbm, lrow, hist, orow):
    wid = lax.axis_index("s") * 2 + lax.axis_index("c")
    lane = lax.iota(jnp.int32, 16)
    ones = jnp.full((16,), 1.0, jnp.float32)
    zeros = jnp.zeros((16,), jnp.float32)

    for pidx in range(2):
        pair = wid * 2 + pidx
        pltpu.sync_copy(lin_hbm.at[pair], lrow)

        def zbody(j, _):
            hist[pl.ds(j * 16, 16)] = zeros
            return 0
        lax.fori_loop(0, 48, zbody, 0)

        def body(i, _):
            for u in range(8):
                v = lrow[pl.ds(i * 128 + u * 16, 16)]
                plsc.addupdate_scatter(hist, [v * 16 + lane], ones)
            return 0
        lax.fori_loop(0, (VMD_MODES * T) // 128, body, 0)

        accs = []
        for grp in range(3):
            acc = zeros
            for l16 in range(16):
                gidx = (grp * 16 + lane) * 16 + l16
                acc = acc + plsc.load_gather(hist, [gidx])
            accs.append(acc)
        real2 = jnp.where(lane < P6 * P6 - 32, accs[2], 0.0)
        tot = jnp.sum(accs[0] + accs[1] + real2, axis=0)
        norm = 1.0 / jnp.maximum(jnp.broadcast_to(tot, (16,)), 1.0)
        for grp in range(3):
            orow[pl.ds(grp * 16, 16)] = accs[grp] * norm
        pltpu.sync_copy(orow, out_hbm.at[pair])


_sc_hist = functools.partial(
    pl.kernel,
    out_type=jax.ShapeDtypeStruct((NPAIR, 48), jnp.float32),
    mesh=plsc.VectorSubcoreMesh(core_axis_name="c", subcore_axis_name="s"),
    compiler_params=pltpu.CompilerParams(needs_layout_passes=False),
    scratch_types=[
        pltpu.VMEM((VMD_MODES * T,), jnp.int32),
        pltpu.VMEM((768,), jnp.float32),
        pltpu.VMEM((48,), jnp.float32),
    ],
)(_sc_hist_body)


@jax.jit
def _run(hidden_states):
    c = _CONSTS
    s3 = pl.pallas_call(
        _reduce_kernel,
        grid=(B, 2),
        in_specs=[
            pl.BlockSpec((1, 2048, STATE_DIM), lambda b, i: (b, i, 0)),
            pl.BlockSpec((STATE_DIM, NUM_GROUPS), lambda b, i: (0, 0)),
        ],
        out_specs=pl.BlockSpec((32, NUM_GROUPS, N1), lambda b, i: (i, b, 0)),
        out_shape=jax.ShapeDtypeStruct((N1, NPAIR, N1), jnp.float32),
    )(hidden_states, c["M"])
    s3 = s3.reshape(N1, NPAIR * N1)

    lin64, modes64 = pl.pallas_call(
        _main_kernel,
        grid=(B,),
        in_specs=[
            pl.BlockSpec((N1, NUM_GROUPS * N1), lambda b: (0, b)),
            pl.BlockSpec((N1, N1), lambda b: (0, 0)),
            pl.BlockSpec((N1, N1), lambda b: (0, 0)),
            pl.BlockSpec((N1, NUM_GROUPS, N1), lambda b: (0, 0, 0)),
            pl.BlockSpec((N1, NUM_GROUPS, N1), lambda b: (0, 0, 0)),
            pl.BlockSpec((VMD_MODES, N1 * NUM_GROUPS, N1),
                         lambda b: (0, 0, 0)),
        ],
        out_specs=[
            pl.BlockSpec((NUM_GROUPS, VMD_MODES * T), lambda b: (b, 0)),
            pl.BlockSpec((NUM_GROUPS, VMD_MODES * T), lambda b: (b, 0)),
        ],
        out_shape=[
            jax.ShapeDtypeStruct((NPAIR, VMD_MODES * T), jnp.int32),
            jax.ShapeDtypeStruct((NPAIR, VMD_MODES * T), jnp.float32),
        ],
    )(s3, c["Fre"], c["Fim"], c["TW3re"], c["TW3im"], c["filtf"])
    tm = _sc_hist(lin64)[:, :P6 * P6]
    fm = pl.pallas_call(
        _fm_kernel,
        grid=(B,),
        in_specs=[pl.BlockSpec((NUM_GROUPS, VMD_MODES * T),
                               lambda b: (b, 0))],
        out_specs=pl.BlockSpec((NUM_GROUPS, P6), lambda b: (b, 0)),
        out_shape=jax.ShapeDtypeStruct((NPAIR, P6), jnp.float32),
    )(modes64)
    return (tm.reshape(B, NUM_GROUPS, P6 * P6),
            fm.reshape(B, NUM_GROUPS, P6))


def kernel(hidden_states):
    return _run(hidden_states)

# --- scband reference (transcript-rebuilt; emitter-appended) ---
"""Pipeline reference for scband-tfmptf-46127948759232 (READ-ONLY COPY).

The authoritative reference and input builder live on the scoring server;
editing this copy changes nothing except your own understanding.
"""

import jax, jax.numpy as jnp
import numpy as np
import math

STATE_DIM = 1024
VMD_MODES = 4
PERM_DIM = 3
NUM_GROUPS = 16

def setup_inputs(seed: int = 0) -> dict:
    key = jax.random.key(seed)
    hidden_states = jax.random.normal(key, (4, 4096, STATE_DIM), dtype=jnp.float32)
    return {"hidden_states": hidden_states}

def _tfmptf_forward(hidden_states):
    B, T, D = hidden_states.shape
    G = NUM_GROUPS
    K = VMD_MODES
    m = PERM_DIM
    P = math.factorial(m)
    fact = [math.factorial(i) for i in range(m)]
    hs = hidden_states.astype(jnp.float32)
    hs = jnp.transpose(hs, (0, 2, 1)).reshape(B, G, D // G, T)
    sig = hs.mean(axis=2)
    fft_sig = jnp.fft.fft(sig, axis=2)
    freqs = jnp.fft.fftfreq(T).astype(jnp.float32)
    bandwidth = 1.0 / K
    centers = jnp.linspace(-0.5, 0.5, K, dtype=jnp.float32)
    dist = jnp.abs(freqs[None, :] - centers[:, None])
    filters = jnp.exp(-0.5 * (dist / bandwidth) ** 2)
    filtered = fft_sig[:, :, None, :] * filters[None, None, :, :]
    modes = jnp.fft.ifft(filtered, axis=3).real
    # ---- TMPTM: permutation-pattern transition histogram ----
    N = T - m + 1
    widx = jnp.arange(N)[:, None] + jnp.arange(m)[None, :]
    windows = modes[:, :, :, widx]  # [B, G, K, N, m] (torch unfold)
    sorted_idx = jnp.argsort(windows, axis=4)
    pattern_ids = jnp.zeros((B, G, K, N), dtype=jnp.int32)
    for i in range(m - 1):
        curr = sorted_idx[..., i:i + 1]
        right = sorted_idx[..., i + 1:]
        smaller = (curr > right).sum(axis=4).astype(jnp.int32)
        pattern_ids = pattern_ids + smaller * fact[m - 1 - i]
    curr_ids = pattern_ids[..., :-1]
    next_ids = pattern_ids[..., 1:]
    lin = curr_ids * P + next_ids  # [B, G, K, N-1]
    flat = lin.reshape(B * G, -1) + (jnp.arange(B * G, dtype=jnp.int32) * (P * P))[:, None]
    tmptm = jnp.bincount(flat.ravel(), length=B * G * P * P).reshape(B, G, P * P).astype(jnp.float32)
    row_sums = jnp.clip(jnp.sum(tmptm, axis=2, keepdims=True), 1.0, None)
    tmptm = tmptm / row_sums
    # ---- FMPTM: cross-mode energy correlations ----
    energies = modes ** 2
    mean_e = energies.mean(axis=3, keepdims=True)
    std_e = jnp.clip(jnp.std(energies, axis=3, keepdims=True, ddof=1), 1e-8, None)
    norm_e = (energies - mean_e) / std_e
    corr = jnp.matmul(norm_e, jnp.swapaxes(norm_e, 2, 3)) / T
    iu = jnp.triu_indices(K, k=1)
    fmptm = corr[:, :, iu[0], iu[1]].reshape(B, G, -1)
    return tmptm, fmptm

def reference(hidden_states):
    tmptm, fmptm = _tfmptf_forward(hidden_states)
    return (tmptm, fmptm)

if __name__ == "__main__":
    import jax
    _d = setup_inputs()
    print(jax.jit(kernel)(*tuple(_d.values())))

</pallas_src>

<mosaic_0001>
#map = affine_map<(d0, d1) -> (0, 0)>
module attributes {stable_mosaic.version = 14 : i64} {
  func.func @_sc_hist_body(%arg0: i32, %arg1: i32, %arg2: memref<64x16384xi32, #tpu.memory_space<hbm>>, %arg3: memref<64x48xf32, #tpu.memory_space<hbm>>, %arg4: memref<16384xi32, #tpu.memory_space<vmem>>, %arg5: memref<768xf32, #tpu.memory_space<vmem>>, %arg6: memref<48xf32, #tpu.memory_space<vmem>>) attributes {dimension_semantics = [#tpu.dimension_semantics<core_parallel>, #tpu.dimension_semantics<subcore_parallel>], iteration_bounds = array<i64: 2, 16>, scalar_prefetch = 0 : i64, scratch_operands = 3 : i64, tpu.core_type = #tpu.core_type<sc_vector_subcore>, window_params = [{transform_indices = #map}, {transform_indices = #map}]} {
    %mul3A = arith.constant 2 : i32
    %mul3A_0 = arith.muli %arg1, %mul3A : i32
    %add3A = arith.addi %mul3A_0, %arg0 : i32
    %iota3A = tpu.iota {dimensions = array<i32: 0>} : vector<16xi32>
    %broadcast_in_dim3A = arith.constant 1.000000e+00 : f32
    %broadcast_in_dim3A_1 = vector.broadcast %broadcast_in_dim3A : f32 to vector<16xf32>
    %broadcast_in_dim3A_2 = arith.constant 0.000000e+00 : f32
    %broadcast_in_dim3A_3 = vector.broadcast %broadcast_in_dim3A_2 : f32 to vector<16xf32>
    %mul3A_4 = arith.constant 2 : i32
    %mul3A_5 = arith.muli %add3A, %mul3A_4 : i32
    %add3A_6 = arith.constant 0 : i32
    %add3A_7 = arith.addi %mul3A_5, %add3A_6 : i32
    "tpu.region"() ({
      %run_scoped3A = tpu.sem_alloc : memref<!tpu.dma_semaphore, #tpu.memory_space<semaphore_mem>>
      %dma_start3A = arith.constant 0 : i32
      %dma_start3A_1143 = tpu.memref_slice %arg2[%add3A_7, %dma_start3A] : memref<64x16384xi32, #tpu.memory_space<hbm>> -> memref<1x16384xi32, #tpu.memory_space<hbm>>
      %dma_start3A_1144 = tpu.memref_squeeze %dma_start3A_1143 : memref<1x16384xi32, #tpu.memory_space<hbm>> -> memref<16384xi32, #tpu.memory_space<hbm>>
      %dma_start3A_1145 = arith.constant 0 : i32
      %dma_start3A_1146 = tpu.memref_slice %arg2[%add3A_7, %dma_start3A_1145] : memref<64x16384xi32, #tpu.memory_space<hbm>> -> memref<1x16384xi32, #tpu.memory_space<hbm>>
      %dma_start3A_1147 = tpu.memref_squeeze %dma_start3A_1146 : memref<1x16384xi32, #tpu.memory_space<hbm>> -> memref<16384xi32, #tpu.memory_space<hbm>>
      tpu.enqueue_dma source(%dma_start3A_1147 : memref<16384xi32, #tpu.memory_space<hbm>>) target(%arg4 : memref<16384xi32, #tpu.memory_space<vmem>>) target_semaphore(%run_scoped3A : memref<!tpu.dma_semaphore, #tpu.memory_space<semaphore_mem>>)
      %dma_wait3A = arith.constant 0 : i32
      %dma_wait3A_1148 = tpu.memref_slice %arg2[%add3A_7, %dma_wait3A] : memref<64x16384xi32, #tpu.memory_space<hbm>> -> memref<1x16384xi32, #tpu.memory_space<hbm>>
      %dma_wait3A_1149 = tpu.memref_squeeze %dma_wait3A_1148 : memref<1x16384xi32, #tpu.memory_space<hbm>> -> memref<16384xi32, #tpu.memory_space<hbm>>
      %dma_wait3A_1150 = arith.constant 0 : i32
      %dma_wait3A_1151 = tpu.memref_slice %arg2[%add3A_7, %dma_wait3A_1150] : memref<64x16384xi32, #tpu.memory_space<hbm>> -> memref<1x16384xi32, #tpu.memory_space<hbm>>
      %dma_wait3A_1152 = tpu.memref_squeeze %dma_wait3A_1151 : memref<1x16384xi32, #tpu.memory_space<hbm>> -> memref<16384xi32, #tpu.memory_space<hbm>>
      tpu.wait_dma2 semaphore(%run_scoped3A : memref<!tpu.dma_semaphore, #tpu.memory_space<semaphore_mem>>) src(%dma_wait3A_1152 : memref<16384xi32, #tpu.memory_space<hbm>>) dst(%arg4 : memref<16384xi32, #tpu.memory_space<vmem>>)
      tpu.yield
    }) : () -> ()
    %scan3A = arith.constant 0 : i32
    %scan3A_8 = arith.constant 0 : i32
    %scan3A_9 = arith.constant 48 : i32
    %scan3A_10 = arith.addi %scan3A_8, %scan3A_9 : i32
    %scan3A_11 = arith.constant 1 : i32
    %scan3A_12 = scf.for %scan3A_1143 = %scan3A_8 to %scan3A_10 step %scan3A_11 iter_args(%scan3A_1144 = %scan3A) -> (i32)  : i32 {
      %mul3A_1145 = arith.constant 16 : i32
      %mul3A_1146 = arith.muli %scan3A_1143, %mul3A_1145 : i32
      %swap3A_1147 = arith.index_cast %mul3A_1146 : i32 to index
      %swap3A_1148 = tpu.vector_load %arg5[%swap3A_1147] {strides = array<i32>} : memref<768xf32, #tpu.memory_space<vmem>>, vector<16xf32>,
      tpu.vector_store %arg5[%swap3A_1147], %broadcast_in_dim3A_3 {strides = array<i32>} : memref<768xf32, #tpu.memory_space<vmem>>, vector<16xf32>,
      %scan3A_1149 = arith.constant 0 : i32
      scf.yield %scan3A_1149 : i32
    }
    %scan3A_13 = arith.constant 48 : i32
    %scan3A_14 = arith.constant 0 : i32
    %scan3A_15 = arith.constant 0 : i32
    %scan3A_16 = arith.constant 128 : i32
    %scan3A_17 = arith.addi %scan3A_15, %scan3A_16 : i32
    %scan3A_18 = arith.constant 1 : i32
    %scan3A_19 = scf.for %scan3A_1143 = %scan3A_15 to %scan3A_17 step %scan3A_18 iter_args(%scan3A_1144 = %scan3A_14) -> (i32)  : i32 {
      %mul3A_1145 = arith.constant 128 : i32
      %mul3A_1146 = arith.muli %scan3A_1143, %mul3A_1145 : i32
      %add3A_1147 = arith.constant 0 : i32
      %add3A_1148 = arith.addi %mul3A_1146, %add3A_1147 : i32
      %get3A = arith.index_cast %add3A_1148 : i32 to index
      %get3A_1149 = tpu.vector_load %arg4[%get3A] {strides = array<i32>} : memref<16384xi32, #tpu.memory_space<vmem>>, vector<16xi32>,
      %mul3A_1150 = arith.constant 16 : i32
      %mul3A_1151 = vector.broadcast %mul3A_1150 : i32 to vector<16xi32>
      %mul3A_1152 = arith.muli %get3A_1149, %mul3A_1151 : vector<16xi32>
      %add3A_1153 = arith.addi %mul3A_1152, %iota3A : vector<16xi32>
      tpu.vector_store_idx %arg5[%add3A_1153], %broadcast_in_dim3A_1 {add = true} : memref<768xf32, #tpu.memory_space<vmem>>[vector<16xi32>], vector<16xf32>,
      %mul3A_1154 = arith.constant 128 : i32
      %mul3A_1155 = arith.muli %scan3A_1143, %mul3A_1154 : i32
      %add3A_1156 = arith.constant 16 : i32
      %add3A_1157 = arith.addi %mul3A_1155, %add3A_1156 : i32
      %get3A_1158 = arith.index_cast %add3A_1157 : i32 to index
      %get3A_1159 = tpu.vector_load %arg4[%get3A_1158] {strides = array<i32>} : memref<16384xi32, #tpu.memory_space<vmem>>, vector<16xi32>,
      %mul3A_1160 = arith.constant 16 : i32
      %mul3A_1161 = vector.broadcast %mul3A_1160 : i32 to vector<16xi32>
      %mul3A_1162 = arith.muli %get3A_1159, %mul3A_1161 : vector<16xi32>
      %add3A_1163 = arith.addi %mul3A_1162, %iota3A : vector<16xi32>
      tpu.vector_store_idx %arg5[%add3A_1163], %broadcast_in_dim3A_1 {add = true} : memref<768xf32, #tpu.memory_space<vmem>>[vector<16xi32>], vector<16xf32>,
      %mul3A_1164 = arith.constant 128 : i32
      %mul3A_1165 = arith.muli %scan3A_1143, %mul3A_1164 : i32
      %add3A_1166 = arith.constant 32 : i32
      %add3A_1167 = arith.addi %mul3A_1165, %add3A_1166 : i32
      %get3A_1168 = arith.index_cast %add3A_1167 : i32 to index
      %get3A_1169 = tpu.vector_load %arg4[%get3A_1168] {strides = array<i32>} : memref<16384xi32, #tpu.memory_space<vmem>>, vector<16xi32>,
      %mul3A_1170 = arith.constant 16 : i32
      %mul3A_1171 = vector.broadcast %mul3A_1170 : i32 to vector<16xi32>
      %mul3A_1172 = arith.muli %get3A_1169, %mul3A_1171 : vector<16xi32>
      %add3A_1173 = arith.addi %mul3A_1172, %iota3A : vector<16xi32>
      tpu.vector_store_idx %arg5[%add3A_1173], %broadcast_in_dim3A_1 {add = true} : memref<768xf32, #tpu.memory_space<vmem>>[vector<16xi32>], vector<16xf32>,
      %mul3A_1174 = arith.constant 128 : i32
      %mul3A_1175 = arith.muli %scan3A_1143, %mul3A_1174 : i32
      %add3A_1176 = arith.constant 48 : i32
      %add3A_1177 = arith.addi %mul3A_1175, %add3A_1176 : i32
      %get3A_1178 = arith.index_cast %add3A_1177 : i32 to index
      %get3A_1179 = tpu.vector_load %arg4[%get3A_1178] {strides = array<i32>} : memref<16384xi32, #tpu.memory_space<vmem>>, vector<16xi32>,
      %mul3A_1180 = arith.constant 16 : i32
      %mul3A_1181 = vector.broadcast %mul3A_1180 : i32 to vector<16xi32>
      %mul3A_1182 = arith.muli %get3A_1179, %mul3A_1181 : vector<16xi32>
      %add3A_1183 = arith.addi %mul3A_1182, %iota3A : vector<16xi32>
      tpu.vector_store_idx %arg5[%add3A_1183], %broadcast_in_dim3A_1 {add = true} : memref<768xf32, #tpu.memory_space<vmem>>[vector<16xi32>], vector<16xf32>,
      %mul3A_1184 = arith.constant 128 : i32
      %mul3A_1185 = arith.muli %scan3A_1143, %mul3A_1184 : i32
      %add3A_1186 = arith.constant 64 : i32
      %add3A_1187 = arith.addi %mul3A_1185, %add3A_1186 : i32
      %get3A_1188 = arith.index_cast %add3A_1187 : i32 to index
      %get3A_1189 = tpu.vector_load %arg4[%get3A_1188] {strides = array<i32>} : memref<16384xi32, #tpu.memory_space<vmem>>, vector<16xi32>,
      %mul3A_1190 = arith.constant 16 : i32
      %mul3A_1191 = vector.broadcast %mul3A_1190 : i32 to vector<16xi32>
      %mul3A_1192 = arith.muli %get3A_1189, %mul3A_1191 : vector<16xi32>
      %add3A_1193 = arith.addi %mul3A_1192, %iota3A : vector<16xi32>
      tpu.vector_store_idx %arg5[%add3A_1193], %broadcast_in_dim3A_1 {add = true} : memref<768xf32, #tpu.memory_space<vmem>>[vector<16xi32>], vector<16xf32>,
      %mul3A_1194 = arith.constant 128 : i32
      %mul3A_1195 = arith.muli %scan3A_1143, %mul3A_1194 : i32
      %add3A_1196 = arith.constant 80 : i32
      %add3A_1197 = arith.addi %mul3A_1195, %add3A_1196 : i32
      %get3A_1198 = arith.index_cast %add3A_1197 : i32 to index
      %get3A_1199 = tpu.vector_load %arg4[%get3A_1198] {strides = array<i32>} : memref<16384xi32, #tpu.memory_space<vmem>>, vector<16xi32>,
      %mul3A_1200 = arith.constant 16 : i32
      %mul3A_1201 = vector.broadcast %mul3A_1200 : i32 to vector<16xi32>
      %mul3A_1202 = arith.muli %get3A_1199, %mul3A_1201 : vector<16xi32>
      %add3A_1203 = arith.addi %mul3A_1202, %iota3A : vector<16xi32>
      tpu.vector_store_idx %arg5[%add3A_1203], %broadcast_in_dim3A_1 {add = true} : memref<768xf32, #tpu.memory_space<vmem>>[vector<16xi32>], vector<16xf32>,
      %mul3A_1204 = arith.constant 128 : i32
      %mul3A_1205 = arith.muli %scan3A_1143, %mul3A_1204 : i32
      %add3A_1206 = arith.constant 96 : i32
      %add3A_1207 = arith.addi %mul3A_1205, %add3A_1206 : i32
      %get3A_1208 = arith.index_cast %add3A_1207 : i32 to index
      %get3A_1209 = tpu.vector_load %arg4[%get3A_1208] {strides = array<i32>} : memref<16384xi32, #tpu.memory_space<vmem>>, vector<16xi32>,
      %mul3A_1210 = arith.constant 16 : i32
      %mul3A_1211 = vector.broadcast %mul3A_1210 : i32 to vector<16xi32>
      %mul3A_1212 = arith.muli %get3A_1209, %mul3A_1211 : vector<16xi32>
      %add3A_1213 = arith.addi %mul3A_1212, %iota3A : vector<16xi32>
      tpu.vector_store_idx %arg5[%add3A_1213], %broadcast_in_dim3A_1 {add = true} : memref<768xf32, #tpu.memory_space<vmem>>[vector<16xi32>], vector<16xf32>,
      %mul3A_1214 = arith.constant 128 : i32
      %mul3A_1215 = arith.muli %scan3A_1143, %mul3A_1214 : i32
      %add3A_1216 = arith.constant 112 : i32
      %add3A_1217 = arith.addi %mul3A_1215, %add3A_1216 : i32
      %get3A_1218 = arith.index_cast %add3A_1217 : i32 to index
      %get3A_1219 = tpu.vector_load %arg4[%get3A_1218] {strides = array<i32>} : memref<16384xi32, #tpu.memory_space<vmem>>, vector<16xi32>,
      %mul3A_1220 = arith.constant 16 : i32
      %mul3A_1221 = vector.broadcast %mul3A_1220 : i32 to vector<16xi32>
      %mul3A_1222 = arith.muli %get3A_1219, %mul3A_1221 : vector<16xi32>
      %add3A_1223 = arith.addi %mul3A_1222, %iota3A : vector<16xi32>
      tpu.vector_store_idx %arg5[%add3A_1223], %broadcast_in_dim3A_1 {add = true} : memref<768xf32, #tpu.memory_space<vmem>>[vector<16xi32>], vector<16xf32>,
      %scan3A_1224 = arith.constant 0 : i32
      scf.yield %scan3A_1224 : i32
    }
    %scan3A_20 = arith.constant 128 : i32
    %add3A_21 = arith.constant 0 : i32
    %add3A_22 = vector.broadcast %add3A_21 : i32 to vector<16xi32>
    %add3A_23 = arith.addi %add3A_22, %iota3A : vector<16xi32>
    %mul3A_24 = arith.constant 16 : i32
    %mul3A_25 = vector.broadcast %mul3A_24 : i32 to vector<16xi32>
    %mul3A_26 = arith.muli %add3A_23, %mul3A_25 : vector<16xi32>
    %add3A_27 = arith.constant 0 : i32
    %add3A_28 = vector.broadcast %add3A_27 : i32 to vector<16xi32>
    %add3A_29 = arith.addi %mul3A_26, %add3A_28 : vector<16xi32>
    %gather3A = tpu.vector_load_idx %arg5[%add3A_29] : memref<768xf32, #tpu.memory_space<vmem>>[vector<16xi32>], vector<16xf32>,
    %add3A_30 = arith.addf %broadcast_in_dim3A_3, %gather3A : vector<16xf32>
    %add3A_31 = arith.constant 0 : i32
    %add3A_32 = vector.broadcast %add3A_31 : i32 to vector<16xi32>
    %add3A_33 = arith.addi %add3A_32, %iota3A : vector<16xi32>
    %mul3A_34 = arith.constant 16 : i32
    %mul3A_35 = vector.broadcast %mul3A_34 : i32 to vector<16xi32>
    %mul3A_36 = arith.muli %add3A_33, %mul3A_35 : vector<16xi32>
    %add3A_37 = arith.constant 1 : i32
    %add3A_38 = vector.broadcast %add3A_37 : i32 to vector<16xi32>
    %add3A_39 = arith.addi %mul3A_36, %add3A_38 : vector<16xi32>
    %gather3A_40 = tpu.vector_load_idx %arg5[%add3A_39] : memref<768xf32, #tpu.memory_space<vmem>>[vector<16xi32>], vector<16xf32>,
    %add3A_41 = arith.addf %add3A_30, %gather3A_40 : vector<16xf32>
    %add3A_42 = arith.constant 0 : i32
    %add3A_43 = vector.broadcast %add3A_42 : i32 to vector<16xi32>
    %add3A_44 = arith.addi %add3A_43, %iota3A : vector<16xi32>
    %mul3A_45 = arith.constant 16 : i32
    %mul3A_46 = vector.broadcast %mul3A_45 : i32 to vector<16xi32>
    %mul3A_47 = arith.muli %add3A_44, %mul3A_46 : vector<16xi32>
    %add3A_48 = arith.constant 2 : i32
    %add3A_49 = vector.broadcast %add3A_48 : i32 to vector<16xi32>
    %add3A_50 = arith.addi %mul3A_47, %add3A_49 : vector<16xi32>
    %gather3A_51 = tpu.vector_load_idx %arg5[%add3A_50] : memref<768xf32, #tpu.memory_space<vmem>>[vector<16xi32>], vector<16xf32>,
    %add3A_52 = arith.addf %add3A_41, %gather3A_51 : vector<16xf32>
    %add3A_53 = arith.constant 0 : i32
    %add3A_54 = vector.broadcast %add3A_53 : i32 to vector<16xi32>
    %add3A_55 = arith.addi %add3A_54, %iota3A : vector<16xi32>
    %mul3A_56 = arith.constant 16 : i32
    %mul3A_57 = vector.broadcast %mul3A_56 : i32 to vector<16xi32>
    %mul3A_58 = arith.muli %add3A_55, %mul3A_57 : vector<16xi32>
    %add3A_59 = arith.constant 3 : i32
    %add3A_60 = vector.broadcast %add3A_59 : i32 to vector<16xi32>
    %add3A_61 = arith.addi %mul3A_58, %add3A_60 : vector<16xi32>
    %gather3A_62 = tpu.vector_load_idx %arg5[%add3A_61] : memref<768xf32, #tpu.memory_space<vmem>>[vector<16xi32>], vector<16xf32>,
    %add3A_63 = arith.addf %add3A_52, %gather3A_62 : vector<16xf32>
    %add3A_64 = arith.constant 0 : i32
    %add3A_65 = vector.broadcast %add3A_64 : i32 to vector<16xi32>
    %add3A_66 = arith.addi %add3A_65, %iota3A : vector<16xi32>
    %mul3A_67 = arith.constant 16 : i32
    %mul3A_68 = vector.broadcast %mul3A_67 : i32 to vector<16xi32>
    %mul3A_69 = arith.muli %add3A_66, %mul3A_68 : vector<16xi32>
    %add3A_70 = arith.constant 4 : i32
    %add3A_71 = vector.broadcast %add3A_70 : i32 to vector<16xi32>
    %add3A_72 = arith.addi %mul3A_69, %add3A_71 : vector<16xi32>
    %gather3A_73 = tpu.vector_load_idx %arg5[%add3A_72] : memref<768xf32, #tpu.memory_space<vmem>>[vector<16xi32>], vector<16xf32>,
    %add3A_74 = arith.addf %add3A_63, %gather3A_73 : vector<16xf32>
    %add3A_75 = arith.constant 0 : i32
    %add3A_76 = vector.broadcast %add3A_75 : i32 to vector<16xi32>
    %add3A_77 = arith.addi %add3A_76, %iota3A : vector<16xi32>
    %mul3A_78 = arith.constant 16 : i32
    %mul3A_79 = vector.broadcast %mul3A_78 : i32 to vector<16xi32>
    %mul3A_80 = arith.muli %add3A_77, %mul3A_79 : vector<16xi32>
    %add3A_81 = arith.constant 5 : i32
    %add3A_82 = vector.broadcast %add3A_81 : i32 to vector<16xi32>
    %add3A_83 = arith.addi %mul3A_80, %add3A_82 : vector<16xi32>
    %gather3A_84 = tpu.vector_load_idx %arg5[%add3A_83] : memref<768xf32, #tpu.memory_space<vmem>>[vector<16xi32>], vector<16xf32>,
    %add3A_85 = arith.addf %add3A_74, %gather3A_84 : vector<16xf32>
    %add3A_86 = arith.constant 0 : i32
    %add3A_87 = vector.broadcast %add3A_86 : i32 to vector<16xi32>
    %add3A_88 = arith.addi %add3A_87, %iota3A : vector<16xi32>
    %mul3A_89 = arith.constant 16 : i32
    %mul3A_90 = vector.broadcast %mul3A_89 : i32 to vector<16xi32>
    %mul3A_91 = arith.muli %add3A_88, %mul3A_90 : vector<16xi32>
    %add3A_92 = arith.constant 6 : i32
    %add3A_93 = vector.broadcast %add3A_92 : i32 to vector<16xi32>
    %add3A_94 = arith.addi %mul3A_91, %add3A_93 : vector<16xi32>
    %gather3A_95 = tpu.vector_load_idx %arg5[%add3A_94] : memref<768xf32, #tpu.memory_space<vmem>>[vector<16xi32>], vector<16xf32>,
    %add3A_96 = arith.addf %add3A_85, %gather3A_95 : vector<16xf32>
    %add3A_97 = arith.constant 0 : i32
    %add3A_98 = vector.broadcast %add3A_97 : i32 to vector<16xi32>
    %add3A_99 = arith.addi %add3A_98, %iota3A : vector<16xi32>
    %mul3A_100 = arith.constant 16 : i32
    %mul3A_101 = vector.broadcast %mul3A_100 : i32 to vector<16xi32>
    %mul3A_102 = arith.muli %add3A_99, %mul3A_101 : vector<16xi32>
    %add3A_103 = arith.constant 7 : i32
    %add3A_104 = vector.broadcast %add3A_103 : i32 to vector<16xi32>
    %add3A_105 = arith.addi %mul3A_102, %add3A_104 : vector<16xi32>
    %gather3A_106 = tpu.vector_load_idx %arg5[%add3A_105] : memref<768xf32, #tpu.memory_space<vmem>>[vector<16xi32>], vector<16xf32>,
    %add3A_107 = arith.addf %add3A_96, %gather3A_106 : vector<16xf32>
    %add3A_108 = arith.constant 0 : i32
    %add3A_109 = vector.broadcast %add3A_108 : i32 to vector<16xi32>
    %add3A_110 = arith.addi %add3A_109, %iota3A : vector<16xi32>
    %mul3A_111 = arith.constant 16 : i32
    %mul3A_112 = vector.broadcast %mul3A_111 : i32 to vector<16xi32>
    %mul3A_113 = arith.muli %add3A_110, %mul3A_112 : vector<16xi32>
    %add3A_114 = arith.constant 8 : i32
    %add3A_115 = vector.broadcast %add3A_114 : i32 to vector<16xi32>
    %add3A_116 = arith.addi %mul3A_113, %add3A_115 : vector<16xi32>
    %gather3A_117 = tpu.vector_load_idx %arg5[%add3A_116] : memref<768xf32, #tpu.memory_space<vmem>>[vector<16xi32>], vector<16xf32>,
    %add3A_118 = arith.addf %add3A_107, %gather3A_117 : vector<16xf32>
    %add3A_119 = arith.constant 0 : i32
    %add3A_120 = vector.broadcast %add3A_119 : i32 to vector<16xi32>
    %add3A_121 = arith.addi %add3A_120, %iota3A : vector<16xi32>
    %mul3A_122 = arith.constant 16 : i32
    %mul3A_123 = vector.broadcast %mul3A_122 : i32 to vector<16xi32>
    %mul3A_124 = arith.muli %add3A_121, %mul3A_123 : vector<16xi32>
    %add3A_125 = arith.constant 9 : i32
    %add3A_126 = vector.broadcast %add3A_125 : i32 to vector<16xi32>
    %add3A_127 = arith.addi %mul3A_124, %add3A_126 : vector<16xi32>
    %gather3A_128 = tpu.vector_load_idx %arg5[%add3A_127] : memref<768xf32, #tpu.memory_space<vmem>>[vector<16xi32>], vector<16xf32>,
    %add3A_129 = arith.addf %add3A_118, %gather3A_128 : vector<16xf32>
    %add3A_130 = arith.constant 0 : i32
    %add3A_131 = vector.broadcast %add3A_130 : i32 to vector<16xi32>
    %add3A_132 = arith.addi %add3A_131, %iota3A : vector<16xi32>
    %mul3A_133 = arith.constant 16 : i32
    %mul3A_134 = vector.broadcast %mul3A_133 : i32 to vector<16xi32>
    %mul3A_135 = arith.muli %add3A_132, %mul3A_134 : vector<16xi32>
    %add3A_136 = arith.constant 10 : i32
    %add3A_137 = vector.broadcast %add3A_136 : i32 to vector<16xi32>
    %add3A_138 = arith.addi %mul3A_135, %add3A_137 : vector<16xi32>
    %gather3A_139 = tpu.vector_load_idx %arg5[%add3A_138] : memref<768xf32, #tpu.memory_space<vmem>>[vector<16xi32>], vector<16xf32>,
    %add3A_140 = arith.addf %add3A_129, %gather3A_139 : vector<16xf32>
    %add3A_141 = arith.constant 0 : i32
    %add3A_142 = vector.broadcast %add3A_141 : i32 to vector<16xi32>
    %add3A_143 = arith.addi %add3A_142, %iota3A : vector<16xi32>
    %mul3A_144 = arith.constant 16 : i32
    %mul3A_145 = vector.broadcast %mul3A_144 : i32 to vector<16xi32>
    %mul3A_146 = arith.muli %add3A_143, %mul3A_145 : vector<16xi32>
    %add3A_147 = arith.constant 11 : i32
    %add3A_148 = vector.broadcast %add3A_147 : i32 to vector<16xi32>
    %add3A_149 = arith.addi %mul3A_146, %add3A_148 : vector<16xi32>
    %gather3A_150 = tpu.vector_load_idx %arg5[%add3A_149] : memref<768xf32, #tpu.memory_space<vmem>>[vector<16xi32>], vector<16xf32>,
    %add3A_151 = arith.addf %add3A_140, %gather3A_150 : vector<16xf32>
    %add3A_152 = arith.constant 0 : i32
    %add3A_153 = vector.broadcast %add3A_152 : i32 to vector<16xi32>
    %add3A_154 = arith.addi %add3A_153, %iota3A : vector<16xi32>
    %mul3A_155 = arith.constant 16 : i32
    %mul3A_156 = vector.broadcast %mul3A_155 : i32 to vector<16xi32>
    %mul3A_157 = arith.muli %add3A_154, %mul3A_156 : vector<16xi32>
    %add3A_158 = arith.constant 12 : i32
    %add3A_159 = vector.broadcast %add3A_158 : i32 to vector<16xi32>
    %add3A_160 = arith.addi %mul3A_157, %add3A_159 : vector<16xi32>
    %gather3A_161 = tpu.vector_load_idx %arg5[%add3A_160] : memref<768xf32, #tpu.memory_space<vmem>>[vector<16xi32>], vector<16xf32>,
    %add3A_162 = arith.addf %add3A_151, %gather3A_161 : vector<16xf32>
    %add3A_163 = arith.constant 0 : i32
    %add3A_164 = vector.broadcast %add3A_163 : i32 to vector<16xi32>
    %add3A_165 = arith.addi %add3A_164, %iota3A : vector<16xi32>
    %mul3A_166 = arith.constant 16 : i32
    %mul3A_167 = vector.broadcast %mul3A_166 : i32 to vector<16xi32>
    %mul3A_168 = arith.muli %add3A_165, %mul3A_167 : vector<16xi32>
    %add3A_169 = arith.constant 13 : i32
    %add3A_170 = vector.broadcast %add3A_169 : i32 to vector<16xi32>
    %add3A_171 = arith.addi %mul3A_168, %add3A_170 : vector<16xi32>
    %gather3A_172 = tpu.vector_load_idx %arg5[%add3A_171] : memref<768xf32, #tpu.memory_space<vmem>>[vector<16xi32>], vector<16xf32>,
    %add3A_173 = arith.addf %add3A_162, %gather3A_172 : vector<16xf32>
    %add3A_174 = arith.constant 0 : i32
    %add3A_175 = vector.broadcast %add3A_174 : i32 to vector<16xi32>
    %add3A_176 = arith.addi %add3A_175, %iota3A : vector<16xi32>
    %mul3A_177 = arith.constant 16 : i32
    %mul3A_178 = vector.broadcast %mul3A_177 : i32 to vector<16xi32>
    %mul3A_179 = arith.muli %add3A_176, %mul3A_178 : vector<16xi32>
    %add3A_180 = arith.constant 14 : i32
    %add3A_181 = vector.broadcast %add3A_180 : i32 to vector<16xi32>
    %add3A_182 = arith.addi %mul3A_179, %add3A_181 : vector<16xi32>
    %gather3A_183 = tpu.vector_load_idx %arg5[%add3A_182] : memref<768xf32, #tpu.memory_space<vmem>>[vector<16xi32>], vector<16xf32>,
    %add3A_184 = arith.addf %add3A_173, %gather3A_183 : vector<16xf32>
    %add3A_185 = arith.constant 0 : i32
    %add3A_186 = vector.broadcast %add3A_185 : i32 to vector<16xi32>
    %add3A_187 = arith.addi %add3A_186, %iota3A : vector<16xi32>
    %mul3A_188 = arith.constant 16 : i32
    %mul3A_189 = vector.broadcast %mul3A_188 : i32 to vector<16xi32>
    %mul3A_190 = arith.muli %add3A_187, %mul3A_189 : vector<16xi32>
    %add3A_191 = arith.constant 15 : i32
    %add3A_192 = vector.broadcast %add3A_191 : i32 to vector<16xi32>
    %add3A_193 = arith.addi %mul3A_190, %add3A_192 : vector<16xi32>
    %gather3A_194 = tpu.vector_load_idx %arg5[%add3A_193] : memref<768xf32, #tpu.memory_space<vmem>>[vector<16xi32>], vector<16xf32>,
    %add3A_195 = arith.addf %add3A_184, %gather3A_194 : vector<16xf32>
    %add3A_196 = arith.constant 16 : i32
    %add3A_197 = vector.broadcast %add3A_196 : i32 to vector<16xi32>
    %add3A_198 = arith.addi %add3A_197, %iota3A : vector<16xi32>
    %mul3A_199 = arith.constant 16 : i32
    %mul3A_200 = vector.broadcast %mul3A_199 : i32 to vector<16xi32>
    %mul3A_201 = arith.muli %add3A_198, %mul3A_200 : vector<16xi32>
    %add3A_202 = arith.constant 0 : i32
    %add3A_203 = vector.broadcast %add3A_202 : i32 to vector<16xi32>
    %add3A_204 = arith.addi %mul3A_201, %add3A_203 : vector<16xi32>
    %gather3A_205 = tpu.vector_load_idx %arg5[%add3A_204] : memref<768xf32, #tpu.memory_space<vmem>>[vector<16xi32>], vector<16xf32>,
    %add3A_206 = arith.addf %broadcast_in_dim3A_3, %gather3A_205 : vector<16xf32>
    %add3A_207 = arith.constant 16 : i32
    %add3A_208 = vector.broadcast %add3A_207 : i32 to vector<16xi32>
    %add3A_209 = arith.addi %add3A_208, %iota3A : vector<16xi32>
    %mul3A_210 = arith.constant 16 : i32
    %mul3A_211 = vector.broadcast %mul3A_210 : i32 to vector<16xi32>
    %mul3A_212 = arith.muli %add3A_209, %mul3A_211 : vector<16xi32>
    %add3A_213 = arith.constant 1 : i32
    %add3A_214 = vector.broadcast %add3A_213 : i32 to vector<16xi32>
    %add3A_215 = arith.addi %mul3A_212, %add3A_214 : vector<16xi32>
    %gather3A_216 = tpu.vector_load_idx %arg5[%add3A_215] : memref<768xf32, #tpu.memory_space<vmem>>[vector<16xi32>], vector<16xf32>,
    %add3A_217 = arith.addf %add3A_206, %gather3A_216 : vector<16xf32>
    %add3A_218 = arith.constant 16 : i32
    %add3A_219 = vector.broadcast %add3A_218 : i32 to vector<16xi32>
    %add3A_220 = arith.addi %add3A_219, %iota3A : vector<16xi32>
    %mul3A_221 = arith.constant 16 : i32
    %mul3A_222 = vector.broadcast %mul3A_221 : i32 to vector<16xi32>
    %mul3A_223 = arith.muli %add3A_220, %mul3A_222 : vector<16xi32>
    %add3A_224 = arith.constant 2 : i32
    %add3A_225 = vector.broadcast %add3A_224 : i32 to vector<16xi32>
    %add3A_226 = arith.addi %mul3A_223, %add3A_225 : vector<16xi32>
    %gather3A_227 = tpu.vector_load_idx %arg5[%add3A_226] : memref<768xf32, #tpu.memory_space<vmem>>[vector<16xi32>], vector<16xf32>,
    %add3A_228 = arith.addf %add3A_217, %gather3A_227 : vector<16xf32>
    %add3A_229 = arith.constant 16 : i32
    %add3A_230 = vector.broadcast %add3A_229 : i32 to vector<16xi32>
    %add3A_231 = arith.addi %add3A_230, %iota3A : vector<16xi32>
    %mul3A_232 = arith.constant 16 : i32
    %mul3A_233 = vector.broadcast %mul3A_232 : i32 to vector<16xi32>
    %mul3A_234 = arith.muli %add3A_231, %mul3A_233 : vector<16xi32>
    %add3A_235 = arith.constant 3 : i32
    %add3A_236 = vector.broadcast %add3A_235 : i32 to vector<16xi32>
    %add3A_237 = arith.addi %mul3A_234, %add3A_236 : vector<16xi32>
    %gather3A_238 = tpu.vector_load_idx %arg5[%add3A_237] : memref<768xf32, #tpu.memory_space<vmem>>[vector<16xi32>], vector<16xf32>,
    %add3A_239 = arith.addf %add3A_228, %gather3A_238 : vector<16xf32>
    %add3A_240 = arith.constant 16 : i32
    %add3A_241 = vector.broadcast %add3A_240 : i32 to vector<16xi32>
    %add3A_242 = arith.addi %add3A_241, %iota3A : vector<16xi32>
    %mul3A_243 = arith.constant 16 : i32
    %mul3A_244 = vector.broadcast %mul3A_243 : i32 to vector<16xi32>
    %mul3A_245 = arith.muli %add3A_242, %mul3A_244 : vector<16xi32>
    %add3A_246 = arith.constant 4 : i32
    %add3A_247 = vector.broadcast %add3A_246 : i32 to vector<16xi32>
    %add3A_248 = arith.addi %mul3A_245, %add3A_247 : vector<16xi32>
    %gather3A_249 = tpu.vector_load_idx %arg5[%add3A_248] : memref<768xf32, #tpu.memory_space<vmem>>[vector<16xi32>], vector<16xf32>,
    %add3A_250 = arith.addf %add3A_239, %gather3A_249 : vector<16xf32>
    %add3A_251 = arith.constant 16 : i32
    %add3A_252 = vector.broadcast %add3A_251 : i32 to vector<16xi32>
    %add3A_253 = arith.addi %add3A_252, %iota3A : vector<16xi32>
    %mul3A_254 = arith.constant 16 : i32
    %mul3A_255 = vector.broadcast %mul3A_254 : i32 to vector<16xi32>
    %mul3A_256 = arith.muli %add3A_253, %mul3A_255 : vector<16xi32>
    %add3A_257 = arith.constant 5 : i32
    %add3A_258 = vector.broadcast %add3A_257 : i32 to vector<16xi32>
    %add3A_259 = arith.addi %mul3A_256, %add3A_258 : vector<16xi32>
    %gather3A_260 = tpu.vector_load_idx %arg5[%add3A_259] : memref<768xf32, #tpu.memory_space<vmem>>[vector<16xi32>], vector<16xf32>,
    %add3A_261 = arith.addf %add3A_250, %gather3A_260 : vector<16xf32>
    %add3A_262 = arith.constant 16 : i32
    %add3A_263 = vector.broadcast %add3A_262 : i32 to vector<16xi32>
    %add3A_264 = arith.addi %add3A_263, %iota3A : vector<16xi32>
    %mul3A_265 = arith.constant 16 : i32
    %mul3A_266 = vector.broadcast %mul3A_265 : i32 to vector<16xi32>
    %mul3A_267 = arith.muli %add3A_264, %mul3A_266 : vector<16xi32>
    %add3A_268 = arith.constant 6 : i32
    %add3A_269 = vector.broadcast %add3A_268 : i32 to vector<16xi32>
    %add3A_270 = arith.addi %mul3A_267, %add3A_269 : vector<16xi32>
    %gather3A_271 = tpu.vector_load_idx %arg5[%add3A_270] : memref<768xf32, #tpu.memory_space<vmem>>[vector<16xi32>], vector<16xf32>,
    %add3A_272 = arith.addf %add3A_261, %gather3A_271 : vector<16xf32>
    %add3A_273 = arith.constant 16 : i32
    %add3A_274 = vector.broadcast %add3A_273 : i32 to vector<16xi32>
    %add3A_275 = arith.addi %add3A_274, %iota3A : vector<16xi32>
    %mul3A_276 = arith.constant 16 : i32
    %mul3A_277 = vector.broadcast %mul3A_276 : i32 to vector<16xi32>
    %mul3A_278 = arith.muli %add3A_275, %mul3A_277 : vector<16xi32>
    %add3A_279 = arith.constant 7 : i32
    %add3A_280 = vector.broadcast %add3A_279 : i32 to vector<16xi32>
    %add3A_281 = arith.addi %mul3A_278, %add3A_280 : vector<16xi32>
    %gather3A_282 = tpu.vector_load_idx %arg5[%add3A_281] : memref<768xf32, #tpu.memory_space<vmem>>[vector<16xi32>], vector<16xf32>,
    %add3A_283 = arith.addf %add3A_272, %gather3A_282 : vector<16xf32>
    %add3A_284 = arith.constant 16 : i32
    %add3A_285 = vector.broadcast %add3A_284 : i32 to vector<16xi32>
    %add3A_286 = arith.addi %add3A_285, %iota3A : vector<16xi32>
    %mul3A_287 = arith.constant 16 : i32
    %mul3A_288 = vector.broadcast %mul3A_287 : i32 to vector<16xi32>
    %mul3A_289 = arith.muli %add3A_286, %mul3A_288 : vector<16xi32>
    %add3A_290 = arith.constant 8 : i32
    %add3A_291 = vector.broadcast %add3A_290 : i32 to vector<16xi32>
    %add3A_292 = arith.addi %mul3A_289, %add3A_291 : vector<16xi32>
    %gather3A_293 = tpu.vector_load_idx %arg5[%add3A_292] : memref<768xf32, #tpu.memory_space<vmem>>[vector<16xi32>], vector<16xf32>,
    %add3A_294 = arith.addf %add3A_283, %gather3A_293 : vector<16xf32>
    %add3A_295 = arith.constant 16 : i32
    %add3A_296 = vector.broadcast %add3A_295 : i32 to vector<16xi32>
    %add3A_297 = arith.addi %add3A_296, %iota3A : vector<16xi32>
    %mul3A_298 = arith.constant 16 : i32
    %mul3A_299 = vector.broadcast %mul3A_298 : i32 to vector<16xi32>
    %mul3A_300 = arith.muli %add3A_297, %mul3A_299 : vector<16xi32>
    %add3A_301 = arith.constant 9 : i32
    %add3A_302 = vector.broadcast %add3A_301 : i32 to vector<16xi32>
    %add3A_303 = arith.addi %mul3A_300, %add3A_302 : vector<16xi32>
    %gather3A_304 = tpu.vector_load_idx %arg5[%add3A_303] : memref<768xf32, #tpu.memory_space<vmem>>[vector<16xi32>], vector<16xf32>,
    %add3A_305 = arith.addf %add3A_294, %gather3A_304 : vector<16xf32>
    %add3A_306 = arith.constant 16 : i32
    %add3A_307 = vector.broadcast %add3A_306 : i32 to vector<16xi32>
    %add3A_308 = arith.addi %add3A_307, %iota3A : vector<16xi32>
    %mul3A_309 = arith.constant 16 : i32
    %mul3A_310 = vector.broadcast %mul3A_309 : i32 to vector<16xi32>
    %mul3A_311 = arith.muli %add3A_308, %mul3A_310 : vector<16xi32>
    %add3A_312 = arith.constant 10 : i32
    %add3A_313 = vector.broadcast %add3A_312 : i32 to vector<16xi32>
    %add3A_314 = arith.addi %mul3A_311, %add3A_313 : vector<16xi32>
    %gather3A_315 = tpu.vector_load_idx %arg5[%add3A_314] : memref<768xf32, #tpu.memory_space<vmem>>[vector<16xi32>], vector<16xf32>,
    %add3A_316 = arith.addf %add3A_305, %gather3A_315 : vector<16xf32>
    %add3A_317 = arith.constant 16 : i32
    %add3A_318 = vector.broadcast %add3A_317 : i32 to vector<16xi32>
    %add3A_319 = arith.addi %add3A_318, %iota3A : vector<16xi32>
    %mul3A_320 = arith.constant 16 : i32
    %mul3A_321 = vector.broadcast %mul3A_320 : i32 to vector<16xi32>
    %mul3A_322 = arith.muli %add3A_319, %mul3A_321 : vector<16xi32>
    %add3A_323 = arith.constant 11 : i32
    %add3A_324 = vector.broadcast %add3A_323 : i32 to vector<16xi32>
    %add3A_325 = arith.addi %mul3A_322, %add3A_324 : vector<16xi32>
    %gather3A_326 = tpu.vector_load_idx %arg5[%add3A_325] : memref<768xf32, #tpu.memory_space<vmem>>[vector<16xi32>], vector<16xf32>,
    %add3A_327 = arith.addf %add3A_316, %gather3A_326 : vector<16xf32>
    %add3A_328 = arith.constant 16 : i32
    %add3A_329 = vector.broadcast %add3A_328 : i32 to vector<16xi32>
    %add3A_330 = arith.addi %add3A_329, %iota3A : vector<16xi32>
    %mul3A_331 = arith.constant 16 : i32
    %mul3A_332 = vector.broadcast %mul3A_331 : i32 to vector<16xi32>
    %mul3A_333 = arith.muli %add3A_330, %mul3A_332 : vector<16xi32>
    %add3A_334 = arith.constant 12 : i32
    %add3A_335 = vector.broadcast %add3A_334 : i32 to vector<16xi32>
    %add3A_336 = arith.addi %mul3A_333, %add3A_335 : vector<16xi32>
    %gather3A_337 = tpu.vector_load_idx %arg5[%add3A_336] : memref<768xf32, #tpu.memory_space<vmem>>[vector<16xi32>], vector<16xf32>,
    %add3A_338 = arith.addf %add3A_327, %gather3A_337 : vector<16xf32>
    %add3A_339 = arith.constant 16 : i32
    %add3A_340 = vector.broadcast %add3A_339 : i32 to vector<16xi32>
    %add3A_341 = arith.addi %add3A_340, %iota3A : vector<16xi32>
    %mul3A_342 = arith.constant 16 : i32
    %mul3A_343 = vector.broadcast %mul3A_342 : i32 to vector<16xi32>
    %mul3A_344 = arith.muli %add3A_341, %mul3A_343 : vector<16xi32>
    %add3A_345 = arith.constant 13 : i32
    %add3A_346 = vector.broadcast %add3A_345 : i32 to vector<16xi32>
    %add3A_347 = arith.addi %mul3A_344, %add3A_346 : vector<16xi32>
    %gather3A_348 = tpu.vector_load_idx %arg5[%add3A_347] : memref<768xf32, #tpu.memory_space<vmem>>[vector<16xi32>], vector<16xf32>,
    %add3A_349 = arith.addf %add3A_338, %gather3A_348 : vector<16xf32>
    %add3A_350 = arith.constant 16 : i32
    %add3A_351 = vector.broadcast %add3A_350 : i32 to vector<16xi32>
    %add3A_352 = arith.addi %add3A_351, %iota3A : vector<16xi32>
    %mul3A_353 = arith.constant 16 : i32
    %mul3A_354 = vector.broadcast %mul3A_353 : i32 to vector<16xi32>
    %mul3A_355 = arith.muli %add3A_352, %mul3A_354 : vector<16xi32>
    %add3A_356 = arith.constant 14 : i32
    %add3A_357 = vector.broadcast %add3A_356 : i32 to vector<16xi32>
    %add3A_358 = arith.addi %mul3A_355, %add3A_357 : vector<16xi32>
    %gather3A_359 = tpu.vector_load_idx %arg5[%add3A_358] : memref<768xf32, #tpu.memory_space<vmem>>[vector<16xi32>], vector<16xf32>,
    %add3A_360 = arith.addf %add3A_349, %gather3A_359 : vector<16xf32>
    %add3A_361 = arith.constant 16 : i32
    %add3A_362 = vector.broadcast %add3A_361 : i32 to vector<16xi32>
    %add3A_363 = arith.addi %add3A_362, %iota3A : vector<16xi32>
    %mul3A_364 = arith.constant 16 : i32
    %mul3A_365 = vector.broadcast %mul3A_364 : i32 to vector<16xi32>
    %mul3A_366 = arith.muli %add3A_363, %mul3A_365 : vector<16xi32>
    %add3A_367 = arith.constant 15 : i32
    %add3A_368 = vector.broadcast %add3A_367 : i32 to vector<16xi32>
    %add3A_369 = arith.addi %mul3A_366, %add3A_368 : vector<16xi32>
    %gather3A_370 = tpu.vector_load_idx %arg5[%add3A_369] : memref<768xf32, #tpu.memory_space<vmem>>[vector<16xi32>], vector<16xf32>,
    %add3A_371 = arith.addf %add3A_360, %gather3A_370 : vector<16xf32>
    %add3A_372 = arith.constant 32 : i32
    %add3A_373 = vector.broadcast %add3A_372 : i32 to vector<16xi32>
    %add3A_374 = arith.addi %add3A_373, %iota3A : vector<16xi32>
    %mul3A_375 = arith.constant 16 : i32
    %mul3A_376 = vector.broadcast %mul3A_375 : i32 to vector<16xi32>
    %mul3A_377 = arith.muli %add3A_374, %mul3A_376 : vector<16xi32>
    %add3A_378 = arith.constant 0 : i32
    %add3A_379 = vector.broadcast %add3A_378 : i32 to vector<16xi32>
    %add3A_380 = arith.addi %mul3A_377, %add3A_379 : vector<16xi32>
    %gather3A_381 = tpu.vector_load_idx %arg5[%add3A_380] : memref<768xf32, #tpu.memory_space<vmem>>[vector<16xi32>], vector<16xf32>,
    %add3A_382 = arith.addf %broadcast_in_dim3A_3, %gather3A_381 : vector<16xf32>
    %add3A_383 = arith.constant 32 : i32
    %add3A_384 = vector.broadcast %add3A_383 : i32 to vector<16xi32>
    %add3A_385 = arith.addi %add3A_384, %iota3A : vector<16xi32>
    %mul3A_386 = arith.constant 16 : i32
    %mul3A_387 = vector.broadcast %mul3A_386 : i32 to vector<16xi32>
    %mul3A_388 = arith.muli %add3A_385, %mul3A_387 : vector<16xi32>
    %add3A_389 = arith.constant 1 : i32
    %add3A_390 = vector.broadcast %add3A_389 : i32 to vector<16xi32>
    %add3A_391 = arith.addi %mul3A_388, %add3A_390 : vector<16xi32>
    %gather3A_392 = tpu.vector_load_idx %arg5[%add3A_391] : memref<768xf32, #tpu.memory_space<vmem>>[vector<16xi32>], vector<16xf32>,
    %add3A_393 = arith.addf %add3A_382, %gather3A_392 : vector<16xf32>
    %add3A_394 = arith.constant 32 : i32
    %add3A_395 = vector.broadcast %add3A_394 : i32 to vector<16xi32>
    %add3A_396 = arith.addi %add3A_395, %iota3A : vector<16xi32>
    %mul3A_397 = arith.constant 16 : i32
    %mul3A_398 = vector.broadcast %mul3A_397 : i32 to vector<16xi32>
    %mul3A_399 = arith.muli %add3A_396, %mul3A_398 : vector<16xi32>
    %add3A_400 = arith.constant 2 : i32
    %add3A_401 = vector.broadcast %add3A_400 : i32 to vector<16xi32>
    %add3A_402 = arith.addi %mul3A_399, %add3A_401 : vector<16xi32>
    %gather3A_403 = tpu.vector_load_idx %arg5[%add3A_402] : memref<768xf32, #tpu.memory_space<vmem>>[vector<16xi32>], vector<16xf32>,
    %add3A_404 = arith.addf %add3A_393, %gather3A_403 : vector<16xf32>
    %add3A_405 = arith.constant 32 : i32
    %add3A_406 = vector.broadcast %add3A_405 : i32 to vector<16xi32>
    %add3A_407 = arith.addi %add3A_406, %iota3A : vector<16xi32>
    %mul3A_408 = arith.constant 16 : i32
    %mul3A_409 = vector.broadcast %mul3A_408 : i32 to vector<16xi32>
    %mul3A_410 = arith.muli %add3A_407, %mul3A_409 : vector<16xi32>
    %add3A_411 = arith.constant 3 : i32
    %add3A_412 = vector.broadcast %add3A_411 : i32 to vector<16xi32>
    %add3A_413 = arith.addi %mul3A_410, %add3A_412 : vector<16xi32>
    %gather3A_414 = tpu.vector_load_idx %arg5[%add3A_413] : memref<768xf32, #tpu.memory_space<vmem>>[vector<16xi32>], vector<16xf32>,
    %add3A_415 = arith.addf %add3A_404, %gather3A_414 : vector<16xf32>
    %add3A_416 = arith.constant 32 : i32
    %add3A_417 = vector.broadcast %add3A_416 : i32 to vector<16xi32>
    %add3A_418 = arith.addi %add3A_417, %iota3A : vector<16xi32>
    %mul3A_419 = arith.constant 16 : i32
    %mul3A_420 = vector.broadcast %mul3A_419 : i32 to vector<16xi32>
    %mul3A_421 = arith.muli %add3A_418, %mul3A_420 : vector<16xi32>
    %add3A_422 = arith.constant 4 : i32
    %add3A_423 = vector.broadcast %add3A_422 : i32 to vector<16xi32>
    %add3A_424 = arith.addi %mul3A_421, %add3A_423 : vector<16xi32>
    %gather3A_425 = tpu.vector_load_idx %arg5[%add3A_424] : memref<768xf32, #tpu.memory_space<vmem>>[vector<16xi32>], vector<16xf32>,
    %add3A_426 = arith.addf %add3A_415, %gather3A_425 : vector<16xf32>
    %add3A_427 = arith.constant 32 : i32
    %add3A_428 = vector.broadcast %add3A_427 : i32 to vector<16xi32>
    %add3A_429 = arith.addi %add3A_428, %iota3A : vector<16xi32>
    %mul3A_430 = arith.constant 16 : i32
    %mul3A_431 = vector.broadcast %mul3A_430 : i32 to vector<16xi32>
    %mul3A_432 = arith.muli %add3A_429, %mul3A_431 : vector<16xi32>
    %add3A_433 = arith.constant 5 : i32
    %add3A_434 = vector.broadcast %add3A_433 : i32 to vector<16xi32>
    %add3A_435 = arith.addi %mul3A_432, %add3A_434 : vector<16xi32>
    %gather3A_436 = tpu.vector_load_idx %arg5[%add3A_435] : memref<768xf32, #tpu.memory_space<vmem>>[vector<16xi32>], vector<16xf32>,
    %add3A_437 = arith.addf %add3A_426, %gather3A_436 : vector<16xf32>
    %add3A_438 = arith.constant 32 : i32
    %add3A_439 = vector.broadcast %add3A_438 : i32 to vector<16xi32>
    %add3A_440 = arith.addi %add3A_439, %iota3A : vector<16xi32>
    %mul3A_441 = arith.constant 16 : i32
    %mul3A_442 = vector.broadcast %mul3A_441 : i32 to vector<16xi32>
    %mul3A_443 = arith.muli %add3A_440, %mul3A_442 : vector<16xi32>
    %add3A_444 = arith.constant 6 : i32
    %add3A_445 = vector.broadcast %add3A_444 : i32 to vector<16xi32>
    %add3A_446 = arith.addi %mul3A_443, %add3A_445 : vector<16xi32>
    %gather3A_447 = tpu.vector_load_idx %arg5[%add3A_446] : memref<768xf32, #tpu.memory_space<vmem>>[vector<16xi32>], vector<16xf32>,
    %add3A_448 = arith.addf %add3A_437, %gather3A_447 : vector<16xf32>
    %add3A_449 = arith.constant 32 : i32
    %add3A_450 = vector.broadcast %add3A_449 : i32 to vector<16xi32>
    %add3A_451 = arith.addi %add3A_450, %iota3A : vector<16xi32>
    %mul3A_452 = arith.constant 16 : i32
    %mul3A_453 = vector.broadcast %mul3A_452 : i32 to vector<16xi32>
    %mul3A_454 = arith.muli %add3A_451, %mul3A_453 : vector<16xi32>
    %add3A_455 = arith.constant 7 : i32
    %add3A_456 = vector.broadcast %add3A_455 : i32 to vector<16xi32>
    %add3A_457 = arith.addi %mul3A_454, %add3A_456 : vector<16xi32>
    %gather3A_458 = tpu.vector_load_idx %arg5[%add3A_457] : memref<768xf32, #tpu.memory_space<vmem>>[vector<16xi32>], vector<16xf32>,
    %add3A_459 = arith.addf %add3A_448, %gather3A_458 : vector<16xf32>
    %add3A_460 = arith.constant 32 : i32
    %add3A_461 = vector.broadcast %add3A_460 : i32 to vector<16xi32>
    %add3A_462 = arith.addi %add3A_461, %iota3A : vector<16xi32>
    %mul3A_463 = arith.constant 16 : i32
    %mul3A_464 = vector.broadcast %mul3A_463 : i32 to vector<16xi32>
    %mul3A_465 = arith.muli %add3A_462, %mul3A_464 : vector<16xi32>
    %add3A_466 = arith.constant 8 : i32
    %add3A_467 = vector.broadcast %add3A_466 : i32 to vector<16xi32>
    %add3A_468 = arith.addi %mul3A_465, %add3A_467 : vector<16xi32>
    %gather3A_469 = tpu.vector_load_idx %arg5[%add3A_468] : memref<768xf32, #tpu.memory_space<vmem>>[vector<16xi32>], vector<16xf32>,
    %add3A_470 = arith.addf %add3A_459, %gather3A_469 : vector<16xf32>
    %add3A_471 = arith.constant 32 : i32
    %add3A_472 = vector.broadcast %add3A_471 : i32 to vector<16xi32>
    %add3A_473 = arith.addi %add3A_472, %iota3A : vector<16xi32>
    %mul3A_474 = arith.constant 16 : i32
    %mul3A_475 = vector.broadcast %mul3A_474 : i32 to vector<16xi32>
    %mul3A_476 = arith.muli %add3A_473, %mul3A_475 : vector<16xi32>
    %add3A_477 = arith.constant 9 : i32
    %add3A_478 = vector.broadcast %add3A_477 : i32 to vector<16xi32>
    %add3A_479 = arith.addi %mul3A_476, %add3A_478 : vector<16xi32>
    %gather3A_480 = tpu.vector_load_idx %arg5[%add3A_479] : memref<768xf32, #tpu.memory_space<vmem>>[vector<16xi32>], vector<16xf32>,
    %add3A_481 = arith.addf %add3A_470, %gather3A_480 : vector<16xf32>
    %add3A_482 = arith.constant 32 : i32
    %add3A_483 = vector.broadcast %add3A_482 : i32 to vector<16xi32>
    %add3A_484 = arith.addi %add3A_483, %iota3A : vector<16xi32>
    %mul3A_485 = arith.constant 16 : i32
    %mul3A_486 = vector.broadcast %mul3A_485 : i32 to vector<16xi32>
    %mul3A_487 = arith.muli %add3A_484, %mul3A_486 : vector<16xi32>
    %add3A_488 = arith.constant 10 : i32
    %add3A_489 = vector.broadcast %add3A_488 : i32 to vector<16xi32>
    %add3A_490 = arith.addi %mul3A_487, %add3A_489 : vector<16xi32>
    %gather3A_491 = tpu.vector_load_idx %arg5[%add3A_490] : memref<768xf32, #tpu.memory_space<vmem>>[vector<16xi32>], vector<16xf32>,
    %add3A_492 = arith.addf %add3A_481, %gather3A_491 : vector<16xf32>
    %add3A_493 = arith.constant 32 : i32
    %add3A_494 = vector.broadcast %add3A_493 : i32 to vector<16xi32>
    %add3A_495 = arith.addi %add3A_494, %iota3A : vector<16xi32>
    %mul3A_496 = arith.constant 16 : i32
    %mul3A_497 = vector.broadcast %mul3A_496 : i32 to vector<16xi32>
    %mul3A_498 = arith.muli %add3A_495, %mul3A_497 : vector<16xi32>
    %add3A_499 = arith.constant 11 : i32
    %add3A_500 = vector.broadcast %add3A_499 : i32 to vector<16xi32>
    %add3A_501 = arith.addi %mul3A_498, %add3A_500 : vector<16xi32>
    %gather3A_502 = tpu.vector_load_idx %arg5[%add3A_501] : memref<768xf32, #tpu.memory_space<vmem>>[vector<16xi32>], vector<16xf32>,
    %add3A_503 = arith.addf %add3A_492, %gather3A_502 : vector<16xf32>
    %add3A_504 = arith.constant 32 : i32
    %add3A_505 = vector.broadcast %add3A_504 : i32 to vector<16xi32>
    %add3A_506 = arith.addi %add3A_505, %iota3A : vector<16xi32>
    %mul3A_507 = arith.constant 16 : i32
    %mul3A_508 = vector.broadcast %mul3A_507 : i32 to vector<16xi32>
    %mul3A_509 = arith.muli %add3A_506, %mul3A_508 : vector<16xi32>
    %add3A_510 = arith.constant 12 : i32
    %add3A_511 = vector.broadcast %add3A_510 : i32 to vector<16xi32>
    %add3A_512 = arith.addi %mul3A_509, %add3A_511 : vector<16xi32>
    %gather3A_513 = tpu.vector_load_idx %arg5[%add3A_512] : memref<768xf32, #tpu.memory_space<vmem>>[vector<16xi32>], vector<16xf32>,
    %add3A_514 = arith.addf %add3A_503, %gather3A_513 : vector<16xf32>
    %add3A_515 = arith.constant 32 : i32
    %add3A_516 = vector.broadcast %add3A_515 : i32 to vector<16xi32>
    %add3A_517 = arith.addi %add3A_516, %iota3A : vector<16xi32>
    %mul3A_518 = arith.constant 16 : i32
    %mul3A_519 = vector.broadcast %mul3A_518 : i32 to vector<16xi32>
    %mul3A_520 = arith.muli %add3A_517, %mul3A_519 : vector<16xi32>
    %add3A_521 = arith.constant 13 : i32
    %add3A_522 = vector.broadcast %add3A_521 : i32 to vector<16xi32>
    %add3A_523 = arith.addi %mul3A_520, %add3A_522 : vector<16xi32>
    %gather3A_524 = tpu.vector_load_idx %arg5[%add3A_523] : memref<768xf32, #tpu.memory_space<vmem>>[vector<16xi32>], vector<16xf32>,
    %add3A_525 = arith.addf %add3A_514, %gather3A_524 : vector<16xf32>
    %add3A_526 = arith.constant 32 : i32
    %add3A_527 = vector.broadcast %add3A_526 : i32 to vector<16xi32>
    %add3A_528 = arith.addi %add3A_527, %iota3A : vector<16xi32>
    %mul3A_529 = arith.constant 16 : i32
    %mul3A_530 = vector.broadcast %mul3A_529 : i32 to vector<16xi32>
    %mul3A_531 = arith.muli %add3A_528, %mul3A_530 : vector<16xi32>
    %add3A_532 = arith.constant 14 : i32
    %add3A_533 = vector.broadcast %add3A_532 : i32 to vector<16xi32>
    %add3A_534 = arith.addi %mul3A_531, %add3A_533 : vector<16xi32>
    %gather3A_535 = tpu.vector_load_idx %arg5[%add3A_534] : memref<768xf32, #tpu.memory_space<vmem>>[vector<16xi32>], vector<16xf32>,
    %add3A_536 = arith.addf %add3A_525, %gather3A_535 : vector<16xf32>
    %add3A_537 = arith.constant 32 : i32
    %add3A_538 = vector.broadcast %add3A_537 : i32 to vector<16xi32>
    %add3A_539 = arith.addi %add3A_538, %iota3A : vector<16xi32>
    %mul3A_540 = arith.constant 16 : i32
    %mul3A_541 = vector.broadcast %mul3A_540 : i32 to vector<16xi32>
    %mul3A_542 = arith.muli %add3A_539, %mul3A_541 : vector<16xi32>
    %add3A_543 = arith.constant 15 : i32
    %add3A_544 = vector.broadcast %add3A_543 : i32 to vector<16xi32>
    %add3A_545 = arith.addi %mul3A_542, %add3A_544 : vector<16xi32>
    %gather3A_546 = tpu.vector_load_idx %arg5[%add3A_545] : memref<768xf32, #tpu.memory_space<vmem>>[vector<16xi32>], vector<16xf32>,
    %add3A_547 = arith.addf %add3A_536, %gather3A_546 : vector<16xf32>
    %lt3A = arith.constant 4 : i32
    %lt3A_548 = vector.broadcast %lt3A : i32 to vector<16xi32>
    %lt3A_549 = arith.cmpi slt, %iota3A, %lt3A_548 : vector<16xi32>
    %jit3A = arith.constant 0.000000e+00 : f32
    %broadcast_in_dim3A_550 = vector.broadcast %jit3A : f32 to vector<16xf32>
    %select_n3A = arith.select %lt3A_549, %add3A_547, %broadcast_in_dim3A_550 : vector<16xi1>, vector<16xf32>
    %add3A_551 = arith.addf %add3A_195, %add3A_371 : vector<16xf32>
    %add3A_552 = arith.addf %add3A_551, %select_n3A : vector<16xf32>
    %reduce_sum3A = arith.constant true
    %reduce_sum3A_553 = vector.broadcast %reduce_sum3A : i1 to vector<16xi1>
    %reduce_sum3A_554 = tpu.scan <sum>, %add3A_552 masked %reduce_sum3A_553 : vector<16xf32>, vector<16xi1> -> vector<16xf32>
    %reduce_sum3A_555 = vector.extract %reduce_sum3A_554[15] : f32 from vector<16xf32>
    %broadcast_in_dim3A_556 = vector.broadcast %reduce_sum3A_555 : f32 to vector<16xf32>
    %max3A = arith.constant 1.000000e+00 : f32
    %max3A_557 = vector.broadcast %max3A : f32 to vector<16xf32>
    %max3A_558 = arith.maximumf %broadcast_in_dim3A_556, %max3A_557 : vector<16xf32>
    %div3A = arith.constant 1.000000e+00 : f32
    %div3A_559 = vector.broadcast %div3A : f32 to vector<16xf32>
    %div3A_560 = arith.divf %div3A_559, %max3A_558 : vector<16xf32>
    %mul3A_561 = arith.mulf %add3A_195, %div3A_560 : vector<16xf32>
    %swap3A = arith.constant 0 : index
    %swap3A_562 = tpu.vector_load %arg6[%swap3A] {strides = array<i32>} : memref<48xf32, #tpu.memory_space<vmem>>, vector<16xf32>,
    tpu.vector_store %arg6[%swap3A], %mul3A_561 {strides = array<i32>} : memref<48xf32, #tpu.memory_space<vmem>>, vector<16xf32>,
    %mul3A_563 = arith.mulf %add3A_371, %div3A_560 : vector<16xf32>
    %swap3A_564 = arith.constant 16 : index
    %swap3A_565 = tpu.vector_load %arg6[%swap3A_564] {strides = array<i32>} : memref<48xf32, #tpu.memory_space<vmem>>, vector<16xf32>,
    tpu.vector_store %arg6[%swap3A_564], %mul3A_563 {strides = array<i32>} : memref<48xf32, #tpu.memory_space<vmem>>, vector<16xf32>,
    %mul3A_566 = arith.mulf %add3A_547, %div3A_560 : vector<16xf32>
    %swap3A_567 = arith.constant 32 : index
    %swap3A_568 = tpu.vector_load %arg6[%swap3A_567] {strides = array<i32>} : memref<48xf32, #tpu.memory_space<vmem>>, vector<16xf32>,
    tpu.vector_store %arg6[%swap3A_567], %mul3A_566 {strides = array<i32>} : memref<48xf32, #tpu.memory_space<vmem>>, vector<16xf32>,
    "tpu.region"() ({
      %run_scoped3A = tpu.sem_alloc : memref<!tpu.dma_semaphore, #tpu.memory_space<semaphore_mem>>
      %dma_start3A = arith.constant 0 : i32
      %dma_start3A_1143 = tpu.memref_slice %arg3[%add3A_7, %dma_start3A] : memref<64x48xf32, #tpu.memory_space<hbm>> -> memref<1x48xf32, #tpu.memory_space<hbm>>
      %dma_start3A_1144 = tpu.memref_squeeze %dma_start3A_1143 : memref<1x48xf32, #tpu.memory_space<hbm>> -> memref<48xf32, #tpu.memory_space<hbm>>
      %dma_start3A_1145 = arith.constant 0 : i32
      %dma_start3A_1146 = tpu.memref_slice %arg3[%add3A_7, %dma_start3A_1145] : memref<64x48xf32, #tpu.memory_space<hbm>> -> memref<1x48xf32, #tpu.memory_space<hbm>>
      %dma_start3A_1147 = tpu.memref_squeeze %dma_start3A_1146 : memref<1x48xf32, #tpu.memory_space<hbm>> -> memref<48xf32, #tpu.memory_space<hbm>>
      tpu.enqueue_dma source(%arg6 : memref<48xf32, #tpu.memory_space<vmem>>) target(%dma_start3A_1147 : memref<48xf32, #tpu.memory_space<hbm>>) target_semaphore(%run_scoped3A : memref<!tpu.dma_semaphore, #tpu.memory_space<semaphore_mem>>)
      %dma_wait3A = arith.constant 0 : i32
      %dma_wait3A_1148 = tpu.memref_slice %arg3[%add3A_7, %dma_wait3A] : memref<64x48xf32, #tpu.memory_space<hbm>> -> memref<1x48xf32, #tpu.memory_space<hbm>>
      %dma_wait3A_1149 = tpu.memref_squeeze %dma_wait3A_1148 : memref<1x48xf32, #tpu.memory_space<hbm>> -> memref<48xf32, #tpu.memory_space<hbm>>
      %dma_wait3A_1150 = arith.constant 0 : i32
      %dma_wait3A_1151 = tpu.memref_slice %arg3[%add3A_7, %dma_wait3A_1150] : memref<64x48xf32, #tpu.memory_space<hbm>> -> memref<1x48xf32, #tpu.memory_space<hbm>>
      %dma_wait3A_1152 = tpu.memref_squeeze %dma_wait3A_1151 : memref<1x48xf32, #tpu.memory_space<hbm>> -> memref<48xf32, #tpu.memory_space<hbm>>
      tpu.wait_dma2 semaphore(%run_scoped3A : memref<!tpu.dma_semaphore, #tpu.memory_space<semaphore_mem>>) src(%arg6 : memref<48xf32, #tpu.memory_space<vmem>>) dst(%dma_wait3A_1152 : memref<48xf32, #tpu.memory_space<hbm>>)
      tpu.yield
    }) : () -> ()
    %mul3A_569 = arith.constant 2 : i32
    %mul3A_570 = arith.muli %add3A, %mul3A_569 : i32
    %add3A_571 = arith.constant 1 : i32
    %add3A_572 = arith.addi %mul3A_570, %add3A_571 : i32
    "tpu.region"() ({
      %run_scoped3A = tpu.sem_alloc : memref<!tpu.dma_semaphore, #tpu.memory_space<semaphore_mem>>
      %dma_start3A = arith.constant 0 : i32
      %dma_start3A_1143 = tpu.memref_slice %arg2[%add3A_572, %dma_start3A] : memref<64x16384xi32, #tpu.memory_space<hbm>> -> memref<1x16384xi32, #tpu.memory_space<hbm>>
      %dma_start3A_1144 = tpu.memref_squeeze %dma_start3A_1143 : memref<1x16384xi32, #tpu.memory_space<hbm>> -> memref<16384xi32, #tpu.memory_space<hbm>>
      %dma_start3A_1145 = arith.constant 0 : i32
      %dma_start3A_1146 = tpu.memref_slice %arg2[%add3A_572, %dma_start3A_1145] : memref<64x16384xi32, #tpu.memory_space<hbm>> -> memref<1x16384xi32, #tpu.memory_space<hbm>>
      %dma_start3A_1147 = tpu.memref_squeeze %dma_start3A_1146 : memref<1x16384xi32, #tpu.memory_space<hbm>> -> memref<16384xi32, #tpu.memory_space<hbm>>
      tpu.enqueue_dma source(%dma_start3A_1147 : memref<16384xi32, #tpu.memory_space<hbm>>) target(%arg4 : memref<16384xi32, #tpu.memory_space<vmem>>) target_semaphore(%run_scoped3A : memref<!tpu.dma_semaphore, #tpu.memory_space<semaphore_mem>>)
      %dma_wait3A = arith.constant 0 : i32
      %dma_wait3A_1148 = tpu.memref_slice %arg2[%add3A_572, %dma_wait3A] : memref<64x16384xi32, #tpu.memory_space<hbm>> -> memref<1x16384xi32, #tpu.memory_space<hbm>>
      %dma_wait3A_1149 = tpu.memref_squeeze %dma_wait3A_1148 : memref<1x16384xi32, #tpu.memory_space<hbm>> -> memref<16384xi32, #tpu.memory_space<hbm>>
      %dma_wait3A_1150 = arith.constant 0 : i32
      %dma_wait3A_1151 = tpu.memref_slice %arg2[%add3A_572, %dma_wait3A_1150] : memref<64x16384xi32, #tpu.memory_space<hbm>> -> memref<1x16384xi32, #tpu.memory_space<hbm>>
      %dma_wait3A_1152 = tpu.memref_squeeze %dma_wait3A_1151 : memref<1x16384xi32, #tpu.memory_space<hbm>> -> memref<16384xi32, #tpu.memory_space<hbm>>
      tpu.wait_dma2 semaphore(%run_scoped3A : memref<!tpu.dma_semaphore, #tpu.memory_space<semaphore_mem>>) src(%dma_wait3A_1152 : memref<16384xi32, #tpu.memory_space<hbm>>) dst(%arg4 : memref<16384xi32, #tpu.memory_space<vmem>>)
      tpu.yield
    }) : () -> ()
    %scan3A_573 = arith.constant 0 : i32
    %scan3A_574 = arith.constant 0 : i32
    %scan3A_575 = arith.constant 48 : i32
    %scan3A_576 = arith.addi %scan3A_574, %scan3A_575 : i32
    %scan3A_577 = arith.constant 1 : i32
    %scan3A_578 = scf.for %scan3A_1143 = %scan3A_574 to %scan3A_576 step %scan3A_577 iter_args(%scan3A_1144 = %scan3A_573) -> (i32)  : i32 {
      %mul3A_1145 = arith.constant 16 : i32
      %mul3A_1146 = arith.muli %scan3A_1143, %mul3A_1145 : i32
      %swap3A_1147 = arith.index_cast %mul3A_1146 : i32 to index
      %swap3A_1148 = tpu.vector_load %arg5[%swap3A_1147] {strides = array<i32>} : memref<768xf32, #tpu.memory_space<vmem>>, vector<16xf32>,
      tpu.vector_store %arg5[%swap3A_1147], %broadcast_in_dim3A_3 {strides = array<i32>} : memref<768xf32, #tpu.memory_space<vmem>>, vector<16xf32>,
      %scan3A_1149 = arith.constant 0 : i32
      scf.yield %scan3A_1149 : i32
    }
    %scan3A_579 = arith.constant 48 : i32
    %scan3A_580 = arith.constant 0 : i32
    %scan3A_581 = arith.constant 0 : i32
    %scan3A_582 = arith.constant 128 : i32
    %scan3A_583 = arith.addi %scan3A_581, %scan3A_582 : i32
    %scan3A_584 = arith.constant 1 : i32
    %scan3A_585 = scf.for %scan3A_1143 = %scan3A_581 to %scan3A_583 step %scan3A_584 iter_args(%scan3A_1144 = %scan3A_580) -> (i32)  : i32 {
      %mul3A_1145 = arith.constant 128 : i32
      %mul3A_1146 = arith.muli %scan3A_1143, %mul3A_1145 : i32
      %add3A_1147 = arith.constant 0 : i32
      %add3A_1148 = arith.addi %mul3A_1146, %add3A_1147 : i32
      %get3A = arith.index_cast %add3A_1148 : i32 to index
      %get3A_1149 = tpu.vector_load %arg4[%get3A] {strides = array<i32>} : memref<16384xi32, #tpu.memory_space<vmem>>, vector<16xi32>,
      %mul3A_1150 = arith.constant 16 : i32
      %mul3A_1151 = vector.broadcast %mul3A_1150 : i32 to vector<16xi32>
      %mul3A_1152 = arith.muli %get3A_1149, %mul3A_1151 : vector<16xi32>
      %add3A_1153 = arith.addi %mul3A_1152, %iota3A : vector<16xi32>
      tpu.vector_store_idx %arg5[%add3A_1153], %broadcast_in_dim3A_1 {add = true} : memref<768xf32, #tpu.memory_space<vmem>>[vector<16xi32>], vector<16xf32>,
      %mul3A_1154 = arith.constant 128 : i32
      %mul3A_1155 = arith.muli %scan3A_1143, %mul3A_1154 : i32
      %add3A_1156 = arith.constant 16 : i32
      %add3A_1157 = arith.addi %mul3A_1155, %add3A_1156 : i32
      %get3A_1158 = arith.index_cast %add3A_1157 : i32 to index
      %get3A_1159 = tpu.vector_load %arg4[%get3A_1158] {strides = array<i32>} : memref<16384xi32, #tpu.memory_space<vmem>>, vector<16xi32>,
      %mul3A_1160 = arith.constant 16 : i32
      %mul3A_1161 = vector.broadcast %mul3A_1160 : i32 to vector<16xi32>
      %mul3A_1162 = arith.muli %get3A_1159, %mul3A_1161 : vector<16xi32>
      %add3A_1163 = arith.addi %mul3A_1162, %iota3A : vector<16xi32>
      tpu.vector_store_idx %arg5[%add3A_1163], %broadcast_in_dim3A_1 {add = true} : memref<768xf32, #tpu.memory_space<vmem>>[vector<16xi32>], vector<16xf32>,
      %mul3A_1164 = arith.constant 128 : i32
      %mul3A_1165 = arith.muli %scan3A_1143, %mul3A_1164 : i32
      %add3A_1166 = arith.constant 32 : i32
      %add3A_1167 = arith.addi %mul3A_1165, %add3A_1166 : i32
      %get3A_1168 = arith.index_cast %add3A_1167 : i32 to index
      %get3A_1169 = tpu.vector_load %arg4[%get3A_1168] {strides = array<i32>} : memref<16384xi32, #tpu.memory_space<vmem>>, vector<16xi32>,
      %mul3A_1170 = arith.constant 16 : i32
      %mul3A_1171 = vector.broadcast %mul3A_1170 : i32 to vector<16xi32>
      %mul3A_1172 = arith.muli %get3A_1169, %mul3A_1171 : vector<16xi32>
      %add3A_1173 = arith.addi %mul3A_1172, %iota3A : vector<16xi32>
      tpu.vector_store_idx %arg5[%add3A_1173], %broadcast_in_dim3A_1 {add = true} : memref<768xf32, #tpu.memory_space<vmem>>[vector<16xi32>], vector<16xf32>,
      %mul3A_1174 = arith.constant 128 : i32
      %mul3A_1175 = arith.muli %scan3A_1143, %mul3A_1174 : i32
      %add3A_1176 = arith.constant 48 : i32
      %add3A_1177 = arith.addi %mul3A_1175, %add3A_1176 : i32
      %get3A_1178 = arith.index_cast %add3A_1177 : i32 to index
      %get3A_1179 = tpu.vector_load %arg4[%get3A_1178] {strides = array<i32>} : memref<16384xi32, #tpu.memory_space<vmem>>, vector<16xi32>,
      %mul3A_1180 = arith.constant 16 : i32
      %mul3A_1181 = vector.broadcast %mul3A_1180 : i32 to vector<16xi32>
      %mul3A_1182 = arith.muli %get3A_1179, %mul3A_1181 : vector<16xi32>
      %add3A_1183 = arith.addi %mul3A_1182, %iota3A : vector<16xi32>
      tpu.vector_store_idx %arg5[%add3A_1183], %broadcast_in_dim3A_1 {add = true} : memref<768xf32, #tpu.memory_space<vmem>>[vector<16xi32>], vector<16xf32>,
      %mul3A_1184 = arith.constant 128 : i32
      %mul3A_1185 = arith.muli %scan3A_1143, %mul3A_1184 : i32
      %add3A_1186 = arith.constant 64 : i32
      %add3A_1187 = arith.addi %mul3A_1185, %add3A_1186 : i32
      %get3A_1188 = arith.index_cast %add3A_1187 : i32 to index
      %get3A_1189 = tpu.vector_load %arg4[%get3A_1188] {strides = array<i32>} : memref<16384xi32, #tpu.memory_space<vmem>>, vector<16xi32>,
      %mul3A_1190 = arith.constant 16 : i32
      %mul3A_1191 = vector.broadcast %mul3A_1190 : i32 to vector<16xi32>
      %mul3A_1192 = arith.muli %get3A_1189, %mul3A_1191 : vector<16xi32>
      %add3A_1193 = arith.addi %mul3A_1192, %iota3A : vector<16xi32>
      tpu.vector_store_idx %arg5[%add3A_1193], %broadcast_in_dim3A_1 {add = true} : memref<768xf32, #tpu.memory_space<vmem>>[vector<16xi32>], vector<16xf32>,
      %mul3A_1194 = arith.constant 128 : i32
      %mul3A_1195 = arith.muli %scan3A_1143, %mul3A_1194 : i32
      %add3A_1196 = arith.constant 80 : i32
      %add3A_1197 = arith.addi %mul3A_1195, %add3A_1196 : i32
      %get3A_1198 = arith.index_cast %add3A_1197 : i32 to index
      %get3A_1199 = tpu.vector_load %arg4[%get3A_1198] {strides = array<i32>} : memref<16384xi32, #tpu.memory_space<vmem>>, vector<16xi32>,
      %mul3A_1200 = arith.constant 16 : i32
      %mul3A_1201 = vector.broadcast %mul3A_1200 : i32 to vector<16xi32>
      %mul3A_1202 = arith.muli %get3A_1199, %mul3A_1201 : vector<16xi32>
      %add3A_1203 = arith.addi %mul3A_1202, %iota3A : vector<16xi32>
      tpu.vector_store_idx %arg5[%add3A_1203], %broadcast_in_dim3A_1 {add = true} : memref<768xf32, #tpu.memory_space<vmem>>[vector<16xi32>], vector<16xf32>,
      %mul3A_1204 = arith.constant 128 : i32
      %mul3A_1205 = arith.muli %scan3A_1143, %mul3A_1204 : i32
      %add3A_1206 = arith.constant 96 : i32
      %add3A_1207 = arith.addi %mul3A_1205, %add3A_1206 : i32
      %get3A_1208 = arith.index_cast %add3A_1207 : i32 to index
      %get3A_1209 = tpu.vector_load %arg4[%get3A_1208] {strides = array<i32>} : memref<16384xi32, #tpu.memory_space<vmem>>, vector<16xi32>,
      %mul3A_1210 = arith.constant 16 : i32
      %mul3A_1211 = vector.broadcast %mul3A_1210 : i32 to vector<16xi32>
      %mul3A_1212 = arith.muli %get3A_1209, %mul3A_1211 : vector<16xi32>
      %add3A_1213 = arith.addi %mul3A_1212, %iota3A : vector<16xi32>
      tpu.vector_store_idx %arg5[%add3A_1213], %broadcast_in_dim3A_1 {add = true} : memref<768xf32, #tpu.memory_space<vmem>>[vector<16xi32>], vector<16xf32>,
      %mul3A_1214 = arith.constant 128 : i32
      %mul3A_1215 = arith.muli %scan3A_1143, %mul3A_1214 : i32
      %add3A_1216 = arith.constant 112 : i32
      %add3A_1217 = arith.addi %mul3A_1215, %add3A_1216 : i32
      %get3A_1218 = arith.index_cast %add3A_1217 : i32 to index
      %get3A_1219 = tpu.vector_load %arg4[%get3A_1218] {strides = array<i32>} : memref<16384xi32, #tpu.memory_space<vmem>>, vector<16xi32>,
      %mul3A_1220 = arith.constant 16 : i32
      %mul3A_1221 = vector.broadcast %mul3A_1220 : i32 to vector<16xi32>
      %mul3A_1222 = arith.muli %get3A_1219, %mul3A_1221 : vector<16xi32>
      %add3A_1223 = arith.addi %mul3A_1222, %iota3A : vector<16xi32>
      tpu.vector_store_idx %arg5[%add3A_1223], %broadcast_in_dim3A_1 {add = true} : memref<768xf32, #tpu.memory_space<vmem>>[vector<16xi32>], vector<16xf32>,
      %scan3A_1224 = arith.constant 0 : i32
      scf.yield %scan3A_1224 : i32
    }
    %scan3A_586 = arith.constant 128 : i32
    %add3A_587 = arith.constant 0 : i32
    %add3A_588 = vector.broadcast %add3A_587 : i32 to vector<16xi32>
    %add3A_589 = arith.addi %add3A_588, %iota3A : vector<16xi32>
    %mul3A_590 = arith.constant 16 : i32
    %mul3A_591 = vector.broadcast %mul3A_590 : i32 to vector<16xi32>
    %mul3A_592 = arith.muli %add3A_589, %mul3A_591 : vector<16xi32>
    %add3A_593 = arith.constant 0 : i32
    %add3A_594 = vector.broadcast %add3A_593 : i32 to vector<16xi32>
    %add3A_595 = arith.addi %mul3A_592, %add3A_594 : vector<16xi32>
    %gather3A_596 = tpu.vector_load_idx %arg5[%add3A_595] : memref<768xf32, #tpu.memory_space<vmem>>[vector<16xi32>], vector<16xf32>,
    %add3A_597 = arith.addf %broadcast_in_dim3A_3, %gather3A_596 : vector<16xf32>
    %add3A_598 = arith.constant 0 : i32
    %add3A_599 = vector.broadcast %add3A_598 : i32 to vector<16xi32>
    %add3A_600 = arith.addi %add3A_599, %iota3A : vector<16xi32>
    %mul3A_601 = arith.constant 16 : i32
    %mul3A_602 = vector.broadcast %mul3A_601 : i32 to vector<16xi32>
    %mul3A_603 = arith.muli %add3A_600, %mul3A_602 : vector<16xi32>
    %add3A_604 = arith.constant 1 : i32
    %add3A_605 = vector.broadcast %add3A_604 : i32 to vector<16xi32>
    %add3A_606 = arith.addi %mul3A_603, %add3A_605 : vector<16xi32>
    %gather3A_607 = tpu.vector_load_idx %arg5[%add3A_606] : memref<768xf32, #tpu.memory_space<vmem>>[vector<16xi32>], vector<16xf32>,
    %add3A_608 = arith.addf %add3A_597, %gather3A_607 : vector<16xf32>
    %add3A_609 = arith.constant 0 : i32
    %add3A_610 = vector.broadcast %add3A_609 : i32 to vector<16xi32>
    %add3A_611 = arith.addi %add3A_610, %iota3A : vector<16xi32>
    %mul3A_612 = arith.constant 16 : i32
    %mul3A_613 = vector.broadcast %mul3A_612 : i32 to vector<16xi32>
    %mul3A_614 = arith.muli %add3A_611, %mul3A_613 : vector<16xi32>
    %add3A_615 = arith.constant 2 : i32
    %add3A_616 = vector.broadcast %add3A_615 : i32 to vector<16xi32>
    %add3A_617 = arith.addi %mul3A_614, %add3A_616 : vector<16xi32>
    %gather3A_618 = tpu.vector_load_idx %arg5[%add3A_617] : memref<768xf32, #tpu.memory_space<vmem>>[vector<16xi32>], vector<16xf32>,
    %add3A_619 = arith.addf %add3A_608, %gather3A_618 : vector<16xf32>
    %add3A_620 = arith.constant 0 : i32
    %add3A_621 = vector.broadcast %add3A_620 : i32 to vector<16xi32>
    %add3A_622 = arith.addi %add3A_621, %iota3A : vector<16xi32>
    %mul3A_623 = arith.constant 16 : i32
    %mul3A_624 = vector.broadcast %mul3A_623 : i32 to vector<16xi32>
    %mul3A_625 = arith.muli %add3A_622, %mul3A_624 : vector<16xi32>
    %add3A_626 = arith.constant 3 : i32
    %add3A_627 = vector.broadcast %add3A_626 : i32 to vector<16xi32>
    %add3A_628 = arith.addi %mul3A_625, %add3A_627 : vector<16xi32>
    %gather3A_629 = tpu.vector_load_idx %arg5[%add3A_628] : memref<768xf32, #tpu.memory_space<vmem>>[vector<16xi32>], vector<16xf32>,
    %add3A_630 = arith.addf %add3A_619, %gather3A_629 : vector<16xf32>
    %add3A_631 = arith.constant 0 : i32
    %add3A_632 = vector.broadcast %add3A_631 : i32 to vector<16xi32>
    %add3A_633 = arith.addi %add3A_632, %iota3A : vector<16xi32>
    %mul3A_634 = arith.constant 16 : i32
    %mul3A_635 = vector.broadcast %mul3A_634 : i32 to vector<16xi32>
    %mul3A_636 = arith.muli %add3A_633, %mul3A_635 : vector<16xi32>
    %add3A_637 = arith.constant 4 : i32
    %add3A_638 = vector.broadcast %add3A_637 : i32 to vector<16xi32>
    %add3A_639 = arith.addi %mul3A_636, %add3A_638 : vector<16xi32>
    %gather3A_640 = tpu.vector_load_idx %arg5[%add3A_639] : memref<768xf32, #tpu.memory_space<vmem>>[vector<16xi32>], vector<16xf32>,
    %add3A_641 = arith.addf %add3A_630, %gather3A_640 : vector<16xf32>
    %add3A_642 = arith.constant 0 : i32
    %add3A_643 = vector.broadcast %add3A_642 : i32 to vector<16xi32>
    %add3A_644 = arith.addi %add3A_643, %iota3A : vector<16xi32>
    %mul3A_645 = arith.constant 16 : i32
    %mul3A_646 = vector.broadcast %mul3A_645 : i32 to vector<16xi32>
    %mul3A_647 = arith.muli %add3A_644, %mul3A_646 : vector<16xi32>
    %add3A_648 = arith.constant 5 : i32
    %add3A_649 = vector.broadcast %add3A_648 : i32 to vector<16xi32>
    %add3A_650 = arith.addi %mul3A_647, %add3A_649 : vector<16xi32>
    %gather3A_651 = tpu.vector_load_idx %arg5[%add3A_650] : memref<768xf32, #tpu.memory_space<vmem>>[vector<16xi32>], vector<16xf32>,
    %add3A_652 = arith.addf %add3A_641, %gather3A_651 : vector<16xf32>
    %add3A_653 = arith.constant 0 : i32
    %add3A_654 = vector.broadcast %add3A_653 : i32 to vector<16xi32>
    %add3A_655 = arith.addi %add3A_654, %iota3A : vector<16xi32>
    %mul3A_656 = arith.constant 16 : i32
    %mul3A_657 = vector.broadcast %mul3A_656 : i32 to vector<16xi32>
    %mul3A_658 = arith.muli %add3A_655, %mul3A_657 : vector<16xi32>
    %add3A_659 = arith.constant 6 : i32
    %add3A_660 = vector.broadcast %add3A_659 : i32 to vector<16xi32>
    %add3A_661 = arith.addi %mul3A_658, %add3A_660 : vector<16xi32>
    %gather3A_662 = tpu.vector_load_idx %arg5[%add3A_661] : memref<768xf32, #tpu.memory_space<vmem>>[vector<16xi32>], vector<16xf32>,
    %add3A_663 = arith.addf %add3A_652, %gather3A_662 : vector<16xf32>
    %add3A_664 = arith.constant 0 : i32
    %add3A_665 = vector.broadcast %add3A_664 : i32 to vector<16xi32>
    %add3A_666 = arith.addi %add3A_665, %iota3A : vector<16xi32>
    %mul3A_667 = arith.constant 16 : i32
    %mul3A_668 = vector.broadcast %mul3A_667 : i32 to vector<16xi32>
    %mul3A_669 = arith.muli %add3A_666, %mul3A_668 : vector<16xi32>
    %add3A_670 = arith.constant 7 : i32
    %add3A_671 = vector.broadcast %add3A_670 : i32 to vector<16xi32>
    %add3A_672 = arith.addi %mul3A_669, %add3A_671 : vector<16xi32>
    %gather3A_673 = tpu.vector_load_idx %arg5[%add3A_672] : memref<768xf32, #tpu.memory_space<vmem>>[vector<16xi32>], vector<16xf32>,
    %add3A_674 = arith.addf %add3A_663, %gather3A_673 : vector<16xf32>
    %add3A_675 = arith.constant 0 : i32
    %add3A_676 = vector.broadcast %add3A_675 : i32 to vector<16xi32>
    %add3A_677 = arith.addi %add3A_676, %iota3A : vector<16xi32>
    %mul3A_678 = arith.constant 16 : i32
    %mul3A_679 = vector.broadcast %mul3A_678 : i32 to vector<16xi32>
    %mul3A_680 = arith.muli %add3A_677, %mul3A_679 : vector<16xi32>
    %add3A_681 = arith.constant 8 : i32
    %add3A_682 = vector.broadcast %add3A_681 : i32 to vector<16xi32>
    %add3A_683 = arith.addi %mul3A_680, %add3A_682 : vector<16xi32>
    %gather3A_684 = tpu.vector_load_idx %arg5[%add3A_683] : memref<768xf32, #tpu.memory_space<vmem>>[vector<16xi32>], vector<16xf32>,
    %add3A_685 = arith.addf %add3A_674, %gather3A_684 : vector<16xf32>
    %add3A_686 = arith.constant 0 : i32
    %add3A_687 = vector.broadcast %add3A_686 : i32 to vector<16xi32>
    %add3A_688 = arith.addi %add3A_687, %iota3A : vector<16xi32>
    %mul3A_689 = arith.constant 16 : i32
    %mul3A_690 = vector.broadcast %mul3A_689 : i32 to vector<16xi32>
    %mul3A_691 = arith.muli %add3A_688, %mul3A_690 : vector<16xi32>
    %add3A_692 = arith.constant 9 : i32
    %add3A_693 = vector.broadcast %add3A_692 : i32 to vector<16xi32>
    %add3A_694 = arith.addi %mul3A_691, %add3A_693 : vector<16xi32>
    %gather3A_695 = tpu.vector_load_idx %arg5[%add3A_694] : memref<768xf32, #tpu.memory_space<vmem>>[vector<16xi32>], vector<16xf32>,
    %add3A_696 = arith.addf %add3A_685, %gather3A_695 : vector<16xf32>
    %add3A_697 = arith.constant 0 : i32
    %add3A_698 = vector.broadcast %add3A_697 : i32 to vector<16xi32>
    %add3A_699 = arith.addi %add3A_698, %iota3A : vector<16xi32>
    %mul3A_700 = arith.constant 16 : i32
    %mul3A_701 = vector.broadcast %mul3A_700 : i32 to vector<16xi32>
    %mul3A_702 = arith.muli %add3A_699, %mul3A_701 : vector<16xi32>
    %add3A_703 = arith.constant 10 : i32
    %add3A_704 = vector.broadcast %add3A_703 : i32 to vector<16xi32>
    %add3A_705 = arith.addi %mul3A_702, %add3A_704 : vector<16xi32>
    %gather3A_706 = tpu.vector_load_idx %arg5[%add3A_705] : memref<768xf32, #tpu.memory_space<vmem>>[vector<16xi32>], vector<16xf32>,
    %add3A_707 = arith.addf %add3A_696, %gather3A_706 : vector<16xf32>
    %add3A_708 = arith.constant 0 : i32
    %add3A_709 = vector.broadcast %add3A_708 : i32 to vector<16xi32>
    %add3A_710 = arith.addi %add3A_709, %iota3A : vector<16xi32>
    %mul3A_711 = arith.constant 16 : i32
    %mul3A_712 = vector.broadcast %mul3A_711 : i32 to vector<16xi32>
    %mul3A_713 = arith.muli %add3A_710, %mul3A_712 : vector<16xi32>
    %add3A_714 = arith.constant 11 : i32
    %add3A_715 = vector.broadcast %add3A_714 : i32 to vector<16xi32>
    %add3A_716 = arith.addi %mul3A_713, %add3A_715 : vector<16xi32>
    %gather3A_717 = tpu.vector_load_idx %arg5[%add3A_716] : memref<768xf32, #tpu.memory_space<vmem>>[vector<16xi32>], vector<16xf32>,
    %add3A_718 = arith.addf %add3A_707, %gather3A_717 : vector<16xf32>
    %add3A_719 = arith.constant 0 : i32
    %add3A_720 = vector.broadcast %add3A_719 : i32 to vector<16xi32>
    %add3A_721 = arith.addi %add3A_720, %iota3A : vector<16xi32>
    %mul3A_722 = arith.constant 16 : i32
    %mul3A_723 = vector.broadcast %mul3A_722 : i32 to vector<16xi32>
    %mul3A_724 = arith.muli %add3A_721, %mul3A_723 : vector<16xi32>
    %add3A_725 = arith.constant 12 : i32
    %add3A_726 = vector.broadcast %add3A_725 : i32 to vector<16xi32>
    %add3A_727 = arith.addi %mul3A_724, %add3A_726 : vector<16xi32>
    %gather3A_728 = tpu.vector_load_idx %arg5[%add3A_727] : memref<768xf32, #tpu.memory_space<vmem>>[vector<16xi32>], vector<16xf32>,
    %add3A_729 = arith.addf %add3A_718, %gather3A_728 : vector<16xf32>
    %add3A_730 = arith.constant 0 : i32
    %add3A_731 = vector.broadcast %add3A_730 : i32 to vector<16xi32>
    %add3A_732 = arith.addi %add3A_731, %iota3A : vector<16xi32>
    %mul3A_733 = arith.constant 16 : i32
    %mul3A_734 = vector.broadcast %mul3A_733 : i32 to vector<16xi32>
    %mul3A_735 = arith.muli %add3A_732, %mul3A_734 : vector<16xi32>
    %add3A_736 = arith.constant 13 : i32
    %add3A_737 = vector.broadcast %add3A_736 : i32 to vector<16xi32>
    %add3A_738 = arith.addi %mul3A_735, %add3A_737 : vector<16xi32>
    %gather3A_739 = tpu.vector_load_idx %arg5[%add3A_738] : memref<768xf32, #tpu.memory_space<vmem>>[vector<16xi32>], vector<16xf32>,
    %add3A_740 = arith.addf %add3A_729, %gather3A_739 : vector<16xf32>
    %add3A_741 = arith.constant 0 : i32
    %add3A_742 = vector.broadcast %add3A_741 : i32 to vector<16xi32>
    %add3A_743 = arith.addi %add3A_742, %iota3A : vector<16xi32>
    %mul3A_744 = arith.constant 16 : i32
    %mul3A_745 = vector.broadcast %mul3A_744 : i32 to vector<16xi32>
    %mul3A_746 = arith.muli %add3A_743, %mul3A_745 : vector<16xi32>
    %add3A_747 = arith.constant 14 : i32
    %add3A_748 = vector.broadcast %add3A_747 : i32 to vector<16xi32>
    %add3A_749 = arith.addi %mul3A_746, %add3A_748 : vector<16xi32>
    %gather3A_750 = tpu.vector_load_idx %arg5[%add3A_749] : memref<768xf32, #tpu.memory_space<vmem>>[vector<16xi32>], vector<16xf32>,
    %add3A_751 = arith.addf %add3A_740, %gather3A_750 : vector<16xf32>
    %add3A_752 = arith.constant 0 : i32
    %add3A_753 = vector.broadcast %add3A_752 : i32 to vector<16xi32>
    %add3A_754 = arith.addi %add3A_753, %iota3A : vector<16xi32>
    %mul3A_755 = arith.constant 16 : i32
    %mul3A_756 = vector.broadcast %mul3A_755 : i32 to vector<16xi32>
    %mul3A_757 = arith.muli %add3A_754, %mul3A_756 : vector<16xi32>
    %add3A_758 = arith.constant 15 : i32
    %add3A_759 = vector.broadcast %add3A_758 : i32 to vector<16xi32>
    %add3A_760 = arith.addi %mul3A_757, %add3A_759 : vector<16xi32>
    %gather3A_761 = tpu.vector_load_idx %arg5[%add3A_760] : memref<768xf32, #tpu.memory_space<vmem>>[vector<16xi32>], vector<16xf32>,
    %add3A_762 = arith.addf %add3A_751, %gather3A_761 : vector<16xf32>
    %add3A_763 = arith.constant 16 : i32
    %add3A_764 = vector.broadcast %add3A_763 : i32 to vector<16xi32>
    %add3A_765 = arith.addi %add3A_764, %iota3A : vector<16xi32>
    %mul3A_766 = arith.constant 16 : i32
    %mul3A_767 = vector.broadcast %mul3A_766 : i32 to vector<16xi32>
    %mul3A_768 = arith.muli %add3A_765, %mul3A_767 : vector<16xi32>
    %add3A_769 = arith.constant 0 : i32
    %add3A_770 = vector.broadcast %add3A_769 : i32 to vector<16xi32>
    %add3A_771 = arith.addi %mul3A_768, %add3A_770 : vector<16xi32>
    %gather3A_772 = tpu.vector_load_idx %arg5[%add3A_771] : memref<768xf32, #tpu.memory_space<vmem>>[vector<16xi32>], vector<16xf32>,
    %add3A_773 = arith.addf %broadcast_in_dim3A_3, %gather3A_772 : vector<16xf32>
    %add3A_774 = arith.constant 16 : i32
    %add3A_775 = vector.broadcast %add3A_774 : i32 to vector<16xi32>
    %add3A_776 = arith.addi %add3A_775, %iota3A : vector<16xi32>
    %mul3A_777 = arith.constant 16 : i32
    %mul3A_778 = vector.broadcast %mul3A_777 : i32 to vector<16xi32>
    %mul3A_779 = arith.muli %add3A_776, %mul3A_778 : vector<16xi32>
    %add3A_780 = arith.constant 1 : i32
    %add3A_781 = vector.broadcast %add3A_780 : i32 to vector<16xi32>
    %add3A_782 = arith.addi %mul3A_779, %add3A_781 : vector<16xi32>
    %gather3A_783 = tpu.vector_load_idx %arg5[%add3A_782] : memref<768xf32, #tpu.memory_space<vmem>>[vector<16xi32>], vector<16xf32>,
    %add3A_784 = arith.addf %add3A_773, %gather3A_783 : vector<16xf32>
    %add3A_785 = arith.constant 16 : i32
    %add3A_786 = vector.broadcast %add3A_785 : i32 to vector<16xi32>
    %add3A_787 = arith.addi %add3A_786, %iota3A : vector<16xi32>
    %mul3A_788 = arith.constant 16 : i32
    %mul3A_789 = vector.broadcast %mul3A_788 : i32 to vector<16xi32>
    %mul3A_790 = arith.muli %add3A_787, %mul3A_789 : vector<16xi32>
    %add3A_791 = arith.constant 2 : i32
    %add3A_792 = vector.broadcast %add3A_791 : i32 to vector<16xi32>
    %add3A_793 = arith.addi %mul3A_790, %add3A_792 : vector<16xi32>
    %gather3A_794 = tpu.vector_load_idx %arg5[%add3A_793] : memref<768xf32, #tpu.memory_space<vmem>>[vector<16xi32>], vector<16xf32>,
    %add3A_795 = arith.addf %add3A_784, %gather3A_794 : vector<16xf32>
    %add3A_796 = arith.constant 16 : i32
    %add3A_797 = vector.broadcast %add3A_796 : i32 to vector<16xi32>
    %add3A_798 = arith.addi %add3A_797, %iota3A : vector<16xi32>
    %mul3A_799 = arith.constant 16 : i32
    %mul3A_800 = vector.broadcast %mul3A_799 : i32 to vector<16xi32>
    %mul3A_801 = arith.muli %add3A_798, %mul3A_800 : vector<16xi32>
    %add3A_802 = arith.constant 3 : i32
    %add3A_803 = vector.broadcast %add3A_802 : i32 to vector<16xi32>
    %add3A_804 = arith.addi %mul3A_801, %add3A_803 : vector<16xi32>
    %gather3A_805 = tpu.vector_load_idx %arg5[%add3A_804] : memref<768xf32, #tpu.memory_space<vmem>>[vector<16xi32>], vector<16xf32>,
    %add3A_806 = arith.addf %add3A_795, %gather3A_805 : vector<16xf32>
    %add3A_807 = arith.constant 16 : i32
    %add3A_808 = vector.broadcast %add3A_807 : i32 to vector<16xi32>
    %add3A_809 = arith.addi %add3A_808, %iota3A : vector<16xi32>
    %mul3A_810 = arith.constant 16 : i32
    %mul3A_811 = vector.broadcast %mul3A_810 : i32 to vector<16xi32>
    %mul3A_812 = arith.muli %add3A_809, %mul3A_811 : vector<16xi32>
    %add3A_813 = arith.constant 4 : i32
    %add3A_814 = vector.broadcast %add3A_813 : i32 to vector<16xi32>
    %add3A_815 = arith.addi %mul3A_812, %add3A_814 : vector<16xi32>
    %gather3A_816 = tpu.vector_load_idx %arg5[%add3A_815] : memref<768xf32, #tpu.memory_space<vmem>>[vector<16xi32>], vector<16xf32>,
    %add3A_817 = arith.addf %add3A_806, %gather3A_816 : vector<16xf32>
    %add3A_818 = arith.constant 16 : i32
    %add3A_819 = vector.broadcast %add3A_818 : i32 to vector<16xi32>
    %add3A_820 = arith.addi %add3A_819, %iota3A : vector<16xi32>
    %mul3A_821 = arith.constant 16 : i32
    %mul3A_822 = vector.broadcast %mul3A_821 : i32 to vector<16xi32>
    %mul3A_823 = arith.muli %add3A_820, %mul3A_822 : vector<16xi32>
    %add3A_824 = arith.constant 5 : i32
    %add3A_825 = vector.broadcast %add3A_824 : i32 to vector<16xi32>
    %add3A_826 = arith.addi %mul3A_823, %add3A_825 : vector<16xi32>
    %gather3A_827 = tpu.vector_load_idx %arg5[%add3A_826] : memref<768xf32, #tpu.memory_space<vmem>>[vector<16xi32>], vector<16xf32>,
    %add3A_828 = arith.addf %add3A_817, %gather3A_827 : vector<16xf32>
    %add3A_829 = arith.constant 16 : i32
    %add3A_830 = vector.broadcast %add3A_829 : i32 to vector<16xi32>
    %add3A_831 = arith.addi %add3A_830, %iota3A : vector<16xi32>
    %mul3A_832 = arith.constant 16 : i32
    %mul3A_833 = vector.broadcast %mul3A_832 : i32 to vector<16xi32>
    %mul3A_834 = arith.muli %add3A_831, %mul3A_833 : vector<16xi32>
    %add3A_835 = arith.constant 6 : i32
    %add3A_836 = vector.broadcast %add3A_835 : i32 to vector<16xi32>
    %add3A_837 = arith.addi %mul3A_834, %add3A_836 : vector<16xi32>
    %gather3A_838 = tpu.vector_load_idx %arg5[%add3A_837] : memref<768xf32, #tpu.memory_space<vmem>>[vector<16xi32>], vector<16xf32>,
    %add3A_839 = arith.addf %add3A_828, %gather3A_838 : vector<16xf32>
    %add3A_840 = arith.constant 16 : i32
    %add3A_841 = vector.broadcast %add3A_840 : i32 to vector<16xi32>
    %add3A_842 = arith.addi %add3A_841, %iota3A : vector<16xi32>
    %mul3A_843 = arith.constant 16 : i32
    %mul3A_844 = vector.broadcast %mul3A_843 : i32 to vector<16xi32>
    %mul3A_845 = arith.muli %add3A_842, %mul3A_844 : vector<16xi32>
    %add3A_846 = arith.constant 7 : i32
    %add3A_847 = vector.broadcast %add3A_846 : i32 to vector<16xi32>
    %add3A_848 = arith.addi %mul3A_845, %add3A_847 : vector<16xi32>
    %gather3A_849 = tpu.vector_load_idx %arg5[%add3A_848] : memref<768xf32, #tpu.memory_space<vmem>>[vector<16xi32>], vector<16xf32>,
    %add3A_850 = arith.addf %add3A_839, %gather3A_849 : vector<16xf32>
    %add3A_851 = arith.constant 16 : i32
    %add3A_852 = vector.broadcast %add3A_851 : i32 to vector<16xi32>
    %add3A_853 = arith.addi %add3A_852, %iota3A : vector<16xi32>
    %mul3A_854 = arith.constant 16 : i32
    %mul3A_855 = vector.broadcast %mul3A_854 : i32 to vector<16xi32>
    %mul3A_856 = arith.muli %add3A_853, %mul3A_855 : vector<16xi32>
    %add3A_857 = arith.constant 8 : i32
    %add3A_858 = vector.broadcast %add3A_857 : i32 to vector<16xi32>
    %add3A_859 = arith.addi %mul3A_856, %add3A_858 : vector<16xi32>
    %gather3A_860 = tpu.vector_load_idx %arg5[%add3A_859] : memref<768xf32, #tpu.memory_space<vmem>>[vector<16xi32>], vector<16xf32>,
    %add3A_861 = arith.addf %add3A_850, %gather3A_860 : vector<16xf32>
    %add3A_862 = arith.constant 16 : i32
    %add3A_863 = vector.broadcast %add3A_862 : i32 to vector<16xi32>
    %add3A_864 = arith.addi %add3A_863, %iota3A : vector<16xi32>
    %mul3A_865 = arith.constant 16 : i32
    %mul3A_866 = vector.broadcast %mul3A_865 : i32 to vector<16xi32>
    %mul3A_867 = arith.muli %add3A_864, %mul3A_866 : vector<16xi32>
    %add3A_868 = arith.constant 9 : i32
    %add3A_869 = vector.broadcast %add3A_868 : i32 to vector<16xi32>
    %add3A_870 = arith.addi %mul3A_867, %add3A_869 : vector<16xi32>
    %gather3A_871 = tpu.vector_load_idx %arg5[%add3A_870] : memref<768xf32, #tpu.memory_space<vmem>>[vector<16xi32>], vector<16xf32>,
    %add3A_872 = arith.addf %add3A_861, %gather3A_871 : vector<16xf32>
    %add3A_873 = arith.constant 16 : i32
    %add3A_874 = vector.broadcast %add3A_873 : i32 to vector<16xi32>
    %add3A_875 = arith.addi %add3A_874, %iota3A : vector<16xi32>
    %mul3A_876 = arith.constant 16 : i32
    %mul3A_877 = vector.broadcast %mul3A_876 : i32 to vector<16xi32>
    %mul3A_878 = arith.muli %add3A_875, %mul3A_877 : vector<16xi32>
    %add3A_879 = arith.constant 10 : i32
    %add3A_880 = vector.broadcast %add3A_879 : i32 to vector<16xi32>
    %add3A_881 = arith.addi %mul3A_878, %add3A_880 : vector<16xi32>
    %gather3A_882 = tpu.vector_load_idx %arg5[%add3A_881] : memref<768xf32, #tpu.memory_space<vmem>>[vector<16xi32>], vector<16xf32>,
    %add3A_883 = arith.addf %add3A_872, %gather3A_882 : vector<16xf32>
    %add3A_884 = arith.constant 16 : i32
    %add3A_885 = vector.broadcast %add3A_884 : i32 to vector<16xi32>
    %add3A_886 = arith.addi %add3A_885, %iota3A : vector<16xi32>
    %mul3A_887 = arith.constant 16 : i32
    %mul3A_888 = vector.broadcast %mul3A_887 : i32 to vector<16xi32>
    %mul3A_889 = arith.muli %add3A_886, %mul3A_888 : vector<16xi32>
    %add3A_890 = arith.constant 11 : i32
    %add3A_891 = vector.broadcast %add3A_890 : i32 to vector<16xi32>
    %add3A_892 = arith.addi %mul3A_889, %add3A_891 : vector<16xi32>
    %gather3A_893 = tpu.vector_load_idx %arg5[%add3A_892] : memref<768xf32, #tpu.memory_space<vmem>>[vector<16xi32>], vector<16xf32>,
    %add3A_894 = arith.addf %add3A_883, %gather3A_893 : vector<16xf32>
    %add3A_895 = arith.constant 16 : i32
    %add3A_896 = vector.broadcast %add3A_895 : i32 to vector<16xi32>
    %add3A_897 = arith.addi %add3A_896, %iota3A : vector<16xi32>
    %mul3A_898 = arith.constant 16 : i32
    %mul3A_899 = vector.broadcast %mul3A_898 : i32 to vector<16xi32>
    %mul3A_900 = arith.muli %add3A_897, %mul3A_899 : vector<16xi32>
    %add3A_901 = arith.constant 12 : i32
    %add3A_902 = vector.broadcast %add3A_901 : i32 to vector<16xi32>
    %add3A_903 = arith.addi %mul3A_900, %add3A_902 : vector<16xi32>
    %gather3A_904 = tpu.vector_load_idx %arg5[%add3A_903] : memref<768xf32, #tpu.memory_space<vmem>>[vector<16xi32>], vector<16xf32>,
    %add3A_905 = arith.addf %add3A_894, %gather3A_904 : vector<16xf32>
    %add3A_906 = arith.constant 16 : i32
    %add3A_907 = vector.broadcast %add3A_906 : i32 to vector<16xi32>
    %add3A_908 = arith.addi %add3A_907, %iota3A : vector<16xi32>
    %mul3A_909 = arith.constant 16 : i32
    %mul3A_910 = vector.broadcast %mul3A_909 : i32 to vector<16xi32>
    %mul3A_911 = arith.muli %add3A_908, %mul3A_910 : vector<16xi32>
    %add3A_912 = arith.constant 13 : i32
    %add3A_913 = vector.broadcast %add3A_912 : i32 to vector<16xi32>
    %add3A_914 = arith.addi %mul3A_911, %add3A_913 : vector<16xi32>
    %gather3A_915 = tpu.vector_load_idx %arg5[%add3A_914] : memref<768xf32, #tpu.memory_space<vmem>>[vector<16xi32>], vector<16xf32>,
    %add3A_916 = arith.addf %add3A_905, %gather3A_915 : vector<16xf32>
    %add3A_917 = arith.constant 16 : i32
    %add3A_918 = vector.broadcast %add3A_917 : i32 to vector<16xi32>
    %add3A_919 = arith.addi %add3A_918, %iota3A : vector<16xi32>
    %mul3A_920 = arith.constant 16 : i32
    %mul3A_921 = vector.broadcast %mul3A_920 : i32 to vector<16xi32>
    %mul3A_922 = arith.muli %add3A_919, %mul3A_921 : vector<16xi32>
    %add3A_923 = arith.constant 14 : i32
    %add3A_924 = vector.broadcast %add3A_923 : i32 to vector<16xi32>
    %add3A_925 = arith.addi %mul3A_922, %add3A_924 : vector<16xi32>
    %gather3A_926 = tpu.vector_load_idx %arg5[%add3A_925] : memref<768xf32, #tpu.memory_space<vmem>>[vector<16xi32>], vector<16xf32>,
    %add3A_927 = arith.addf %add3A_916, %gather3A_926 : vector<16xf32>
    %add3A_928 = arith.constant 16 : i32
    %add3A_929 = vector.broadcast %add3A_928 : i32 to vector<16xi32>
    %add3A_930 = arith.addi %add3A_929, %iota3A : vector<16xi32>
    %mul3A_931 = arith.constant 16 : i32
    %mul3A_932 = vector.broadcast %mul3A_931 : i32 to vector<16xi32>
    %mul3A_933 = arith.muli %add3A_930, %mul3A_932 : vector<16xi32>
    %add3A_934 = arith.constant 15 : i32
    %add3A_935 = vector.broadcast %add3A_934 : i32 to vector<16xi32>
    %add3A_936 = arith.addi %mul3A_933, %add3A_935 : vector<16xi32>
    %gather3A_937 = tpu.vector_load_idx %arg5[%add3A_936] : memref<768xf32, #tpu.memory_space<vmem>>[vector<16xi32>], vector<16xf32>,
    %add3A_938 = arith.addf %add3A_927, %gather3A_937 : vector<16xf32>
    %add3A_939 = arith.constant 32 : i32
    %add3A_940 = vector.broadcast %add3A_939 : i32 to vector<16xi32>
    %add3A_941 = arith.addi %add3A_940, %iota3A : vector<16xi32>
    %mul3A_942 = arith.constant 16 : i32
    %mul3A_943 = vector.broadcast %mul3A_942 : i32 to vector<16xi32>
    %mul3A_944 = arith.muli %add3A_941, %mul3A_943 : vector<16xi32>
    %add3A_945 = arith.constant 0 : i32
    %add3A_946 = vector.broadcast %add3A_945 : i32 to vector<16xi32>
    %add3A_947 = arith.addi %mul3A_944, %add3A_946 : vector<16xi32>
    %gather3A_948 = tpu.vector_load_idx %arg5[%add3A_947] : memref<768xf32, #tpu.memory_space<vmem>>[vector<16xi32>], vector<16xf32>,
    %add3A_949 = arith.addf %broadcast_in_dim3A_3, %gather3A_948 : vector<16xf32>
    %add3A_950 = arith.constant 32 : i32
    %add3A_951 = vector.broadcast %add3A_950 : i32 to vector<16xi32>
    %add3A_952 = arith.addi %add3A_951, %iota3A : vector<16xi32>
    %mul3A_953 = arith.constant 16 : i32
    %mul3A_954 = vector.broadcast %mul3A_953 : i32 to vector<16xi32>
    %mul3A_955 = arith.muli %add3A_952, %mul3A_954 : vector<16xi32>
    %add3A_956 = arith.constant 1 : i32
    %add3A_957 = vector.broadcast %add3A_956 : i32 to vector<16xi32>
    %add3A_958 = arith.addi %mul3A_955, %add3A_957 : vector<16xi32>
    %gather3A_959 = tpu.vector_load_idx %arg5[%add3A_958] : memref<768xf32, #tpu.memory_space<vmem>>[vector<16xi32>], vector<16xf32>,
    %add3A_960 = arith.addf %add3A_949, %gather3A_959 : vector<16xf32>
    %add3A_961 = arith.constant 32 : i32
    %add3A_962 = vector.broadcast %add3A_961 : i32 to vector<16xi32>
    %add3A_963 = arith.addi %add3A_962, %iota3A : vector<16xi32>
    %mul3A_964 = arith.constant 16 : i32
    %mul3A_965 = vector.broadcast %mul3A_964 : i32 to vector<16xi32>
    %mul3A_966 = arith.muli %add3A_963, %mul3A_965 : vector<16xi32>
    %add3A_967 = arith.constant 2 : i32
    %add3A_968 = vector.broadcast %add3A_967 : i32 to vector<16xi32>
    %add3A_969 = arith.addi %mul3A_966, %add3A_968 : vector<16xi32>
    %gather3A_970 = tpu.vector_load_idx %arg5[%add3A_969] : memref<768xf32, #tpu.memory_space<vmem>>[vector<16xi32>], vector<16xf32>,
    %add3A_971 = arith.addf %add3A_960, %gather3A_970 : vector<16xf32>
    %add3A_972 = arith.constant 32 : i32
    %add3A_973 = vector.broadcast %add3A_972 : i32 to vector<16xi32>
    %add3A_974 = arith.addi %add3A_973, %iota3A : vector<16xi32>
    %mul3A_975 = arith.constant 16 : i32
    %mul3A_976 = vector.broadcast %mul3A_975 : i32 to vector<16xi32>
    %mul3A_977 = arith.muli %add3A_974, %mul3A_976 : vector<16xi32>
    %add3A_978 = arith.constant 3 : i32
    %add3A_979 = vector.broadcast %add3A_978 : i32 to vector<16xi32>
    %add3A_980 = arith.addi %mul3A_977, %add3A_979 : vector<16xi32>
    %gather3A_981 = tpu.vector_load_idx %arg5[%add3A_980] : memref<768xf32, #tpu.memory_space<vmem>>[vector<16xi32>], vector<16xf32>,
    %add3A_982 = arith.addf %add3A_971, %gather3A_981 : vector<16xf32>
    %add3A_983 = arith.constant 32 : i32
    %add3A_984 = vector.broadcast %add3A_983 : i32 to vector<16xi32>
    %add3A_985 = arith.addi %add3A_984, %iota3A : vector<16xi32>
    %mul3A_986 = arith.constant 16 : i32
    %mul3A_987 = vector.broadcast %mul3A_986 : i32 to vector<16xi32>
    %mul3A_988 = arith.muli %add3A_985, %mul3A_987 : vector<16xi32>
    %add3A_989 = arith.constant 4 : i32
    %add3A_990 = vector.broadcast %add3A_989 : i32 to vector<16xi32>
    %add3A_991 = arith.addi %mul3A_988, %add3A_990 : vector<16xi32>
    %gather3A_992 = tpu.vector_load_idx %arg5[%add3A_991] : memref<768xf32, #tpu.memory_space<vmem>>[vector<16xi32>], vector<16xf32>,
    %add3A_993 = arith.addf %add3A_982, %gather3A_992 : vector<16xf32>
    %add3A_994 = arith.constant 32 : i32
    %add3A_995 = vector.broadcast %add3A_994 : i32 to vector<16xi32>
    %add3A_996 = arith.addi %add3A_995, %iota3A : vector<16xi32>
    %mul3A_997 = arith.constant 16 : i32
    %mul3A_998 = vector.broadcast %mul3A_997 : i32 to vector<16xi32>
    %mul3A_999 = arith.muli %add3A_996, %mul3A_998 : vector<16xi32>
    %add3A_1000 = arith.constant 5 : i32
    %add3A_1001 = vector.broadcast %add3A_1000 : i32 to vector<16xi32>
    %add3A_1002 = arith.addi %mul3A_999, %add3A_1001 : vector<16xi32>
    %gather3A_1003 = tpu.vector_load_idx %arg5[%add3A_1002] : memref<768xf32, #tpu.memory_space<vmem>>[vector<16xi32>], vector<16xf32>,
    %add3A_1004 = arith.addf %add3A_993, %gather3A_1003 : vector<16xf32>
    %add3A_1005 = arith.constant 32 : i32
    %add3A_1006 = vector.broadcast %add3A_1005 : i32 to vector<16xi32>
    %add3A_1007 = arith.addi %add3A_1006, %iota3A : vector<16xi32>
    %mul3A_1008 = arith.constant 16 : i32
    %mul3A_1009 = vector.broadcast %mul3A_1008 : i32 to vector<16xi32>
    %mul3A_1010 = arith.muli %add3A_1007, %mul3A_1009 : vector<16xi32>
    %add3A_1011 = arith.constant 6 : i32
    %add3A_1012 = vector.broadcast %add3A_1011 : i32 to vector<16xi32>
    %add3A_1013 = arith.addi %mul3A_1010, %add3A_1012 : vector<16xi32>
    %gather3A_1014 = tpu.vector_load_idx %arg5[%add3A_1013] : memref<768xf32, #tpu.memory_space<vmem>>[vector<16xi32>], vector<16xf32>,
    %add3A_1015 = arith.addf %add3A_1004, %gather3A_1014 : vector<16xf32>
    %add3A_1016 = arith.constant 32 : i32
    %add3A_1017 = vector.broadcast %add3A_1016 : i32 to vector<16xi32>
    %add3A_1018 = arith.addi %add3A_1017, %iota3A : vector<16xi32>
    %mul3A_1019 = arith.constant 16 : i32
    %mul3A_1020 = vector.broadcast %mul3A_1019 : i32 to vector<16xi32>
    %mul3A_1021 = arith.muli %add3A_1018, %mul3A_1020 : vector<16xi32>
    %add3A_1022 = arith.constant 7 : i32
    %add3A_1023 = vector.broadcast %add3A_1022 : i32 to vector<16xi32>
    %add3A_1024 = arith.addi %mul3A_1021, %add3A_1023 : vector<16xi32>
    %gather3A_1025 = tpu.vector_load_idx %arg5[%add3A_1024] : memref<768xf32, #tpu.memory_space<vmem>>[vector<16xi32>], vector<16xf32>,
    %add3A_1026 = arith.addf %add3A_1015, %gather3A_1025 : vector<16xf32>
    %add3A_1027 = arith.constant 32 : i32
    %add3A_1028 = vector.broadcast %add3A_1027 : i32 to vector<16xi32>
    %add3A_1029 = arith.addi %add3A_1028, %iota3A : vector<16xi32>
    %mul3A_1030 = arith.constant 16 : i32
    %mul3A_1031 = vector.broadcast %mul3A_1030 : i32 to vector<16xi32>
    %mul3A_1032 = arith.muli %add3A_1029, %mul3A_1031 : vector<16xi32>
    %add3A_1033 = arith.constant 8 : i32
    %add3A_1034 = vector.broadcast %add3A_1033 : i32 to vector<16xi32>
    %add3A_1035 = arith.addi %mul3A_1032, %add3A_1034 : vector<16xi32>
    %gather3A_1036 = tpu.vector_load_idx %arg5[%add3A_1035] : memref<768xf32, #tpu.memory_space<vmem>>[vector<16xi32>], vector<16xf32>,
    %add3A_1037 = arith.addf %add3A_1026, %gather3A_1036 : vector<16xf32>
    %add3A_1038 = arith.constant 32 : i32
    %add3A_1039 = vector.broadcast %add3A_1038 : i32 to vector<16xi32>
    %add3A_1040 = arith.addi %add3A_1039, %iota3A : vector<16xi32>
    %mul3A_1041 = arith.constant 16 : i32
    %mul3A_1042 = vector.broadcast %mul3A_1041 : i32 to vector<16xi32>
    %mul3A_1043 = arith.muli %add3A_1040, %mul3A_1042 : vector<16xi32>
    %add3A_1044 = arith.constant 9 : i32
    %add3A_1045 = vector.broadcast %add3A_1044 : i32 to vector<16xi32>
    %add3A_1046 = arith.addi %mul3A_1043, %add3A_1045 : vector<16xi32>
    %gather3A_1047 = tpu.vector_load_idx %arg5[%add3A_1046] : memref<768xf32, #tpu.memory_space<vmem>>[vector<16xi32>], vector<16xf32>,
    %add3A_1048 = arith.addf %add3A_1037, %gather3A_1047 : vector<16xf32>
    %add3A_1049 = arith.constant 32 : i32
    %add3A_1050 = vector.broadcast %add3A_1049 : i32 to vector<16xi32>
    %add3A_1051 = arith.addi %add3A_1050, %iota3A : vector<16xi32>
    %mul3A_1052 = arith.constant 16 : i32
    %mul3A_1053 = vector.broadcast %mul3A_1052 : i32 to vector<16xi32>
    %mul3A_1054 = arith.muli %add3A_1051, %mul3A_1053 : vector<16xi32>
    %add3A_1055 = arith.constant 10 : i32
    %add3A_1056 = vector.broadcast %add3A_1055 : i32 to vector<16xi32>
    %add3A_1057 = arith.addi %mul3A_1054, %add3A_1056 : vector<16xi32>
    %gather3A_1058 = tpu.vector_load_idx %arg5[%add3A_1057] : memref<768xf32, #tpu.memory_space<vmem>>[vector<16xi32>], vector<16xf32>,
    %add3A_1059 = arith.addf %add3A_1048, %gather3A_1058 : vector<16xf32>
    %add3A_1060 = arith.constant 32 : i32
    %add3A_1061 = vector.broadcast %add3A_1060 : i32 to vector<16xi32>
    %add3A_1062 = arith.addi %add3A_1061, %iota3A : vector<16xi32>
    %mul3A_1063 = arith.constant 16 : i32
    %mul3A_1064 = vector.broadcast %mul3A_1063 : i32 to vector<16xi32>
    %mul3A_1065 = arith.muli %add3A_1062, %mul3A_1064 : vector<16xi32>
    %add3A_1066 = arith.constant 11 : i32
    %add3A_1067 = vector.broadcast %add3A_1066 : i32 to vector<16xi32>
    %add3A_1068 = arith.addi %mul3A_1065, %add3A_1067 : vector<16xi32>
    %gather3A_1069 = tpu.vector_load_idx %arg5[%add3A_1068] : memref<768xf32, #tpu.memory_space<vmem>>[vector<16xi32>], vector<16xf32>,
    %add3A_1070 = arith.addf %add3A_1059, %gather3A_1069 : vector<16xf32>
    %add3A_1071 = arith.constant 32 : i32
    %add3A_1072 = vector.broadcast %add3A_1071 : i32 to vector<16xi32>
    %add3A_1073 = arith.addi %add3A_1072, %iota3A : vector<16xi32>
    %mul3A_1074 = arith.constant 16 : i32
    %mul3A_1075 = vector.broadcast %mul3A_1074 : i32 to vector<16xi32>
    %mul3A_1076 = arith.muli %add3A_1073, %mul3A_1075 : vector<16xi32>
    %add3A_1077 = arith.constant 12 : i32
    %add3A_1078 = vector.broadcast %add3A_1077 : i32 to vector<16xi32>
    %add3A_1079 = arith.addi %mul3A_1076, %add3A_1078 : vector<16xi32>
    %gather3A_1080 = tpu.vector_load_idx %arg5[%add3A_1079] : memref<768xf32, #tpu.memory_space<vmem>>[vector<16xi32>], vector<16xf32>,
    %add3A_1081 = arith.addf %add3A_1070, %gather3A_1080 : vector<16xf32>
    %add3A_1082 = arith.constant 32 : i32
    %add3A_1083 = vector.broadcast %add3A_1082 : i32 to vector<16xi32>
    %add3A_1084 = arith.addi %add3A_1083, %iota3A : vector<16xi32>
    %mul3A_1085 = arith.constant 16 : i32
    %mul3A_1086 = vector.broadcast %mul3A_1085 : i32 to vector<16xi32>
    %mul3A_1087 = arith.muli %add3A_1084, %mul3A_1086 : vector<16xi32>
    %add3A_1088 = arith.constant 13 : i32
    %add3A_1089 = vector.broadcast %add3A_1088 : i32 to vector<16xi32>
    %add3A_1090 = arith.addi %mul3A_1087, %add3A_1089 : vector<16xi32>
    %gather3A_1091 = tpu.vector_load_idx %arg5[%add3A_1090] : memref<768xf32, #tpu.memory_space<vmem>>[vector<16xi32>], vector<16xf32>,
    %add3A_1092 = arith.addf %add3A_1081, %gather3A_1091 : vector<16xf32>
    %add3A_1093 = arith.constant 32 : i32
    %add3A_1094 = vector.broadcast %add3A_1093 : i32 to vector<16xi32>
    %add3A_1095 = arith.addi %add3A_1094, %iota3A : vector<16xi32>
    %mul3A_1096 = arith.constant 16 : i32
    %mul3A_1097 = vector.broadcast %mul3A_1096 : i32 to vector<16xi32>
    %mul3A_1098 = arith.muli %add3A_1095, %mul3A_1097 : vector<16xi32>
    %add3A_1099 = arith.constant 14 : i32
    %add3A_1100 = vector.broadcast %add3A_1099 : i32 to vector<16xi32>
    %add3A_1101 = arith.addi %mul3A_1098, %add3A_1100 : vector<16xi32>
    %gather3A_1102 = tpu.vector_load_idx %arg5[%add3A_1101] : memref<768xf32, #tpu.memory_space<vmem>>[vector<16xi32>], vector<16xf32>,
    %add3A_1103 = arith.addf %add3A_1092, %gather3A_1102 : vector<16xf32>
    %add3A_1104 = arith.constant 32 : i32
    %add3A_1105 = vector.broadcast %add3A_1104 : i32 to vector<16xi32>
    %add3A_1106 = arith.addi %add3A_1105, %iota3A : vector<16xi32>
    %mul3A_1107 = arith.constant 16 : i32
    %mul3A_1108 = vector.broadcast %mul3A_1107 : i32 to vector<16xi32>
    %mul3A_1109 = arith.muli %add3A_1106, %mul3A_1108 : vector<16xi32>
    %add3A_1110 = arith.constant 15 : i32
    %add3A_1111 = vector.broadcast %add3A_1110 : i32 to vector<16xi32>
    %add3A_1112 = arith.addi %mul3A_1109, %add3A_1111 : vector<16xi32>
    %gather3A_1113 = tpu.vector_load_idx %arg5[%add3A_1112] : memref<768xf32, #tpu.memory_space<vmem>>[vector<16xi32>], vector<16xf32>,
    %add3A_1114 = arith.addf %add3A_1103, %gather3A_1113 : vector<16xf32>
    %lt3A_1115 = arith.constant 4 : i32
    %lt3A_1116 = vector.broadcast %lt3A_1115 : i32 to vector<16xi32>
    %lt3A_1117 = arith.cmpi slt, %iota3A, %lt3A_1116 : vector<16xi32>
    %jit3A_1118 = arith.constant 0.000000e+00 : f32
    %broadcast_in_dim3A_1119 = vector.broadcast %jit3A_1118 : f32 to vector<16xf32>
    %select_n3A_1120 = arith.select %lt3A_1117, %add3A_1114, %broadcast_in_dim3A_1119 : vector<16xi1>, vector<16xf32>
    %add3A_1121 = arith.addf %add3A_762, %add3A_938 : vector<16xf32>
    %add3A_1122 = arith.addf %add3A_1121, %select_n3A_1120 : vector<16xf32>
    %reduce_sum3A_1123 = arith.constant true
    %reduce_sum3A_1124 = vector.broadcast %reduce_sum3A_1123 : i1 to vector<16xi1>
    %reduce_sum3A_1125 = tpu.scan <sum>, %add3A_1122 masked %reduce_sum3A_1124 : vector<16xf32>, vector<16xi1> -> vector<16xf32>
    %reduce_sum3A_1126 = vector.extract %reduce_sum3A_1125[15] : f32 from vector<16xf32>
    %broadcast_in_dim3A_1127 = vector.broadcast %reduce_sum3A_1126 : f32 to vector<16xf32>
    %max3A_1128 = arith.constant 1.000000e+00 : f32
    %max3A_1129 = vector.broadcast %max3A_1128 : f32 to vector<16xf32>
    %max3A_1130 = arith.maximumf %broadcast_in_dim3A_1127, %max3A_1129 : vector<16xf32>
    %div3A_1131 = arith.constant 1.000000e+00 : f32
    %div3A_1132 = vector.broadcast %div3A_1131 : f32 to vector<16xf32>
    %div3A_1133 = arith.divf %div3A_1132, %max3A_1130 : vector<16xf32>
    %mul3A_1134 = arith.mulf %add3A_762, %div3A_1133 : vector<16xf32>
    %swap3A_1135 = arith.constant 0 : index
    %swap3A_1136 = tpu.vector_load %arg6[%swap3A_1135] {strides = array<i32>} : memref<48xf32, #tpu.memory_space<vmem>>, vector<16xf32>,
    tpu.vector_store %arg6[%swap3A_1135], %mul3A_1134 {strides = array<i32>} : memref<48xf32, #tpu.memory_space<vmem>>, vector<16xf32>,
    %mul3A_1137 = arith.mulf %add3A_938, %div3A_1133 : vector<16xf32>
    %swap3A_1138 = arith.constant 16 : index
    %swap3A_1139 = tpu.vector_load %arg6[%swap3A_1138] {strides = array<i32>} : memref<48xf32, #tpu.memory_space<vmem>>, vector<16xf32>,
    tpu.vector_store %arg6[%swap3A_1138], %mul3A_1137 {strides = array<i32>} : memref<48xf32, #tpu.memory_space<vmem>>, vector<16xf32>,
    %mul3A_1140 = arith.mulf %add3A_1114, %div3A_1133 : vector<16xf32>
    %swap3A_1141 = arith.constant 32 : index
    %swap3A_1142 = tpu.vector_load %arg6[%swap3A_1141] {strides = array<i32>} : memref<48xf32, #tpu.memory_space<vmem>>, vector<16xf32>,
    tpu.vector_store %arg6[%swap3A_1141], %mul3A_1140 {strides = array<i32>} : memref<48xf32, #tpu.memory_space<vmem>>, vector<16xf32>,
    "tpu.region"() ({
      %run_scoped3A = tpu.sem_alloc : memref<!tpu.dma_semaphore, #tpu.memory_space<semaphore_mem>>
      %dma_start3A = arith.constant 0 : i32
      %dma_start3A_1143 = tpu.memref_slice %arg3[%add3A_572, %dma_start3A] : memref<64x48xf32, #tpu.memory_space<hbm>> -> memref<1x48xf32, #tpu.memory_space<hbm>>
      %dma_start3A_1144 = tpu.memref_squeeze %dma_start3A_1143 : memref<1x48xf32, #tpu.memory_space<hbm>> -> memref<48xf32, #tpu.memory_space<hbm>>
      %dma_start3A_1145 = arith.constant 0 : i32
      %dma_start3A_1146 = tpu.memref_slice %arg3[%add3A_572, %dma_start3A_1145] : memref<64x48xf32, #tpu.memory_space<hbm>> -> memref<1x48xf32, #tpu.memory_space<hbm>>
      %dma_start3A_1147 = tpu.memref_squeeze %dma_start3A_1146 : memref<1x48xf32, #tpu.memory_space<hbm>> -> memref<48xf32, #tpu.memory_space<hbm>>
      tpu.enqueue_dma source(%arg6 : memref<48xf32, #tpu.memory_space<vmem>>) target(%dma_start3A_1147 : memref<48xf32, #tpu.memory_space<hbm>>) target_semaphore(%run_scoped3A : memref<!tpu.dma_semaphore, #tpu.memory_space<semaphore_mem>>)
      %dma_wait3A = arith.constant 0 : i32
      %dma_wait3A_1148 = tpu.memref_slice %arg3[%add3A_572, %dma_wait3A] : memref<64x48xf32, #tpu.memory_space<hbm>> -> memref<1x48xf32, #tpu.memory_space<hbm>>
      %dma_wait3A_1149 = tpu.memref_squeeze %dma_wait3A_1148 : memref<1x48xf32, #tpu.memory_space<hbm>> -> memref<48xf32, #tpu.memory_space<hbm>>
      %dma_wait3A_1150 = arith.constant 0 : i32
      %dma_wait3A_1151 = tpu.memref_slice %arg3[%add3A_572, %dma_wait3A_1150] : memref<64x48xf32, #tpu.memory_space<hbm>> -> memref<1x48xf32, #tpu.memory_space<hbm>>
      %dma_wait3A_1152 = tpu.memref_squeeze %dma_wait3A_1151 : memref<1x48xf32, #tpu.memory_space<hbm>> -> memref<48xf32, #tpu.memory_space<hbm>>
      tpu.wait_dma2 semaphore(%run_scoped3A : memref<!tpu.dma_semaphore, #tpu.memory_space<semaphore_mem>>) src(%arg6 : memref<48xf32, #tpu.memory_space<vmem>>) dst(%dma_wait3A_1152 : memref<48xf32, #tpu.memory_space<hbm>>)
      tpu.yield
    }) : () -> ()
    return
  }
}

module attributes {stable_mosaic.version = 14 : i64} {
  func.func @_main_kernel(%arg0: i32, %arg1: memref<64x1024xf32, #tpu.memory_space<vmem>>, %arg2: memref<64x64xf32, #tpu.memory_space<vmem>>, %arg3: memref<64x64xf32, #tpu.memory_space<vmem>>, %arg4: memref<64x16x64xf32, #tpu.memory_space<vmem>>, %arg5: memref<64x16x64xf32, #tpu.memory_space<vmem>>, %arg6: memref<4x1024x64xf32, #tpu.memory_space<vmem>>, %arg7: memref<16x16384xi32, #tpu.memory_space<vmem>>, %arg8: memref<16x16384xf32, #tpu.memory_space<vmem>>) attributes {dimension_semantics = [#tpu.dimension_semantics<arbitrary>], iteration_bounds = array<i64: 4>, scalar_prefetch = 0 : i64, scratch_operands = 0 : i64, tpu.core_type = #tpu.core_type<tc>, window_params = [{transform_indices = @transform_0, window_bounds = array<i64: 64, 1024>}, {pipeline_mode = #tpu.pipeline_mode<synchronous>, transform_indices = @transform_1, window_bounds = array<i64: 64, 64>}, {pipeline_mode = #tpu.pipeline_mode<synchronous>, transform_indices = @transform_2, window_bounds = array<i64: 64, 64>}, {pipeline_mode = #tpu.pipeline_mode<synchronous>, transform_indices = @transform_3, window_bounds = array<i64: 64, 16, 64>}, {pipeline_mode = #tpu.pipeline_mode<synchronous>, transform_indices = @transform_4, window_bounds = array<i64: 64, 16, 64>}, {pipeline_mode = #tpu.pipeline_mode<synchronous>, transform_indices = @transform_5, window_bounds = array<i64: 4, 1024, 64>}, {transform_indices = @transform_6, window_bounds = array<i64: 16, 16384>}, {transform_indices = @transform_7, window_bounds = array<i64: 16, 16384>}]} {
    %get3A = arith.constant 0 : index
    %get3A_0 = arith.constant 0 : index
    %get3A_1 = vector.load %arg2[%get3A, %get3A_0] : memref<64x64xf32, #tpu.memory_space<vmem>>, vector<64x64xf32>
    %get3A_2 = arith.constant 0 : index
    %get3A_3 = arith.constant 0 : index
    %get3A_4 = vector.load %arg3[%get3A_2, %get3A_3] : memref<64x64xf32, #tpu.memory_space<vmem>>, vector<64x64xf32>
    %get3A_5 = arith.constant 0 : index
    %get3A_6 = arith.constant 0 : index
    %get3A_7 = arith.constant 0 : index
    %get3A_8 = vector.load %arg4[%get3A_5, %get3A_6, %get3A_7] : memref<64x16x64xf32, #tpu.memory_space<vmem>>, vector<64x16x64xf32>
    %get3A_9 = arith.constant 0 : index
    %get3A_10 = arith.constant 0 : index
    %get3A_11 = arith.constant 0 : index
    %get3A_12 = vector.load %arg5[%get3A_9, %get3A_10, %get3A_11] : memref<64x16x64xf32, #tpu.memory_space<vmem>>, vector<64x16x64xf32>
    %get3A_13 = arith.constant 0 : index
    %get3A_14 = arith.constant 0 : index
    %get3A_15 = vector.load %arg1[%get3A_13, %get3A_14] : memref<64x1024xf32, #tpu.memory_space<vmem>>, vector<64x1024xf32>
    %dot_general3A = arith.constant dense<0.000000e+00> : vector<64x1024xf32>
    %dot_general3A_16 = tpu.matmul %get3A_1, %get3A_15, %dot_general3A {dimension_numbers = #tpu.dot_dimension_numbers<[1], [0], [0], [1], [0, 0, 1, 1], [], []>, transpose_lhs_hint = false} : vector<64x64xf32>, vector<64x1024xf32>, vector<64x1024xf32> -> vector<64x1024xf32>
    %reshape3A = vector.shape_cast %dot_general3A_16 : vector<64x1024xf32> to vector<64x16x64xf32>
    %dot_general3A_17 = arith.constant dense<0.000000e+00> : vector<64x1024xf32>
    %dot_general3A_18 = tpu.matmul %get3A_4, %get3A_15, %dot_general3A_17 {dimension_numbers = #tpu.dot_dimension_numbers<[1], [0], [0], [1], [0, 0, 1, 1], [], []>, transpose_lhs_hint = false} : vector<64x64xf32>, vector<64x1024xf32>, vector<64x1024xf32> -> vector<64x1024xf32>
    %reshape3A_19 = vector.shape_cast %dot_general3A_18 : vector<64x1024xf32> to vector<64x16x64xf32>
    %mul3A = arith.mulf %reshape3A, %get3A_8 : vector<64x16x64xf32>
    %mul3A_20 = arith.mulf %reshape3A_19, %get3A_12 : vector<64x16x64xf32>
    %sub3A = arith.subf %mul3A, %mul3A_20 : vector<64x16x64xf32>
    %reshape3A_21 = vector.shape_cast %sub3A : vector<64x16x64xf32> to vector<1024x64xf32>
    %mul3A_22 = arith.mulf %reshape3A, %get3A_12 : vector<64x16x64xf32>
    %mul3A_23 = arith.mulf %reshape3A_19, %get3A_8 : vector<64x16x64xf32>
    %add3A = arith.addf %mul3A_22, %mul3A_23 : vector<64x16x64xf32>
    %reshape3A_24 = vector.shape_cast %add3A : vector<64x16x64xf32> to vector<1024x64xf32>
    %dot_general3A_25 = arith.constant dense<0.000000e+00> : vector<1024x64xf32>
    %dot_general3A_26 = tpu.matmul %reshape3A_21, %get3A_1, %dot_general3A_25 {dimension_numbers = #tpu.dot_dimension_numbers<[1], [0], [0], [1], [0, 0, 1, 1], [], []>, transpose_lhs_hint = false} : vector<1024x64xf32>, vector<64x64xf32>, vector<1024x64xf32> -> vector<1024x64xf32>
    %dot_general3A_27 = arith.constant dense<0.000000e+00> : vector<1024x64xf32>
    %dot_general3A_28 = tpu.matmul %reshape3A_24, %get3A_4, %dot_general3A_27 {dimension_numbers = #tpu.dot_dimension_numbers<[1], [0], [0], [1], [0, 0, 1, 1], [], []>, transpose_lhs_hint = false} : vector<1024x64xf32>, vector<64x64xf32>, vector<1024x64xf32> -> vector<1024x64xf32>
    %sub3A_29 = arith.subf %dot_general3A_26, %dot_general3A_28 : vector<1024x64xf32>
    %dot_general3A_30 = arith.constant dense<0.000000e+00> : vector<1024x64xf32>
    %dot_general3A_31 = tpu.matmul %reshape3A_21, %get3A_4, %dot_general3A_30 {dimension_numbers = #tpu.dot_dimension_numbers<[1], [0], [0], [1], [0, 0, 1, 1], [], []>, transpose_lhs_hint = false} : vector<1024x64xf32>, vector<64x64xf32>, vector<1024x64xf32> -> vector<1024x64xf32>
    %dot_general3A_32 = arith.constant dense<0.000000e+00> : vector<1024x64xf32>
    %dot_general3A_33 = tpu.matmul %reshape3A_24, %get3A_1, %dot_general3A_32 {dimension_numbers = #tpu.dot_dimension_numbers<[1], [0], [0], [1], [0, 0, 1, 1], [], []>, transpose_lhs_hint = false} : vector<1024x64xf32>, vector<64x64xf32>, vector<1024x64xf32> -> vector<1024x64xf32>
    %add3A_34 = arith.addf %dot_general3A_31, %dot_general3A_33 : vector<1024x64xf32>
    %get3A_35 = arith.constant 0 : index
    %get3A_36 = arith.constant 0 : index
    %get3A_37 = arith.constant 0 : index
    %get3A_38 = vector.load %arg6[%get3A_35, %get3A_36, %get3A_37] : memref<4x1024x64xf32, #tpu.memory_space<vmem>>, vector<1x1024x64xf32>
    %get3A_39 = vector.shape_cast %get3A_38 : vector<1x1024x64xf32> to vector<1024x64xf32>
    %mul3A_40 = arith.mulf %sub3A_29, %get3A_39 : vector<1024x64xf32>
    %mul3A_41 = arith.mulf %add3A_34, %get3A_39 : vector<1024x64xf32>
    %dot_general3A_42 = arith.constant dense<0.000000e+00> : vector<1024x64xf32>
    %dot_general3A_43 = tpu.matmul %mul3A_40, %get3A_1, %dot_general3A_42 {dimension_numbers = #tpu.dot_dimension_numbers<[1], [0], [0], [1], [0, 0, 1, 1], [], []>, transpose_lhs_hint = false} : vector<1024x64xf32>, vector<64x64xf32>, vector<1024x64xf32> -> vector<1024x64xf32>
    %dot_general3A_44 = arith.constant dense<0.000000e+00> : vector<1024x64xf32>
    %dot_general3A_45 = tpu.matmul %mul3A_41, %get3A_4, %dot_general3A_44 {dimension_numbers = #tpu.dot_dimension_numbers<[1], [0], [0], [1], [0, 0, 1, 1], [], []>, transpose_lhs_hint = false} : vector<1024x64xf32>, vector<64x64xf32>, vector<1024x64xf32> -> vector<1024x64xf32>
    %add3A_46 = arith.addf %dot_general3A_43, %dot_general3A_45 : vector<1024x64xf32>
    %reshape3A_47 = vector.shape_cast %add3A_46 : vector<1024x64xf32> to vector<64x16x64xf32>
    %dot_general3A_48 = arith.constant dense<0.000000e+00> : vector<1024x64xf32>
    %dot_general3A_49 = tpu.matmul %mul3A_41, %get3A_1, %dot_general3A_48 {dimension_numbers = #tpu.dot_dimension_numbers<[1], [0], [0], [1], [0, 0, 1, 1], [], []>, transpose_lhs_hint = false} : vector<1024x64xf32>, vector<64x64xf32>, vector<1024x64xf32> -> vector<1024x64xf32>
    %dot_general3A_50 = arith.constant dense<0.000000e+00> : vector<1024x64xf32>
    %dot_general3A_51 = tpu.matmul %mul3A_40, %get3A_4, %dot_general3A_50 {dimension_numbers = #tpu.dot_dimension_numbers<[1], [0], [0], [1], [0, 0, 1, 1], [], []>, transpose_lhs_hint = false} : vector<1024x64xf32>, vector<64x64xf32>, vector<1024x64xf32> -> vector<1024x64xf32>
    %sub3A_52 = arith.subf %dot_general3A_49, %dot_general3A_51 : vector<1024x64xf32>
    %reshape3A_53 = vector.shape_cast %sub3A_52 : vector<1024x64xf32> to vector<64x16x64xf32>
    %mul3A_54 = arith.mulf %reshape3A_47, %get3A_8 : vector<64x16x64xf32>
    %mul3A_55 = arith.mulf %reshape3A_53, %get3A_12 : vector<64x16x64xf32>
    %add3A_56 = arith.addf %mul3A_54, %mul3A_55 : vector<64x16x64xf32>
    %reshape3A_57 = vector.shape_cast %add3A_56 : vector<64x16x64xf32> to vector<64x1024xf32>
    %mul3A_58 = arith.mulf %reshape3A_53, %get3A_8 : vector<64x16x64xf32>
    %mul3A_59 = arith.mulf %reshape3A_47, %get3A_12 : vector<64x16x64xf32>
    %sub3A_60 = arith.subf %mul3A_58, %mul3A_59 : vector<64x16x64xf32>
    %reshape3A_61 = vector.shape_cast %sub3A_60 : vector<64x16x64xf32> to vector<64x1024xf32>
    %dot_general3A_62 = arith.constant dense<0.000000e+00> : vector<1024x64xf32>
    %dot_general3A_63 = tpu.matmul %reshape3A_57, %get3A_1, %dot_general3A_62 {dimension_numbers = #tpu.dot_dimension_numbers<[0], [0], [1], [1], [0, 1, 1, 1], [], []>, transpose_lhs_hint = false} : vector<64x1024xf32>, vector<64x64xf32>, vector<1024x64xf32> -> vector<1024x64xf32>
    %dot_general3A_64 = arith.constant dense<0.000000e+00> : vector<1024x64xf32>
    %dot_general3A_65 = tpu.matmul %reshape3A_61, %get3A_4, %dot_general3A_64 {dimension_numbers = #tpu.dot_dimension_numbers<[0], [0], [1], [1], [0, 1, 1, 1], [], []>, transpose_lhs_hint = false} : vector<64x1024xf32>, vector<64x64xf32>, vector<1024x64xf32> -> vector<1024x64xf32>
    %add3A_66 = arith.addf %dot_general3A_63, %dot_general3A_65 : vector<1024x64xf32>
    %mul3A_67 = arith.constant 2.44140625E-4 : f32
    %mul3A_68 = vector.broadcast %mul3A_67 : f32 to vector<1024x64xf32>
    %mul3A_69 = arith.mulf %add3A_66, %mul3A_68 : vector<1024x64xf32>
    %reshape3A_70 = vector.shape_cast %mul3A_69 : vector<1024x64xf32> to vector<16x64x64xf32>
    %transpose3A = tpu.transpose %reshape3A_70, [0, 2, 1] : vector<16x64x64xf32> -> vector<16x64x64xf32>
    %reshape3A_71 = vector.shape_cast %transpose3A : vector<16x64x64xf32> to vector<16x4096xf32>
    %get3A_72 = arith.constant 1 : index
    %get3A_73 = arith.constant 0 : index
    %get3A_74 = arith.constant 0 : index
    %get3A_75 = vector.load %arg6[%get3A_72, %get3A_73, %get3A_74] : memref<4x1024x64xf32, #tpu.memory_space<vmem>>, vector<1x1024x64xf32>
    %get3A_76 = vector.shape_cast %get3A_75 : vector<1x1024x64xf32> to vector<1024x64xf32>
    %mul3A_77 = arith.mulf %sub3A_29, %get3A_76 : vector<1024x64xf32>
    %mul3A_78 = arith.mulf %add3A_34, %get3A_76 : vector<1024x64xf32>
    %dot_general3A_79 = arith.constant dense<0.000000e+00> : vector<1024x64xf32>
    %dot_general3A_80 = tpu.matmul %mul3A_77, %get3A_1, %dot_general3A_79 {dimension_numbers = #tpu.dot_dimension_numbers<[1], [0], [0], [1], [0, 0, 1, 1], [], []>, transpose_lhs_hint = false} : vector<1024x64xf32>, vector<64x64xf32>, vector<1024x64xf32> -> vector<1024x64xf32>
    %dot_general3A_81 = arith.constant dense<0.000000e+00> : vector<1024x64xf32>
    %dot_general3A_82 = tpu.matmul %mul3A_78, %get3A_4, %dot_general3A_81 {dimension_numbers = #tpu.dot_dimension_numbers<[1], [0], [0], [1], [0, 0, 1, 1], [], []>, transpose_lhs_hint = false} : vector<1024x64xf32>, vector<64x64xf32>, vector<1024x64xf32> -> vector<1024x64xf32>
    %add3A_83 = arith.addf %dot_general3A_80, %dot_general3A_82 : vector<1024x64xf32>
    %reshape3A_84 = vector.shape_cast %add3A_83 : vector<1024x64xf32> to vector<64x16x64xf32>
    %dot_general3A_85 = arith.constant dense<0.000000e+00> : vector<1024x64xf32>
    %dot_general3A_86 = tpu.matmul %mul3A_78, %get3A_1, %dot_general3A_85 {dimension_numbers = #tpu.dot_dimension_numbers<[1], [0], [0], [1], [0, 0, 1, 1], [], []>, transpose_lhs_hint = false} : vector<1024x64xf32>, vector<64x64xf32>, vector<1024x64xf32> -> vector<1024x64xf32>
    %dot_general3A_87 = arith.constant dense<0.000000e+00> : vector<1024x64xf32>
    %dot_general3A_88 = tpu.matmul %mul3A_77, %get3A_4, %dot_general3A_87 {dimension_numbers = #tpu.dot_dimension_numbers<[1], [0], [0], [1], [0, 0, 1, 1], [], []>, transpose_lhs_hint = false} : vector<1024x64xf32>, vector<64x64xf32>, vector<1024x64xf32> -> vector<1024x64xf32>
    %sub3A_89 = arith.subf %dot_general3A_86, %dot_general3A_88 : vector<1024x64xf32>
    %reshape3A_90 = vector.shape_cast %sub3A_89 : vector<1024x64xf32> to vector<64x16x64xf32>
    %mul3A_91 = arith.mulf %reshape3A_84, %get3A_8 : vector<64x16x64xf32>
    %mul3A_92 = arith.mulf %reshape3A_90, %get3A_12 : vector<64x16x64xf32>
    %add3A_93 = arith.addf %mul3A_91, %mul3A_92 : vector<64x16x64xf32>
    %reshape3A_94 = vector.shape_cast %add3A_93 : vector<64x16x64xf32> to vector<64x1024xf32>
    %mul3A_95 = arith.mulf %reshape3A_90, %get3A_8 : vector<64x16x64xf32>
    %mul3A_96 = arith.mulf %reshape3A_84, %get3A_12 : vector<64x16x64xf32>
    %sub3A_97 = arith.subf %mul3A_95, %mul3A_96 : vector<64x16x64xf32>
    %reshape3A_98 = vector.shape_cast %sub3A_97 : vector<64x16x64xf32> to vector<64x1024xf32>
    %dot_general3A_99 = arith.constant dense<0.000000e+00> : vector<1024x64xf32>
    %dot_general3A_100 = tpu.matmul %reshape3A_94, %get3A_1, %dot_general3A_99 {dimension_numbers = #tpu.dot_dimension_numbers<[0], [0], [1], [1], [0, 1, 1, 1], [], []>, transpose_lhs_hint = false} : vector<64x1024xf32>, vector<64x64xf32>, vector<1024x64xf32> -> vector<1024x64xf32>
    %dot_general3A_101 = arith.constant dense<0.000000e+00> : vector<1024x64xf32>
    %dot_general3A_102 = tpu.matmul %reshape3A_98, %get3A_4, %dot_general3A_101 {dimension_numbers = #tpu.dot_dimension_numbers<[0], [0], [1], [1], [0, 1, 1, 1], [], []>, transpose_lhs_hint = false} : vector<64x1024xf32>, vector<64x64xf32>, vector<1024x64xf32> -> vector<1024x64xf32>
    %add3A_103 = arith.addf %dot_general3A_100, %dot_general3A_102 : vector<1024x64xf32>
    %mul3A_104 = arith.constant 2.44140625E-4 : f32
    %mul3A_105 = vector.broadcast %mul3A_104 : f32 to vector<1024x64xf32>
    %mul3A_106 = arith.mulf %add3A_103, %mul3A_105 : vector<1024x64xf32>
    %reshape3A_107 = vector.shape_cast %mul3A_106 : vector<1024x64xf32> to vector<16x64x64xf32>
    %transpose3A_108 = tpu.transpose %reshape3A_107, [0, 2, 1] : vector<16x64x64xf32> -> vector<16x64x64xf32>
    %reshape3A_109 = vector.shape_cast %transpose3A_108 : vector<16x64x64xf32> to vector<16x4096xf32>
    %get3A_110 = arith.constant 2 : index
    %get3A_111 = arith.constant 0 : index
    %get3A_112 = arith.constant 0 : index
    %get3A_113 = vector.load %arg6[%get3A_110, %get3A_111, %get3A_112] : memref<4x1024x64xf32, #tpu.memory_space<vmem>>, vector<1x1024x64xf32>
    %get3A_114 = vector.shape_cast %get3A_113 : vector<1x1024x64xf32> to vector<1024x64xf32>
    %mul3A_115 = arith.mulf %sub3A_29, %get3A_114 : vector<1024x64xf32>
    %mul3A_116 = arith.mulf %add3A_34, %get3A_114 : vector<1024x64xf32>
    %dot_general3A_117 = arith.constant dense<0.000000e+00> : vector<1024x64xf32>
    %dot_general3A_118 = tpu.matmul %mul3A_115, %get3A_1, %dot_general3A_117 {dimension_numbers = #tpu.dot_dimension_numbers<[1], [0], [0], [1], [0, 0, 1, 1], [], []>, transpose_lhs_hint = false} : vector<1024x64xf32>, vector<64x64xf32>, vector<1024x64xf32> -> vector<1024x64xf32>
    %dot_general3A_119 = arith.constant dense<0.000000e+00> : vector<1024x64xf32>
    %dot_general3A_120 = tpu.matmul %mul3A_116, %get3A_4, %dot_general3A_119 {dimension_numbers = #tpu.dot_dimension_numbers<[1], [0], [0], [1], [0, 0, 1, 1], [], []>, transpose_lhs_hint = false} : vector<1024x64xf32>, vector<64x64xf32>, vector<1024x64xf32> -> vector<1024x64xf32>
    %add3A_121 = arith.addf %dot_general3A_118, %dot_general3A_120 : vector<1024x64xf32>
    %reshape3A_122 = vector.shape_cast %add3A_121 : vector<1024x64xf32> to vector<64x16x64xf32>
    %dot_general3A_123 = arith.constant dense<0.000000e+00> : vector<1024x64xf32>
    %dot_general3A_124 = tpu.matmul %mul3A_116, %get3A_1, %dot_general3A_123 {dimension_numbers = #tpu.dot_dimension_numbers<[1], [0], [0], [1], [0, 0, 1, 1], [], []>, transpose_lhs_hint = false} : vector<1024x64xf32>, vector<64x64xf32>, vector<1024x64xf32> -> vector<1024x64xf32>
    %dot_general3A_125 = arith.constant dense<0.000000e+00> : vector<1024x64xf32>
    %dot_general3A_126 = tpu.matmul %mul3A_115, %get3A_4, %dot_general3A_125 {dimension_numbers = #tpu.dot_dimension_numbers<[1], [0], [0], [1], [0, 0, 1, 1], [], []>, transpose_lhs_hint = false} : vector<1024x64xf32>, vector<64x64xf32>, vector<1024x64xf32> -> vector<1024x64xf32>
    %sub3A_127 = arith.subf %dot_general3A_124, %dot_general3A_126 : vector<1024x64xf32>
    %reshape3A_128 = vector.shape_cast %sub3A_127 : vector<1024x64xf32> to vector<64x16x64xf32>
    %mul3A_129 = arith.mulf %reshape3A_122, %get3A_8 : vector<64x16x64xf32>
    %mul3A_130 = arith.mulf %reshape3A_128, %get3A_12 : vector<64x16x64xf32>
    %add3A_131 = arith.addf %mul3A_129, %mul3A_130 : vector<64x16x64xf32>
    %reshape3A_132 = vector.shape_cast %add3A_131 : vector<64x16x64xf32> to vector<64x1024xf32>
    %mul3A_133 = arith.mulf %reshape3A_128, %get3A_8 : vector<64x16x64xf32>
    %mul3A_134 = arith.mulf %reshape3A_122, %get3A_12 : vector<64x16x64xf32>
    %sub3A_135 = arith.subf %mul3A_133, %mul3A_134 : vector<64x16x64xf32>
    %reshape3A_136 = vector.shape_cast %sub3A_135 : vector<64x16x64xf32> to vector<64x1024xf32>
    %dot_general3A_137 = arith.constant dense<0.000000e+00> : vector<1024x64xf32>
    %dot_general3A_138 = tpu.matmul %reshape3A_132, %get3A_1, %dot_general3A_137 {dimension_numbers = #tpu.dot_dimension_numbers<[0], [0], [1], [1], [0, 1, 1, 1], [], []>, transpose_lhs_hint = false} : vector<64x1024xf32>, vector<64x64xf32>, vector<1024x64xf32> -> vector<1024x64xf32>
    %dot_general3A_139 = arith.constant dense<0.000000e+00> : vector<1024x64xf32>
    %dot_general3A_140 = tpu.matmul %reshape3A_136, %get3A_4, %dot_general3A_139 {dimension_numbers = #tpu.dot_dimension_numbers<[0], [0], [1], [1], [0, 1, 1, 1], [], []>, transpose_lhs_hint = false} : vector<64x1024xf32>, vector<64x64xf32>, vector<1024x64xf32> -> vector<1024x64xf32>
    %add3A_141 = arith.addf %dot_general3A_138, %dot_general3A_140 : vector<1024x64xf32>
    %mul3A_142 = arith.constant 2.44140625E-4 : f32
    %mul3A_143 = vector.broadcast %mul3A_142 : f32 to vector<1024x64xf32>
    %mul3A_144 = arith.mulf %add3A_141, %mul3A_143 : vector<1024x64xf32>
    %reshape3A_145 = vector.shape_cast %mul3A_144 : vector<1024x64xf32> to vector<16x64x64xf32>
    %transpose3A_146 = tpu.transpose %reshape3A_145, [0, 2, 1] : vector<16x64x64xf32> -> vector<16x64x64xf32>
    %reshape3A_147 = vector.shape_cast %transpose3A_146 : vector<16x64x64xf32> to vector<16x4096xf32>
    %get3A_148 = arith.constant 3 : index
    %get3A_149 = arith.constant 0 : index
    %get3A_150 = arith.constant 0 : index
    %get3A_151 = vector.load %arg6[%get3A_148, %get3A_149, %get3A_150] : memref<4x1024x64xf32, #tpu.memory_space<vmem>>, vector<1x1024x64xf32>
    %get3A_152 = vector.shape_cast %get3A_151 : vector<1x1024x64xf32> to vector<1024x64xf32>
    %mul3A_153 = arith.mulf %sub3A_29, %get3A_152 : vector<1024x64xf32>
    %mul3A_154 = arith.mulf %add3A_34, %get3A_152 : vector<1024x64xf32>
    %dot_general3A_155 = arith.constant dense<0.000000e+00> : vector<1024x64xf32>
    %dot_general3A_156 = tpu.matmul %mul3A_153, %get3A_1, %dot_general3A_155 {dimension_numbers = #tpu.dot_dimension_numbers<[1], [0], [0], [1], [0, 0, 1, 1], [], []>, transpose_lhs_hint = false} : vector<1024x64xf32>, vector<64x64xf32>, vector<1024x64xf32> -> vector<1024x64xf32>
    %dot_general3A_157 = arith.constant dense<0.000000e+00> : vector<1024x64xf32>
    %dot_general3A_158 = tpu.matmul %mul3A_154, %get3A_4, %dot_general3A_157 {dimension_numbers = #tpu.dot_dimension_numbers<[1], [0], [0], [1], [0, 0, 1, 1], [], []>, transpose_lhs_hint = false} : vector<1024x64xf32>, vector<64x64xf32>, vector<1024x64xf32> -> vector<1024x64xf32>
    %add3A_159 = arith.addf %dot_general3A_156, %dot_general3A_158 : vector<1024x64xf32>
    %reshape3A_160 = vector.shape_cast %add3A_159 : vector<1024x64xf32> to vector<64x16x64xf32>
    %dot_general3A_161 = arith.constant dense<0.000000e+00> : vector<1024x64xf32>
    %dot_general3A_162 = tpu.matmul %mul3A_154, %get3A_1, %dot_general3A_161 {dimension_numbers = #tpu.dot_dimension_numbers<[1], [0], [0], [1], [0, 0, 1, 1], [], []>, transpose_lhs_hint = false} : vector<1024x64xf32>, vector<64x64xf32>, vector<1024x64xf32> -> vector<1024x64xf32>
    %dot_general3A_163 = arith.constant dense<0.000000e+00> : vector<1024x64xf32>
    %dot_general3A_164 = tpu.matmul %mul3A_153, %get3A_4, %dot_general3A_163 {dimension_numbers = #tpu.dot_dimension_numbers<[1], [0], [0], [1], [0, 0, 1, 1], [], []>, transpose_lhs_hint = false} : vector<1024x64xf32>, vector<64x64xf32>, vector<1024x64xf32> -> vector<1024x64xf32>
    %sub3A_165 = arith.subf %dot_general3A_162, %dot_general3A_164 : vector<1024x64xf32>
    %reshape3A_166 = vector.shape_cast %sub3A_165 : vector<1024x64xf32> to vector<64x16x64xf32>
    %mul3A_167 = arith.mulf %reshape3A_160, %get3A_8 : vector<64x16x64xf32>
    %mul3A_168 = arith.mulf %reshape3A_166, %get3A_12 : vector<64x16x64xf32>
    %add3A_169 = arith.addf %mul3A_167, %mul3A_168 : vector<64x16x64xf32>
    %reshape3A_170 = vector.shape_cast %add3A_169 : vector<64x16x64xf32> to vector<64x1024xf32>
    %mul3A_171 = arith.mulf %reshape3A_166, %get3A_8 : vector<64x16x64xf32>
    %mul3A_172 = arith.mulf %reshape3A_160, %get3A_12 : vector<64x16x64xf32>
    %sub3A_173 = arith.subf %mul3A_171, %mul3A_172 : vector<64x16x64xf32>
    %reshape3A_174 = vector.shape_cast %sub3A_173 : vector<64x16x64xf32> to vector<64x1024xf32>
    %dot_general3A_175 = arith.constant dense<0.000000e+00> : vector<1024x64xf32>
    %dot_general3A_176 = tpu.matmul %reshape3A_170, %get3A_1, %dot_general3A_175 {dimension_numbers = #tpu.dot_dimension_numbers<[0], [0], [1], [1], [0, 1, 1, 1], [], []>, transpose_lhs_hint = false} : vector<64x1024xf32>, vector<64x64xf32>, vector<1024x64xf32> -> vector<1024x64xf32>
    %dot_general3A_177 = arith.constant dense<0.000000e+00> : vector<1024x64xf32>
    %dot_general3A_178 = tpu.matmul %reshape3A_174, %get3A_4, %dot_general3A_177 {dimension_numbers = #tpu.dot_dimension_numbers<[0], [0], [1], [1], [0, 1, 1, 1], [], []>, transpose_lhs_hint = false} : vector<64x1024xf32>, vector<64x64xf32>, vector<1024x64xf32> -> vector<1024x64xf32>
    %add3A_179 = arith.addf %dot_general3A_176, %dot_general3A_178 : vector<1024x64xf32>
    %mul3A_180 = arith.constant 2.44140625E-4 : f32
    %mul3A_181 = vector.broadcast %mul3A_180 : f32 to vector<1024x64xf32>
    %mul3A_182 = arith.mulf %add3A_179, %mul3A_181 : vector<1024x64xf32>
    %reshape3A_183 = vector.shape_cast %mul3A_182 : vector<1024x64xf32> to vector<16x64x64xf32>
    %transpose3A_184 = tpu.transpose %reshape3A_183, [0, 2, 1] : vector<16x64x64xf32> -> vector<16x64x64xf32>
    %reshape3A_185 = vector.shape_cast %transpose3A_184 : vector<16x64x64xf32> to vector<16x4096xf32>
    %slice3A = vector.extract_strided_slice %reshape3A_71 {offsets = [0, 0], sizes = [16, 4094], strides = [1, 1]} : vector<16x4096xf32> to vector<16x4094xf32>
    %slice3A_186 = vector.extract_strided_slice %reshape3A_71 {offsets = [0, 1], sizes = [16, 4094], strides = [1, 1]} : vector<16x4096xf32> to vector<16x4094xf32>
    %slice3A_187 = vector.extract_strided_slice %reshape3A_71 {offsets = [0, 2], sizes = [16, 4094], strides = [1, 1]} : vector<16x4096xf32> to vector<16x4094xf32>
    %lt3A = arith.cmpf olt, %slice3A_186, %slice3A : vector<16x4094xf32>
    %jit3A = arith.constant 1.000000e+00 : f32
    %jit3A_188 = arith.constant 0.000000e+00 : f32
    %broadcast_in_dim3A = vector.broadcast %jit3A : f32 to vector<16x4094xf32>
    %broadcast_in_dim3A_189 = vector.broadcast %jit3A_188 : f32 to vector<16x4094xf32>
    %select_n3A = arith.select %lt3A, %broadcast_in_dim3A, %broadcast_in_dim3A_189 : vector<16x4094xi1>, vector<16x4094xf32>
    %lt3A_190 = arith.cmpf olt, %slice3A_187, %slice3A : vector<16x4094xf32>
    %jit3A_191 = arith.constant 1.000000e+00 : f32
    %jit3A_192 = arith.constant 0.000000e+00 : f32
    %broadcast_in_dim3A_193 = vector.broadcast %jit3A_191 : f32 to vector<16x4094xf32>
    %broadcast_in_dim3A_194 = vector.broadcast %jit3A_192 : f32 to vector<16x4094xf32>
    %select_n3A_195 = arith.select %lt3A_190, %broadcast_in_dim3A_193, %broadcast_in_dim3A_194 : vector<16x4094xi1>, vector<16x4094xf32>
    %lt3A_196 = arith.cmpf olt, %slice3A_187, %slice3A_186 : vector<16x4094xf32>
    %jit3A_197 = arith.constant 1.000000e+00 : f32
    %jit3A_198 = arith.constant 0.000000e+00 : f32
    %broadcast_in_dim3A_199 = vector.broadcast %jit3A_197 : f32 to vector<16x4094xf32>
    %broadcast_in_dim3A_200 = vector.broadcast %jit3A_198 : f32 to vector<16x4094xf32>
    %select_n3A_201 = arith.select %lt3A_196, %broadcast_in_dim3A_199, %broadcast_in_dim3A_200 : vector<16x4094xi1>, vector<16x4094xf32>
    %mul3A_202 = arith.constant 2.000000e+00 : f32
    %mul3A_203 = vector.broadcast %mul3A_202 : f32 to vector<16x4094xf32>
    %mul3A_204 = arith.mulf %mul3A_203, %select_n3A : vector<16x4094xf32>
    %mul3A_205 = arith.constant 3.000000e+00 : f32
    %mul3A_206 = vector.broadcast %mul3A_205 : f32 to vector<16x4094xf32>
    %mul3A_207 = arith.mulf %mul3A_206, %select_n3A_195 : vector<16x4094xf32>
    %add3A_208 = arith.addf %mul3A_204, %mul3A_207 : vector<16x4094xf32>
    %add3A_209 = arith.addf %add3A_208, %select_n3A_201 : vector<16x4094xf32>
    %mul3A_210 = arith.constant 2.000000e+00 : f32
    %mul3A_211 = vector.broadcast %mul3A_210 : f32 to vector<16x4094xf32>
    %mul3A_212 = arith.mulf %mul3A_211, %select_n3A : vector<16x4094xf32>
    %mul3A_213 = arith.mulf %mul3A_212, %select_n3A_195 : vector<16x4094xf32>
    %sub3A_214 = arith.subf %add3A_209, %mul3A_213 : vector<16x4094xf32>
    %mul3A_215 = arith.mulf %select_n3A, %select_n3A_201 : vector<16x4094xf32>
    %add3A_216 = arith.addf %sub3A_214, %mul3A_215 : vector<16x4094xf32>
    %slice3A_217 = vector.extract_strided_slice %add3A_216 {offsets = [0, 0], sizes = [16, 4093], strides = [1, 1]} : vector<16x4094xf32> to vector<16x4093xf32>
    %mul3A_218 = arith.constant 6.000000e+00 : f32
    %mul3A_219 = vector.broadcast %mul3A_218 : f32 to vector<16x4093xf32>
    %mul3A_220 = arith.mulf %slice3A_217, %mul3A_219 : vector<16x4093xf32>
    %slice3A_221 = vector.extract_strided_slice %add3A_216 {offsets = [0, 1], sizes = [16, 4093], strides = [1, 1]} : vector<16x4094xf32> to vector<16x4093xf32>
    %add3A_222 = arith.addf %mul3A_220, %slice3A_221 : vector<16x4093xf32>
    %broadcast_in_dim3A_223 = arith.constant 3.600000e+01 : f32
    %broadcast_in_dim3A_224 = vector.broadcast %broadcast_in_dim3A_223 : f32 to vector<16x3xf32>
    %concatenate3A = tpu.concatenate %add3A_222, %broadcast_in_dim3A_224 in 1 : vector<16x4093xf32>, vector<16x3xf32> -> vector<16x4096xf32>
    %slice3A_225 = vector.extract_strided_slice %reshape3A_109 {offsets = [0, 0], sizes = [16, 4094], strides = [1, 1]} : vector<16x4096xf32> to vector<16x4094xf32>
    %slice3A_226 = vector.extract_strided_slice %reshape3A_109 {offsets = [0, 1], sizes = [16, 4094], strides = [1, 1]} : vector<16x4096xf32> to vector<16x4094xf32>
    %slice3A_227 = vector.extract_strided_slice %reshape3A_109 {offsets = [0, 2], sizes = [16, 4094], strides = [1, 1]} : vector<16x4096xf32> to vector<16x4094xf32>
    %lt3A_228 = arith.cmpf olt, %slice3A_226, %slice3A_225 : vector<16x4094xf32>
    %jit3A_229 = arith.constant 1.000000e+00 : f32
    %jit3A_230 = arith.constant 0.000000e+00 : f32
    %broadcast_in_dim3A_231 = vector.broadcast %jit3A_229 : f32 to vector<16x4094xf32>
    %broadcast_in_dim3A_232 = vector.broadcast %jit3A_230 : f32 to vector<16x4094xf32>
    %select_n3A_233 = arith.select %lt3A_228, %broadcast_in_dim3A_231, %broadcast_in_dim3A_232 : vector<16x4094xi1>, vector<16x4094xf32>
    %lt3A_234 = arith.cmpf olt, %slice3A_227, %slice3A_225 : vector<16x4094xf32>
    %jit3A_235 = arith.constant 1.000000e+00 : f32
    %jit3A_236 = arith.constant 0.000000e+00 : f32
    %broadcast_in_dim3A_237 = vector.broadcast %jit3A_235 : f32 to vector<16x4094xf32>
    %broadcast_in_dim3A_238 = vector.broadcast %jit3A_236 : f32 to vector<16x4094xf32>
    %select_n3A_239 = arith.select %lt3A_234, %broadcast_in_dim3A_237, %broadcast_in_dim3A_238 : vector<16x4094xi1>, vector<16x4094xf32>
    %lt3A_240 = arith.cmpf olt, %slice3A_227, %slice3A_226 : vector<16x4094xf32>
    %jit3A_241 = arith.constant 1.000000e+00 : f32
    %jit3A_242 = arith.constant 0.000000e+00 : f32
    %broadcast_in_dim3A_243 = vector.broadcast %jit3A_241 : f32 to vector<16x4094xf32>
    %broadcast_in_dim3A_244 = vector.broadcast %jit3A_242 : f32 to vector<16x4094xf32>
    %select_n3A_245 = arith.select %lt3A_240, %broadcast_in_dim3A_243, %broadcast_in_dim3A_244 : vector<16x4094xi1>, vector<16x4094xf32>
    %mul3A_246 = arith.constant 2.000000e+00 : f32
    %mul3A_247 = vector.broadcast %mul3A_246 : f32 to vector<16x4094xf32>
    %mul3A_248 = arith.mulf %mul3A_247, %select_n3A_233 : vector<16x4094xf32>
    %mul3A_249 = arith.constant 3.000000e+00 : f32
    %mul3A_250 = vector.broadcast %mul3A_249 : f32 to vector<16x4094xf32>
    %mul3A_251 = arith.mulf %mul3A_250, %select_n3A_239 : vector<16x4094xf32>
    %add3A_252 = arith.addf %mul3A_248, %mul3A_251 : vector<16x4094xf32>
    %add3A_253 = arith.addf %add3A_252, %select_n3A_245 : vector<16x4094xf32>
    %mul3A_254 = arith.constant 2.000000e+00 : f32
    %mul3A_255 = vector.broadcast %mul3A_254 : f32 to vector<16x4094xf32>
    %mul3A_256 = arith.mulf %mul3A_255, %select_n3A_233 : vector<16x4094xf32>
    %mul3A_257 = arith.mulf %mul3A_256, %select_n3A_239 : vector<16x4094xf32>
    %sub3A_258 = arith.subf %add3A_253, %mul3A_257 : vector<16x4094xf32>
    %mul3A_259 = arith.mulf %select_n3A_233, %select_n3A_245 : vector<16x4094xf32>
    %add3A_260 = arith.addf %sub3A_258, %mul3A_259 : vector<16x4094xf32>
    %slice3A_261 = vector.extract_strided_slice %add3A_260 {offsets = [0, 0], sizes = [16, 4093], strides = [1, 1]} : vector<16x4094xf32> to vector<16x4093xf32>
    %mul3A_262 = arith.constant 6.000000e+00 : f32
    %mul3A_263 = vector.broadcast %mul3A_262 : f32 to vector<16x4093xf32>
    %mul3A_264 = arith.mulf %slice3A_261, %mul3A_263 : vector<16x4093xf32>
    %slice3A_265 = vector.extract_strided_slice %add3A_260 {offsets = [0, 1], sizes = [16, 4093], strides = [1, 1]} : vector<16x4094xf32> to vector<16x4093xf32>
    %add3A_266 = arith.addf %mul3A_264, %slice3A_265 : vector<16x4093xf32>
    %broadcast_in_dim3A_267 = arith.constant 3.600000e+01 : f32
    %broadcast_in_dim3A_268 = vector.broadcast %broadcast_in_dim3A_267 : f32 to vector<16x3xf32>
    %concatenate3A_269 = tpu.concatenate %add3A_266, %broadcast_in_dim3A_268 in 1 : vector<16x4093xf32>, vector<16x3xf32> -> vector<16x4096xf32>
    %slice3A_270 = vector.extract_strided_slice %reshape3A_147 {offsets = [0, 0], sizes = [16, 4094], strides = [1, 1]} : vector<16x4096xf32> to vector<16x4094xf32>
    %slice3A_271 = vector.extract_strided_slice %reshape3A_147 {offsets = [0, 1], sizes = [16, 4094], strides = [1, 1]} : vector<16x4096xf32> to vector<16x4094xf32>
    %slice3A_272 = vector.extract_strided_slice %reshape3A_147 {offsets = [0, 2], sizes = [16, 4094], strides = [1, 1]} : vector<16x4096xf32> to vector<16x4094xf32>
    %lt3A_273 = arith.cmpf olt, %slice3A_271, %slice3A_270 : vector<16x4094xf32>
    %jit3A_274 = arith.constant 1.000000e+00 : f32
    %jit3A_275 = arith.constant 0.000000e+00 : f32
    %broadcast_in_dim3A_276 = vector.broadcast %jit3A_274 : f32 to vector<16x4094xf32>
    %broadcast_in_dim3A_277 = vector.broadcast %jit3A_275 : f32 to vector<16x4094xf32>
    %select_n3A_278 = arith.select %lt3A_273, %broadcast_in_dim3A_276, %broadcast_in_dim3A_277 : vector<16x4094xi1>, vector<16x4094xf32>
    %lt3A_279 = arith.cmpf olt, %slice3A_272, %slice3A_270 : vector<16x4094xf32>
    %jit3A_280 = arith.constant 1.000000e+00 : f32
    %jit3A_281 = arith.constant 0.000000e+00 : f32
    %broadcast_in_dim3A_282 = vector.broadcast %jit3A_280 : f32 to vector<16x4094xf32>
    %broadcast_in_dim3A_283 = vector.broadcast %jit3A_281 : f32 to vector<16x4094xf32>
    %select_n3A_284 = arith.select %lt3A_279, %broadcast_in_dim3A_282, %broadcast_in_dim3A_283 : vector<16x4094xi1>, vector<16x4094xf32>
    %lt3A_285 = arith.cmpf olt, %slice3A_272, %slice3A_271 : vector<16x4094xf32>
    %jit3A_286 = arith.constant 1.000000e+00 : f32
    %jit3A_287 = arith.constant 0.000000e+00 : f32
    %broadcast_in_dim3A_288 = vector.broadcast %jit3A_286 : f32 to vector<16x4094xf32>
    %broadcast_in_dim3A_289 = vector.broadcast %jit3A_287 : f32 to vector<16x4094xf32>
    %select_n3A_290 = arith.select %lt3A_285, %broadcast_in_dim3A_288, %broadcast_in_dim3A_289 : vector<16x4094xi1>, vector<16x4094xf32>
    %mul3A_291 = arith.constant 2.000000e+00 : f32
    %mul3A_292 = vector.broadcast %mul3A_291 : f32 to vector<16x4094xf32>
    %mul3A_293 = arith.mulf %mul3A_292, %select_n3A_278 : vector<16x4094xf32>
    %mul3A_294 = arith.constant 3.000000e+00 : f32
    %mul3A_295 = vector.broadcast %mul3A_294 : f32 to vector<16x4094xf32>
    %mul3A_296 = arith.mulf %mul3A_295, %select_n3A_284 : vector<16x4094xf32>
    %add3A_297 = arith.addf %mul3A_293, %mul3A_296 : vector<16x4094xf32>
    %add3A_298 = arith.addf %add3A_297, %select_n3A_290 : vector<16x4094xf32>
    %mul3A_299 = arith.constant 2.000000e+00 : f32
    %mul3A_300 = vector.broadcast %mul3A_299 : f32 to vector<16x4094xf32>
    %mul3A_301 = arith.mulf %mul3A_300, %select_n3A_278 : vector<16x4094xf32>
    %mul3A_302 = arith.mulf %mul3A_301, %select_n3A_284 : vector<16x4094xf32>
    %sub3A_303 = arith.subf %add3A_298, %mul3A_302 : vector<16x4094xf32>
    %mul3A_304 = arith.mulf %select_n3A_278, %select_n3A_290 : vector<16x4094xf32>
    %add3A_305 = arith.addf %sub3A_303, %mul3A_304 : vector<16x4094xf32>
    %slice3A_306 = vector.extract_strided_slice %add3A_305 {offsets = [0, 0], sizes = [16, 4093], strides = [1, 1]} : vector<16x4094xf32> to vector<16x4093xf32>
    %mul3A_307 = arith.constant 6.000000e+00 : f32
    %mul3A_308 = vector.broadcast %mul3A_307 : f32 to vector<16x4093xf32>
    %mul3A_309 = arith.mulf %slice3A_306, %mul3A_308 : vector<16x4093xf32>
    %slice3A_310 = vector.extract_strided_slice %add3A_305 {offsets = [0, 1], sizes = [16, 4093], strides = [1, 1]} : vector<16x4094xf32> to vector<16x4093xf32>
    %add3A_311 = arith.addf %mul3A_309, %slice3A_310 : vector<16x4093xf32>
    %broadcast_in_dim3A_312 = arith.constant 3.600000e+01 : f32
    %broadcast_in_dim3A_313 = vector.broadcast %broadcast_in_dim3A_312 : f32 to vector<16x3xf32>
    %concatenate3A_314 = tpu.concatenate %add3A_311, %broadcast_in_dim3A_313 in 1 : vector<16x4093xf32>, vector<16x3xf32> -> vector<16x4096xf32>
    %slice3A_315 = vector.extract_strided_slice %reshape3A_185 {offsets = [0, 0], sizes = [16, 4094], strides = [1, 1]} : vector<16x4096xf32> to vector<16x4094xf32>
    %slice3A_316 = vector.extract_strided_slice %reshape3A_185 {offsets = [0, 1], sizes = [16, 4094], strides = [1, 1]} : vector<16x4096xf32> to vector<16x4094xf32>
    %slice3A_317 = vector.extract_strided_slice %reshape3A_185 {offsets = [0, 2], sizes = [16, 4094], strides = [1, 1]} : vector<16x4096xf32> to vector<16x4094xf32>
    %lt3A_318 = arith.cmpf olt, %slice3A_316, %slice3A_315 : vector<16x4094xf32>
    %jit3A_319 = arith.constant 1.000000e+00 : f32
    %jit3A_320 = arith.constant 0.000000e+00 : f32
    %broadcast_in_dim3A_321 = vector.broadcast %jit3A_319 : f32 to vector<16x4094xf32>
    %broadcast_in_dim3A_322 = vector.broadcast %jit3A_320 : f32 to vector<16x4094xf32>
    %select_n3A_323 = arith.select %lt3A_318, %broadcast_in_dim3A_321, %broadcast_in_dim3A_322 : vector<16x4094xi1>, vector<16x4094xf32>
    %lt3A_324 = arith.cmpf olt, %slice3A_317, %slice3A_315 : vector<16x4094xf32>
    %jit3A_325 = arith.constant 1.000000e+00 : f32
    %jit3A_326 = arith.constant 0.000000e+00 : f32
    %broadcast_in_dim3A_327 = vector.broadcast %jit3A_325 : f32 to vector<16x4094xf32>
    %broadcast_in_dim3A_328 = vector.broadcast %jit3A_326 : f32 to vector<16x4094xf32>
    %select_n3A_329 = arith.select %lt3A_324, %broadcast_in_dim3A_327, %broadcast_in_dim3A_328 : vector<16x4094xi1>, vector<16x4094xf32>
    %lt3A_330 = arith.cmpf olt, %slice3A_317, %slice3A_316 : vector<16x4094xf32>
    %jit3A_331 = arith.constant 1.000000e+00 : f32
    %jit3A_332 = arith.constant 0.000000e+00 : f32
    %broadcast_in_dim3A_333 = vector.broadcast %jit3A_331 : f32 to vector<16x4094xf32>
    %broadcast_in_dim3A_334 = vector.broadcast %jit3A_332 : f32 to vector<16x4094xf32>
    %select_n3A_335 = arith.select %lt3A_330, %broadcast_in_dim3A_333, %broadcast_in_dim3A_334 : vector<16x4094xi1>, vector<16x4094xf32>
    %mul3A_336 = arith.constant 2.000000e+00 : f32
    %mul3A_337 = vector.broadcast %mul3A_336 : f32 to vector<16x4094xf32>
    %mul3A_338 = arith.mulf %mul3A_337, %select_n3A_323 : vector<16x4094xf32>
    %mul3A_339 = arith.constant 3.000000e+00 : f32
    %mul3A_340 = vector.broadcast %mul3A_339 : f32 to vector<16x4094xf32>
    %mul3A_341 = arith.mulf %mul3A_340, %select_n3A_329 : vector<16x4094xf32>
    %add3A_342 = arith.addf %mul3A_338, %mul3A_341 : vector<16x4094xf32>
    %add3A_343 = arith.addf %add3A_342, %select_n3A_335 : vector<16x4094xf32>
    %mul3A_344 = arith.constant 2.000000e+00 : f32
    %mul3A_345 = vector.broadcast %mul3A_344 : f32 to vector<16x4094xf32>
    %mul3A_346 = arith.mulf %mul3A_345, %select_n3A_323 : vector<16x4094xf32>
    %mul3A_347 = arith.mulf %mul3A_346, %select_n3A_329 : vector<16x4094xf32>
    %sub3A_348 = arith.subf %add3A_343, %mul3A_347 : vector<16x4094xf32>
    %mul3A_349 = arith.mulf %select_n3A_323, %select_n3A_335 : vector<16x4094xf32>
    %add3A_350 = arith.addf %sub3A_348, %mul3A_349 : vector<16x4094xf32>
    %slice3A_351 = vector.extract_strided_slice %add3A_350 {offsets = [0, 0], sizes = [16, 4093], strides = [1, 1]} : vector<16x4094xf32> to vector<16x4093xf32>
    %mul3A_352 = arith.constant 6.000000e+00 : f32
    %mul3A_353 = vector.broadcast %mul3A_352 : f32 to vector<16x4093xf32>
    %mul3A_354 = arith.mulf %slice3A_351, %mul3A_353 : vector<16x4093xf32>
    %slice3A_355 = vector.extract_strided_slice %add3A_350 {offsets = [0, 1], sizes = [16, 4093], strides = [1, 1]} : vector<16x4094xf32> to vector<16x4093xf32>
    %add3A_356 = arith.addf %mul3A_354, %slice3A_355 : vector<16x4093xf32>
    %broadcast_in_dim3A_357 = arith.constant 3.600000e+01 : f32
    %broadcast_in_dim3A_358 = vector.broadcast %broadcast_in_dim3A_357 : f32 to vector<16x3xf32>
    %concatenate3A_359 = tpu.concatenate %add3A_356, %broadcast_in_dim3A_358 in 1 : vector<16x4093xf32>, vector<16x3xf32> -> vector<16x4096xf32>
    %concatenate3A_360 = tpu.concatenate %concatenate3A, %concatenate3A_269, %concatenate3A_314, %concatenate3A_359 in 1 : vector<16x4096xf32>, vector<16x4096xf32>, vector<16x4096xf32>, vector<16x4096xf32> -> vector<16x16384xf32>
    %convert_element_type3A = arith.fptosi %concatenate3A_360 : vector<16x16384xf32> to vector<16x16384xi32>
    %swap3A = arith.constant 0 : index
    %swap3A_361 = arith.constant 0 : index
    %swap3A_362 = vector.load %arg7[%swap3A, %swap3A_361] : memref<16x16384xi32, #tpu.memory_space<vmem>>, vector<16x16384xi32>
    tpu.vector_store %arg7[%swap3A, %swap3A_361], %convert_element_type3A {strides = array<i32>} : memref<16x16384xi32, #tpu.memory_space<vmem>>, vector<16x16384xi32>,
    %concatenate3A_363 = tpu.concatenate %reshape3A_71, %reshape3A_109, %reshape3A_147, %reshape3A_185 in 1 : vector<16x4096xf32>, vector<16x4096xf32>, vector<16x4096xf32>, vector<16x4096xf32> -> vector<16x16384xf32>
    %swap3A_364 = arith.constant 0 : index
    %swap3A_365 = arith.constant 0 : index
    %swap3A_366 = vector.load %arg8[%swap3A_364, %swap3A_365] : memref<16x16384xf32, #tpu.memory_space<vmem>>, vector<16x16384xf32>
    tpu.vector_store %arg8[%swap3A_364, %swap3A_365], %concatenate3A_363 {strides = array<i32>} : memref<16x16384xf32, #tpu.memory_space<vmem>>, vector<16x16384xf32>,
    return
  }
  func.func @transform_0(%arg0: i32) -> (i32, i32) {
    %c0_i32 = arith.constant 0 : i32
    %c0_i32_0 = arith.constant 0 : i32
    return %c0_i32, %arg0 : i32, i32
  }
  func.func @transform_1(%arg0: i32) -> (i32, i32) {
    %c0_i32 = arith.constant 0 : i32
    %c0_i32_0 = arith.constant 0 : i32
    %c0_i32_1 = arith.constant 0 : i32
    return %c0_i32, %c0_i32_0 : i32, i32
  }
  func.func @transform_2(%arg0: i32) -> (i32, i32) {
    %c0_i32 = arith.constant 0 : i32
    %c0_i32_0 = arith.constant 0 : i32
    %c0_i32_1 = arith.constant 0 : i32
    return %c0_i32, %c0_i32_0 : i32, i32
  }
  func.func @transform_3(%arg0: i32) -> (i32, i32, i32) {
    %c0_i32 = arith.constant 0 : i32
    %c0_i32_0 = arith.constant 0 : i32
    %c0_i32_1 = arith.constant 0 : i32
    %c0_i32_2 = arith.constant 0 : i32
    return %c0_i32, %c0_i32_0, %c0_i32_1 : i32, i32, i32
  }
  func.func @transform_4(%arg0: i32) -> (i32, i32, i32) {
    %c0_i32 = arith.constant 0 : i32
    %c0_i32_0 = arith.constant 0 : i32
    %c0_i32_1 = arith.constant 0 : i32
    %c0_i32_2 = arith.constant 0 : i32
    return %c0_i32, %c0_i32_0, %c0_i32_1 : i32, i32, i32
  }
  func.func @transform_5(%arg0: i32) -> (i32, i32, i32) {
    %c0_i32 = arith.constant 0 : i32
    %c0_i32_0 = arith.constant 0 : i32
    %c0_i32_1 = arith.constant 0 : i32
    %c0_i32_2 = arith.constant 0 : i32
    return %c0_i32, %c0_i32_0, %c0_i32_1 : i32, i32, i32
  }
  func.func @transform_6(%arg0: i32) -> (i32, i32) {
    %c0_i32 = arith.constant 0 : i32
    %c0_i32_0 = arith.constant 0 : i32
    return %arg0, %c0_i32 : i32, i32
  }
  func.func @transform_7(%arg0: i32) -> (i32, i32) {
    %c0_i32 = arith.constant 0 : i32
    %c0_i32_0 = arith.constant 0 : i32
    return %arg0, %c0_i32 : i32, i32
  }
}

module attributes {stable_mosaic.version = 14 : i64} {
  func.func @_fm_kernel(%arg0: i32, %arg1: memref<16x16384xf32, #tpu.memory_space<vmem>>, %arg2: memref<16x6xf32, #tpu.memory_space<vmem>>) attributes {dimension_semantics = [#tpu.dimension_semantics<arbitrary>], iteration_bounds = array<i64: 4>, scalar_prefetch = 0 : i64, scratch_operands = 0 : i64, tpu.core_type = #tpu.core_type<tc>, window_params = [{transform_indices = @transform_0, window_bounds = array<i64: 16, 16384>}, {transform_indices = @transform_1, window_bounds = array<i64: 16, 6>}]} {
    %get3A = arith.constant 0 : index
    %get3A_0 = arith.constant 0 : index
    %get3A_1 = vector.load %arg1[%get3A, %get3A_0] : memref<16x16384xf32, #tpu.memory_space<vmem>>, vector<16x4096xf32>
    %mul3A = arith.mulf %get3A_1, %get3A_1 : vector<16x4096xf32>
    %reduce_sum3A = arith.constant dense<0.000000e+00> : vector<16xf32>
    %reduce_sum3A_2 = vector.multi_reduction <add>, %mul3A, %reduce_sum3A [1] : vector<16x4096xf32> to vector<16xf32>
    %broadcast_in_dim3A = vector.shape_cast %reduce_sum3A_2 : vector<16xf32> to vector<16x1xf32>
    %div3A = arith.constant 4.096000e+03 : f32
    %div3A_3 = vector.broadcast %div3A : f32 to vector<16x1xf32>
    %div3A_4 = arith.divf %broadcast_in_dim3A, %div3A_3 : vector<16x1xf32>
    %sub3A = vector.broadcast %div3A_4 : vector<16x1xf32> to vector<16x4096xf32>
    %sub3A_5 = arith.subf %mul3A, %sub3A : vector<16x4096xf32>
    %mul3A_6 = arith.mulf %sub3A_5, %sub3A_5 : vector<16x4096xf32>
    %reduce_sum3A_7 = arith.constant dense<0.000000e+00> : vector<16xf32>
    %reduce_sum3A_8 = vector.multi_reduction <add>, %mul3A_6, %reduce_sum3A_7 [1] : vector<16x4096xf32> to vector<16xf32>
    %broadcast_in_dim3A_9 = vector.shape_cast %reduce_sum3A_8 : vector<16xf32> to vector<16x1xf32>
    %div3A_10 = arith.constant 4.095000e+03 : f32
    %div3A_11 = vector.broadcast %div3A_10 : f32 to vector<16x1xf32>
    %div3A_12 = arith.divf %broadcast_in_dim3A_9, %div3A_11 : vector<16x1xf32>
    %sqrt3A = math.sqrt %div3A_12 : vector<16x1xf32>
    %jit3A = arith.constant 9.99999993E-9 : f32
    %max3A = vector.broadcast %jit3A : f32 to vector<16x1xf32>
    %max3A_13 = arith.maximumf %max3A, %sqrt3A : vector<16x1xf32>
    %div3A_14 = vector.broadcast %max3A_13 : vector<16x1xf32> to vector<16x4096xf32>
    %div3A_15 = arith.divf %sub3A_5, %div3A_14 : vector<16x4096xf32>
    %get3A_16 = arith.constant 0 : index
    %get3A_17 = arith.constant 4096 : index
    %get3A_18 = vector.load %arg1[%get3A_16, %get3A_17] : memref<16x16384xf32, #tpu.memory_space<vmem>>, vector<16x4096xf32>
    %mul3A_19 = arith.mulf %get3A_18, %get3A_18 : vector<16x4096xf32>
    %reduce_sum3A_20 = arith.constant dense<0.000000e+00> : vector<16xf32>
    %reduce_sum3A_21 = vector.multi_reduction <add>, %mul3A_19, %reduce_sum3A_20 [1] : vector<16x4096xf32> to vector<16xf32>
    %broadcast_in_dim3A_22 = vector.shape_cast %reduce_sum3A_21 : vector<16xf32> to vector<16x1xf32>
    %div3A_23 = arith.constant 4.096000e+03 : f32
    %div3A_24 = vector.broadcast %div3A_23 : f32 to vector<16x1xf32>
    %div3A_25 = arith.divf %broadcast_in_dim3A_22, %div3A_24 : vector<16x1xf32>
    %sub3A_26 = vector.broadcast %div3A_25 : vector<16x1xf32> to vector<16x4096xf32>
    %sub3A_27 = arith.subf %mul3A_19, %sub3A_26 : vector<16x4096xf32>
    %mul3A_28 = arith.mulf %sub3A_27, %sub3A_27 : vector<16x4096xf32>
    %reduce_sum3A_29 = arith.constant dense<0.000000e+00> : vector<16xf32>
    %reduce_sum3A_30 = vector.multi_reduction <add>, %mul3A_28, %reduce_sum3A_29 [1] : vector<16x4096xf32> to vector<16xf32>
    %broadcast_in_dim3A_31 = vector.shape_cast %reduce_sum3A_30 : vector<16xf32> to vector<16x1xf32>
    %div3A_32 = arith.constant 4.095000e+03 : f32
    %div3A_33 = vector.broadcast %div3A_32 : f32 to vector<16x1xf32>
    %div3A_34 = arith.divf %broadcast_in_dim3A_31, %div3A_33 : vector<16x1xf32>
    %sqrt3A_35 = math.sqrt %div3A_34 : vector<16x1xf32>
    %jit3A_36 = arith.constant 9.99999993E-9 : f32
    %max3A_37 = vector.broadcast %jit3A_36 : f32 to vector<16x1xf32>
    %max3A_38 = arith.maximumf %max3A_37, %sqrt3A_35 : vector<16x1xf32>
    %div3A_39 = vector.broadcast %max3A_38 : vector<16x1xf32> to vector<16x4096xf32>
    %div3A_40 = arith.divf %sub3A_27, %div3A_39 : vector<16x4096xf32>
    %get3A_41 = arith.constant 0 : index
    %get3A_42 = arith.constant 8192 : index
    %get3A_43 = vector.load %arg1[%get3A_41, %get3A_42] : memref<16x16384xf32, #tpu.memory_space<vmem>>, vector<16x4096xf32>
    %mul3A_44 = arith.mulf %get3A_43, %get3A_43 : vector<16x4096xf32>
    %reduce_sum3A_45 = arith.constant dense<0.000000e+00> : vector<16xf32>
    %reduce_sum3A_46 = vector.multi_reduction <add>, %mul3A_44, %reduce_sum3A_45 [1] : vector<16x4096xf32> to vector<16xf32>
    %broadcast_in_dim3A_47 = vector.shape_cast %reduce_sum3A_46 : vector<16xf32> to vector<16x1xf32>
    %div3A_48 = arith.constant 4.096000e+03 : f32
    %div3A_49 = vector.broadcast %div3A_48 : f32 to vector<16x1xf32>
    %div3A_50 = arith.divf %broadcast_in_dim3A_47, %div3A_49 : vector<16x1xf32>
    %sub3A_51 = vector.broadcast %div3A_50 : vector<16x1xf32> to vector<16x4096xf32>
    %sub3A_52 = arith.subf %mul3A_44, %sub3A_51 : vector<16x4096xf32>
    %mul3A_53 = arith.mulf %sub3A_52, %sub3A_52 : vector<16x4096xf32>
    %reduce_sum3A_54 = arith.constant dense<0.000000e+00> : vector<16xf32>
    %reduce_sum3A_55 = vector.multi_reduction <add>, %mul3A_53, %reduce_sum3A_54 [1] : vector<16x4096xf32> to vector<16xf32>
    %broadcast_in_dim3A_56 = vector.shape_cast %reduce_sum3A_55 : vector<16xf32> to vector<16x1xf32>
    %div3A_57 = arith.constant 4.095000e+03 : f32
    %div3A_58 = vector.broadcast %div3A_57 : f32 to vector<16x1xf32>
    %div3A_59 = arith.divf %broadcast_in_dim3A_56, %div3A_58 : vector<16x1xf32>
    %sqrt3A_60 = math.sqrt %div3A_59 : vector<16x1xf32>
    %jit3A_61 = arith.constant 9.99999993E-9 : f32
    %max3A_62 = vector.broadcast %jit3A_61 : f32 to vector<16x1xf32>
    %max3A_63 = arith.maximumf %max3A_62, %sqrt3A_60 : vector<16x1xf32>
    %div3A_64 = vector.broadcast %max3A_63 : vector<16x1xf32> to vector<16x4096xf32>
    %div3A_65 = arith.divf %sub3A_52, %div3A_64 : vector<16x4096xf32>
    %get3A_66 = arith.constant 0 : index
    %get3A_67 = arith.constant 12288 : index
    %get3A_68 = vector.load %arg1[%get3A_66, %get3A_67] : memref<16x16384xf32, #tpu.memory_space<vmem>>, vector<16x4096xf32>
    %mul3A_69 = arith.mulf %get3A_68, %get3A_68 : vector<16x4096xf32>
    %reduce_sum3A_70 = arith.constant dense<0.000000e+00> : vector<16xf32>
    %reduce_sum3A_71 = vector.multi_reduction <add>, %mul3A_69, %reduce_sum3A_70 [1] : vector<16x4096xf32> to vector<16xf32>
    %broadcast_in_dim3A_72 = vector.shape_cast %reduce_sum3A_71 : vector<16xf32> to vector<16x1xf32>
    %div3A_73 = arith.constant 4.096000e+03 : f32
    %div3A_74 = vector.broadcast %div3A_73 : f32 to vector<16x1xf32>
    %div3A_75 = arith.divf %broadcast_in_dim3A_72, %div3A_74 : vector<16x1xf32>
    %sub3A_76 = vector.broadcast %div3A_75 : vector<16x1xf32> to vector<16x4096xf32>
    %sub3A_77 = arith.subf %mul3A_69, %sub3A_76 : vector<16x4096xf32>
    %mul3A_78 = arith.mulf %sub3A_77, %sub3A_77 : vector<16x4096xf32>
    %reduce_sum3A_79 = arith.constant dense<0.000000e+00> : vector<16xf32>
    %reduce_sum3A_80 = vector.multi_reduction <add>, %mul3A_78, %reduce_sum3A_79 [1] : vector<16x4096xf32> to vector<16xf32>
    %broadcast_in_dim3A_81 = vector.shape_cast %reduce_sum3A_80 : vector<16xf32> to vector<16x1xf32>
    %div3A_82 = arith.constant 4.095000e+03 : f32
    %div3A_83 = vector.broadcast %div3A_82 : f32 to vector<16x1xf32>
    %div3A_84 = arith.divf %broadcast_in_dim3A_81, %div3A_83 : vector<16x1xf32>
    %sqrt3A_85 = math.sqrt %div3A_84 : vector<16x1xf32>
    %jit3A_86 = arith.constant 9.99999993E-9 : f32
    %max3A_87 = vector.broadcast %jit3A_86 : f32 to vector<16x1xf32>
    %max3A_88 = arith.maximumf %max3A_87, %sqrt3A_85 : vector<16x1xf32>
    %div3A_89 = vector.broadcast %max3A_88 : vector<16x1xf32> to vector<16x4096xf32>
    %div3A_90 = arith.divf %sub3A_77, %div3A_89 : vector<16x4096xf32>
    %iota3A = tpu.iota {dimensions = array<i32: 1>} : vector<16x6xi32>
    %broadcast_in_dim3A_91 = arith.constant 0.000000e+00 : f32
    %broadcast_in_dim3A_92 = vector.broadcast %broadcast_in_dim3A_91 : f32 to vector<16x6xf32>
    %mul3A_93 = arith.mulf %div3A_15, %div3A_40 : vector<16x4096xf32>
    %reduce_sum3A_94 = arith.constant dense<0.000000e+00> : vector<16xf32>
    %reduce_sum3A_95 = vector.multi_reduction <add>, %mul3A_93, %reduce_sum3A_94 [1] : vector<16x4096xf32> to vector<16xf32>
    %mul3A_96 = arith.constant 2.44140625E-4 : f32
    %mul3A_97 = vector.broadcast %mul3A_96 : f32 to vector<16xf32>
    %mul3A_98 = arith.mulf %reduce_sum3A_95, %mul3A_97 : vector<16xf32>
    %eq3A = arith.constant 0 : i32
    %eq3A_99 = vector.broadcast %eq3A : i32 to vector<16x6xi32>
    %eq3A_100 = arith.cmpi eq, %iota3A, %eq3A_99 : vector<16x6xi32>
    %broadcast_in_dim3A_101 = vector.shape_cast %mul3A_98 : vector<16xf32> to vector<16x1xf32>
    %jit3A_102 = arith.constant 0.000000e+00 : f32
    %broadcast_in_dim3A_103 = vector.shape_cast %broadcast_in_dim3A_101 : vector<16x1xf32> to vector<16x1xf32>
    %broadcast_in_dim3A_104 = vector.broadcast %broadcast_in_dim3A_103 : vector<16x1xf32> to vector<16x6xf32>
    %broadcast_in_dim3A_105 = vector.broadcast %jit3A_102 : f32 to vector<16x6xf32>
    %select_n3A = arith.select %eq3A_100, %broadcast_in_dim3A_104, %broadcast_in_dim3A_105 : vector<16x6xi1>, vector<16x6xf32>
    %add3A = arith.addf %broadcast_in_dim3A_92, %select_n3A : vector<16x6xf32>
    %mul3A_106 = arith.mulf %div3A_15, %div3A_65 : vector<16x4096xf32>
    %reduce_sum3A_107 = arith.constant dense<0.000000e+00> : vector<16xf32>
    %reduce_sum3A_108 = vector.multi_reduction <add>, %mul3A_106, %reduce_sum3A_107 [1] : vector<16x4096xf32> to vector<16xf32>
    %mul3A_109 = arith.constant 2.44140625E-4 : f32
    %mul3A_110 = vector.broadcast %mul3A_109 : f32 to vector<16xf32>
    %mul3A_111 = arith.mulf %reduce_sum3A_108, %mul3A_110 : vector<16xf32>
    %eq3A_112 = arith.constant 1 : i32
    %eq3A_113 = vector.broadcast %eq3A_112 : i32 to vector<16x6xi32>
    %eq3A_114 = arith.cmpi eq, %iota3A, %eq3A_113 : vector<16x6xi32>
    %broadcast_in_dim3A_115 = vector.shape_cast %mul3A_111 : vector<16xf32> to vector<16x1xf32>
    %jit3A_116 = arith.constant 0.000000e+00 : f32
    %broadcast_in_dim3A_117 = vector.shape_cast %broadcast_in_dim3A_115 : vector<16x1xf32> to vector<16x1xf32>
    %broadcast_in_dim3A_118 = vector.broadcast %broadcast_in_dim3A_117 : vector<16x1xf32> to vector<16x6xf32>
    %broadcast_in_dim3A_119 = vector.broadcast %jit3A_116 : f32 to vector<16x6xf32>
    %select_n3A_120 = arith.select %eq3A_114, %broadcast_in_dim3A_118, %broadcast_in_dim3A_119 : vector<16x6xi1>, vector<16x6xf32>
    %add3A_121 = arith.addf %add3A, %select_n3A_120 : vector<16x6xf32>
    %mul3A_122 = arith.mulf %div3A_15, %div3A_90 : vector<16x4096xf32>
    %reduce_sum3A_123 = arith.constant dense<0.000000e+00> : vector<16xf32>
    %reduce_sum3A_124 = vector.multi_reduction <add>, %mul3A_122, %reduce_sum3A_123 [1] : vector<16x4096xf32> to vector<16xf32>
    %mul3A_125 = arith.constant 2.44140625E-4 : f32
    %mul3A_126 = vector.broadcast %mul3A_125 : f32 to vector<16xf32>
    %mul3A_127 = arith.mulf %reduce_sum3A_124, %mul3A_126 : vector<16xf32>
    %eq3A_128 = arith.constant 2 : i32
    %eq3A_129 = vector.broadcast %eq3A_128 : i32 to vector<16x6xi32>
    %eq3A_130 = arith.cmpi eq, %iota3A, %eq3A_129 : vector<16x6xi32>
    %broadcast_in_dim3A_131 = vector.shape_cast %mul3A_127 : vector<16xf32> to vector<16x1xf32>
    %jit3A_132 = arith.constant 0.000000e+00 : f32
    %broadcast_in_dim3A_133 = vector.shape_cast %broadcast_in_dim3A_131 : vector<16x1xf32> to vector<16x1xf32>
    %broadcast_in_dim3A_134 = vector.broadcast %broadcast_in_dim3A_133 : vector<16x1xf32> to vector<16x6xf32>
    %broadcast_in_dim3A_135 = vector.broadcast %jit3A_132 : f32 to vector<16x6xf32>
    %select_n3A_136 = arith.select %eq3A_130, %broadcast_in_dim3A_134, %broadcast_in_dim3A_135 : vector<16x6xi1>, vector<16x6xf32>
    %add3A_137 = arith.addf %add3A_121, %select_n3A_136 : vector<16x6xf32>
    %mul3A_138 = arith.mulf %div3A_40, %div3A_65 : vector<16x4096xf32>
    %reduce_sum3A_139 = arith.constant dense<0.000000e+00> : vector<16xf32>
    %reduce_sum3A_140 = vector.multi_reduction <add>, %mul3A_138, %reduce_sum3A_139 [1] : vector<16x4096xf32> to vector<16xf32>
    %mul3A_141 = arith.constant 2.44140625E-4 : f32
    %mul3A_142 = vector.broadcast %mul3A_141 : f32 to vector<16xf32>
    %mul3A_143 = arith.mulf %reduce_sum3A_140, %mul3A_142 : vector<16xf32>
    %eq3A_144 = arith.constant 3 : i32
    %eq3A_145 = vector.broadcast %eq3A_144 : i32 to vector<16x6xi32>
    %eq3A_146 = arith.cmpi eq, %iota3A, %eq3A_145 : vector<16x6xi32>
    %broadcast_in_dim3A_147 = vector.shape_cast %mul3A_143 : vector<16xf32> to vector<16x1xf32>
    %jit3A_148 = arith.constant 0.000000e+00 : f32
    %broadcast_in_dim3A_149 = vector.shape_cast %broadcast_in_dim3A_147 : vector<16x1xf32> to vector<16x1xf32>
    %broadcast_in_dim3A_150 = vector.broadcast %broadcast_in_dim3A_149 : vector<16x1xf32> to vector<16x6xf32>
    %broadcast_in_dim3A_151 = vector.broadcast %jit3A_148 : f32 to vector<16x6xf32>
    %select_n3A_152 = arith.select %eq3A_146, %broadcast_in_dim3A_150, %broadcast_in_dim3A_151 : vector<16x6xi1>, vector<16x6xf32>
    %add3A_153 = arith.addf %add3A_137, %select_n3A_152 : vector<16x6xf32>
    %mul3A_154 = arith.mulf %div3A_40, %div3A_90 : vector<16x4096xf32>
    %reduce_sum3A_155 = arith.constant dense<0.000000e+00> : vector<16xf32>
    %reduce_sum3A_156 = vector.multi_reduction <add>, %mul3A_154, %reduce_sum3A_155 [1] : vector<16x4096xf32> to vector<16xf32>
    %mul3A_157 = arith.constant 2.44140625E-4 : f32
    %mul3A_158 = vector.broadcast %mul3A_157 : f32 to vector<16xf32>
    %mul3A_159 = arith.mulf %reduce_sum3A_156, %mul3A_158 : vector<16xf32>
    %eq3A_160 = arith.constant 4 : i32
    %eq3A_161 = vector.broadcast %eq3A_160 : i32 to vector<16x6xi32>
    %eq3A_162 = arith.cmpi eq, %iota3A, %eq3A_161 : vector<16x6xi32>
    %broadcast_in_dim3A_163 = vector.shape_cast %mul3A_159 : vector<16xf32> to vector<16x1xf32>
    %jit3A_164 = arith.constant 0.000000e+00 : f32
    %broadcast_in_dim3A_165 = vector.shape_cast %broadcast_in_dim3A_163 : vector<16x1xf32> to vector<16x1xf32>
    %broadcast_in_dim3A_166 = vector.broadcast %broadcast_in_dim3A_165 : vector<16x1xf32> to vector<16x6xf32>
    %broadcast_in_dim3A_167 = vector.broadcast %jit3A_164 : f32 to vector<16x6xf32>
    %select_n3A_168 = arith.select %eq3A_162, %broadcast_in_dim3A_166, %broadcast_in_dim3A_167 : vector<16x6xi1>, vector<16x6xf32>
    %add3A_169 = arith.addf %add3A_153, %select_n3A_168 : vector<16x6xf32>
    %mul3A_170 = arith.mulf %div3A_65, %div3A_90 : vector<16x4096xf32>
    %reduce_sum3A_171 = arith.constant dense<0.000000e+00> : vector<16xf32>
    %reduce_sum3A_172 = vector.multi_reduction <add>, %mul3A_170, %reduce_sum3A_171 [1] : vector<16x4096xf32> to vector<16xf32>
    %mul3A_173 = arith.constant 2.44140625E-4 : f32
    %mul3A_174 = vector.broadcast %mul3A_173 : f32 to vector<16xf32>
    %mul3A_175 = arith.mulf %reduce_sum3A_172, %mul3A_174 : vector<16xf32>
    %eq3A_176 = arith.constant 5 : i32
    %eq3A_177 = vector.broadcast %eq3A_176 : i32 to vector<16x6xi32>
    %eq3A_178 = arith.cmpi eq, %iota3A, %eq3A_177 : vector<16x6xi32>
    %broadcast_in_dim3A_179 = vector.shape_cast %mul3A_175 : vector<16xf32> to vector<16x1xf32>
    %jit3A_180 = arith.constant 0.000000e+00 : f32
    %broadcast_in_dim3A_181 = vector.shape_cast %broadcast_in_dim3A_179 : vector<16x1xf32> to vector<16x1xf32>
    %broadcast_in_dim3A_182 = vector.broadcast %broadcast_in_dim3A_181 : vector<16x1xf32> to vector<16x6xf32>
    %broadcast_in_dim3A_183 = vector.broadcast %jit3A_180 : f32 to vector<16x6xf32>
    %select_n3A_184 = arith.select %eq3A_178, %broadcast_in_dim3A_182, %broadcast_in_dim3A_183 : vector<16x6xi1>, vector<16x6xf32>
    %add3A_185 = arith.addf %add3A_169, %select_n3A_184 : vector<16x6xf32>
    %swap3A = arith.constant 0 : index
    %swap3A_186 = arith.constant 0 : index
    %swap3A_187 = vector.load %arg2[%swap3A, %swap3A_186] : memref<16x6xf32, #tpu.memory_space<vmem>>, vector<16x6xf32>
    tpu.vector_store %arg2[%swap3A, %swap3A_186], %add3A_185 {strides = array<i32>} : memref<16x6xf32, #tpu.memory_space<vmem>>, vector<16x6xf32>,
    return
  }
  func.func @transform_0(%arg0: i32) -> (i32, i32) {
    %c0_i32 = arith.constant 0 : i32
    %c0_i32_0 = arith.constant 0 : i32
    return %arg0, %c0_i32 : i32, i32
  }
  func.func @transform_1(%arg0: i32) -> (i32, i32) {
    %c0_i32 = arith.constant 0 : i32
    %c0_i32_0 = arith.constant 0 : i32
    return %arg0, %c0_i32 : i32, i32
  }
}

module attributes {stable_mosaic.version = 14 : i64} {
  func.func @_reduce_kernel(%arg0: i32, %arg1: i32, %arg2: memref<1x2048x1024xf32, #tpu.memory_space<vmem>>, %arg3: memref<1024x16xf32, #tpu.memory_space<vmem>>, %arg4: memref<32x16x64xf32, #tpu.memory_space<vmem>>) attributes {dimension_semantics = [#tpu.dimension_semantics<arbitrary>, #tpu.dimension_semantics<arbitrary>], iteration_bounds = array<i64: 4, 2>, scalar_prefetch = 0 : i64, scratch_operands = 0 : i64, tpu.core_type = #tpu.core_type<tc>, window_params = [{transform_indices = @transform_0, window_bounds = array<i64: 1, 2048, 1024>}, {pipeline_mode = #tpu.pipeline_mode<synchronous>, transform_indices = @transform_1, window_bounds = array<i64: 1024, 16>}, {transform_indices = @transform_2, window_bounds = array<i64: 32, 16, 64>}]} {
    %get3A = arith.constant 0 : index
    %get3A_0 = arith.constant 0 : index
    %get3A_1 = arith.constant 0 : index
    %get3A_2 = vector.load %arg2[%get3A, %get3A_0, %get3A_1] : memref<1x2048x1024xf32, #tpu.memory_space<vmem>>, vector<1x2048x1024xf32>
    %get3A_3 = vector.shape_cast %get3A_2 : vector<1x2048x1024xf32> to vector<2048x1024xf32>
    %get3A_4 = arith.constant 0 : index
    %get3A_5 = arith.constant 0 : index
    %get3A_6 = vector.load %arg3[%get3A_4, %get3A_5] : memref<1024x16xf32, #tpu.memory_space<vmem>>, vector<1024x16xf32>
    %dot_general3A = arith.constant dense<0.000000e+00> : vector<2048x16xf32>
    %dot_general3A_7 = tpu.matmul %get3A_3, %get3A_6, %dot_general3A {dimension_numbers = #tpu.dot_dimension_numbers<[1], [0], [0], [1], [0, 0, 1, 1], [], []>, transpose_lhs_hint = false} : vector<2048x1024xf32>, vector<1024x16xf32>, vector<2048x16xf32> -> vector<2048x16xf32>
    %reshape3A = vector.shape_cast %dot_general3A_7 : vector<2048x16xf32> to vector<32x64x16xf32>
    %transpose3A = tpu.transpose %reshape3A, [0, 2, 1] : vector<32x64x16xf32> -> vector<32x16x64xf32>
    %swap3A = arith.constant 0 : index
    %swap3A_8 = arith.constant 0 : index
    %swap3A_9 = arith.constant 0 : index
    %swap3A_10 = vector.load %arg4[%swap3A, %swap3A_8, %swap3A_9] : memref<32x16x64xf32, #tpu.memory_space<vmem>>, vector<32x16x64xf32>
    tpu.vector_store %arg4[%swap3A, %swap3A_8, %swap3A_9], %transpose3A {strides = array<i32>} : memref<32x16x64xf32, #tpu.memory_space<vmem>>, vector<32x16x64xf32>,
    return
  }
  func.func @transform_0(%arg0: i32, %arg1: i32) -> (i32, i32, i32) {
    %c0_i32 = arith.constant 0 : i32
    %c0_i32_0 = arith.constant 0 : i32
    return %arg0, %arg1, %c0_i32 : i32, i32, i32
  }
  func.func @transform_1(%arg0: i32, %arg1: i32) -> (i32, i32) {
    %c0_i32 = arith.constant 0 : i32
    %c0_i32_0 = arith.constant 0 : i32
    %c0_i32_1 = arith.constant 0 : i32
    return %c0_i32, %c0_i32_0 : i32, i32
  }
  func.func @transform_2(%arg0: i32, %arg1: i32) -> (i32, i32, i32) {
    %c0_i32 = arith.constant 0 : i32
    %c0_i32_0 = arith.constant 0 : i32
    return %arg1, %arg0, %c0_i32 : i32, i32, i32
  }
}

</mosaic_0001>

<sc_bundles>
// kernel: _run.6.cloned.1.call-start
scs
__scs_entry_jumppad:
0x0: {  	(pc) =	sbr.rel $0x88, $3  }
0x1: {  	(tag) =	ssettag $0x0;
	lr =	simm.s32 $0x1  }
0x2: {  	[smem:$0x3FA0] =	sst lr;
	_ =	strace $0xD0000000  }
0x3: {  	_ = 	snop  }
0x4: {  	_ = 	snop  }
0x5: {  	_ = 	snop  }
0x6: {  	_ = 	snop  }
0x7: {  	_ = 	snop  }
__scs_overlays_trampoline_lowered:
0x8: {  	[smem:$0x3FAF] =	sst s0  }
0x9: {  	[smem:$0x3FB0] =	sst s1  }
0xa: {  	[smem:$0x3FB1] =	sst s2  }
0xb: {  	[smem:$0x3FB2] =	sst s3  }
0xc: {  	[smem:$0x3FB3] =	sst s4  }
0xd: {  	[smem:$0x3FB4] =	sst s5  }
0xe: {  	[smem:$0x3FB5] =	sst s6  }
0xf: {  	[smem:$0x3FB6] =	sst s7  }
0x10: {  	[smem:$0x3FB7] =	sst s8  }
0x11: {  	[smem:$0x3FB8] =	sst s9;
	s0 =	simm.s32 @!p0 $0x0  }
0x12: {  	s1 =	sld [smem:$0x3F9E];
	s0 =	simm.s32 @p0 $0x1  }
0x13: {  	[smem:$0x3FB9] =	sst s0;
	s0 =	simm.s32 @!p1 $0x0  }
0x14: {  	s2 =	sld [smem:$0x3F9D];
	s0 =	simm.s32 @p1 $0x1  }
0x15: {  	[smem:$0x3FBA] =	sst s0;
	s0 =	simm.s32 @!p2 $0x0  }
0x16: {  	s3 =	sld [smem:$0x3FDB];
	s0 =	simm.s32 @p2 $0x1  }
0x17: {  	s4 =	simm.s32 $0x1BF5;
	[smem:$0x3FBC] =	sst s0  }
0x18: {  	s0 =	sld [smem:$0x3F9F];
	_ =	swait.ge [sflag:s4], $0x0  }
0x19: {  	s7 =	sld [smem:$0x3FA0]  }
0x1a: {  	s8 =	sadd.s32 $0xFFFFE003, lr  }
0x1b: {  	s9 =	sadd.s32 $0xFFFFFEF7, lr;
	s5 =	simm.s32 $0xFFFFFFFF;
	p2 =	slt.u32 s8, $0xFFFFF086  }
0x1c: {  	p1 =	slt.u32 s9, $0xF7A;
	s5 =	simm.s32 @!p2 $0x0  }
0x1d: {  	s5 =	simm.s32 @p1 $0x1;
	p0 =	seq.s32 s7, s2  }
0x1e: {  	s7 =	smul.u32 @!p0 $0xF7A, s2;
	p2 =	seq.s32 @!p0 s5, $0x0  }
0x1f: {  	s9 =	smul.u32 $0xF7A, s1;
	s8 =	simm.s32 @!p0 $0x1BF5;
	p2 =	por !p2, p0  }
0x20: {  	[sflag:s8] =	ssyncset.s32 @!p0 $0xFFFFF086;
	s6 =	sadd.s32 @!p0 s3, s7;
	s7 =	simm.s32 @!p0 $0x108  }
0x21: {  	s3 =	sadd.s32 s3, s9;
	s6 =	sadd.s32 @!p0 $0x88, s6;
	s7 =	simm.s32 @p2 $0x1082  }
0x22: {  	[simem:s7], [sflag:s8] =	dma.local @!p0 [hbm:s6], $0xF7A  }
0x23: {  	s9 =	sor.u32 $0xD0000000, s2;
	s6 =	simm.s32 $0x108;
	_ =	swait.ge @!p0 [sflag:s8], $0x0  }
0x24: {  	s3 =	sadd.s32 $0x88, s3;
	s6 =	simm.s32 @!p1 $0x1082;
	[sflag:s4] =	ssyncset.s32 $0xFFFFF086  }
0x25: {  	[simem:s6], [sflag:s4] =	dma.local [hbm:s3], $0xF7A  }
0x26: {  	[smem:$0x3FA0] =	sst s1;
	(tag) =	ssettag s2;
	_ =	strace s9  }
0x27: {  	s1 =	sld [smem:$0x3FB0]  }
0x28: {  	s2 =	sld [smem:$0x3FB1]  }
0x29: {  	s4 =	sld [smem:$0x3FB3]  }
0x2a: {  	p0 =	seq.s32 s5, $0x0;
	s5 =	sld [smem:$0x3FB4]  }
0x2b: {  	s6 =	sld [smem:$0x3FB5]  }
0x2c: {  	s7 =	sld [smem:$0x3FB6]  }
0x2d: {  	s3 =	simm.s32 $0x108;
	s8 =	sld [smem:$0x3FB7]  }
0x2e: {  	s3 =	simm.s32 @!p0 $0x1082;
	s9 =	sld [smem:$0x3FB8]  }
0x2f: {  	lr =	sadd.s32 s0, s3;
	s0 =	sld [smem:$0x3FAF]  }
0x30: {  	s3 =	sld [smem:$0x3FB2]  }
0x31: {  	[smem:$0x3FBB] =	sst s10  }
0x32: {  	s10 =	sld [smem:$0x3FB9];
	_ =	sdelay $0x3  }
0x33: {  	p0 =	seq.s32 s10, $0x1;
	s10 =	sld [smem:$0x3FBB];
	_ =	sdelay $0x3  }
0x34: {  	[smem:$0x3FBB] =	sst s10  }
0x35: {  	s10 =	sld [smem:$0x3FBA];
	_ =	sdelay $0x3  }
0x36: {  	p1 =	seq.s32 s10, $0x1;
	s10 =	sld [smem:$0x3FBB];
	_ =	sdelay $0x3  }
0x37: {  	[smem:$0x3FBB] =	sst s10  }
0x38: {  	s10 =	sld [smem:$0x3FBC]  }
0x39: {  	_ = 	snop;
	(pc) =	sbr.ind lr, $3  }
0x3a: {  	_ = 	snop  }
0x3b: {  	_ = 	snop  }
0x3c: {  	p2 =	seq.s32 s10, $0x1;
	s10 =	sld [smem:$0x3FBB]  }
0x3d: {  	_ =	shalt  }
0x3e: {  	_ =	shalt  }
0x3f: {  	_ =	shalt  }
0x40: {  	_ =	shalt  }
0x41: {  	_ =	shalt  }
0x42: {  	_ =	shalt  }
0x43: {  	_ =	shalt  }
0x44: {  	_ =	shalt  }
0x45: {  	_ =	shalt  }
0x46: {  	_ =	shalt  }
0x47: {  	_ =	shalt  }
0x48: {  	_ =	shalt  }
0x49: {  	_ =	shalt  }
0x4a: {  	_ =	shalt  }
0x4b: {  	_ =	shalt  }
0x4c: {  	_ =	shalt  }
0x4d: {  	_ =	shalt  }
0x4e: {  	_ =	shalt  }
0x4f: {  	_ =	shalt  }
0x50: {  	_ =	shalt  }
0x51: {  	_ =	shalt  }
0x52: {  	_ =	shalt  }
0x53: {  	_ =	shalt  }
0x54: {  	_ =	shalt  }
0x55: {  	_ =	shalt  }
0x56: {  	_ =	shalt  }
0x57: {  	_ =	shalt  }
0x58: {  	_ =	shalt  }
0x59: {  	_ =	shalt  }
0x5a: {  	_ =	shalt  }
0x5b: {  	_ =	shalt  }
0x5c: {  	_ =	shalt  }
0x5d: {  	_ =	shalt  }
0x5e: {  	_ =	shalt  }
0x5f: {  	_ =	shalt  }
0x60: {  	_ =	shalt  }
0x61: {  	_ =	shalt  }
0x62: {  	_ =	shalt  }
0x63: {  	_ =	shalt  }
0x64: {  	_ =	shalt  }
0x65: {  	_ =	shalt  }
0x66: {  	_ =	shalt  }
0x67: {  	_ =	shalt  }
0x68: {  	_ =	shalt  }
0x69: {  	_ =	shalt  }
0x6a: {  	_ =	shalt  }
0x6b: {  	_ =	shalt  }
0x6c: {  	_ =	shalt  }
0x6d: {  	_ =	shalt  }
0x6e: {  	_ =	shalt  }
0x6f: {  	_ =	shalt  }
0x70: {  	_ =	shalt  }
0x71: {  	_ =	shalt  }
0x72: {  	_ =	shalt  }
0x73: {  	_ =	shalt  }
0x74: {  	_ =	shalt  }
0x75: {  	_ =	shalt  }
0x76: {  	_ =	shalt  }
0x77: {  	_ =	shalt  }
0x78: {  	_ =	shalt  }
0x79: {  	_ =	shalt  }
0x7a: {  	_ =	shalt  }
0x7b: {  	_ =	shalt  }
0x7c: {  	_ =	shalt  }
0x7d: {  	_ =	shalt  }
0x7e: {  	_ =	shalt  }
0x7f: {  	_ =	shalt  }
0x80: {  	_ =	shalt  }
0x81: {  	_ =	shalt  }
0x82: {  	_ =	shalt  }
0x83: {  	_ =	shalt  }
0x84: {  	_ =	shalt  }
0x85: {  	_ =	shalt  }
0x86: {  	_ =	shalt  }
0x87: {  	_ =	shalt  }
.Lfunc_end0:
.L_simem_size_0:
called_computation_lowered:
.L_overlay_start_0:
0x88: {  	s2 =	sld [smem:$0x3FD9]  }
0x89: {  	s3 =	sld [smem:$0x3FFE];
	_ =	sdelay $0x1  }
0x8a: {  	s1 =	srdreg.scid  }
0x8b: {  	s0 =	sand.u32 $0x1, s1  }
0x8c: {  	s14 =	sshll.u32 s0, $0xA;
	s2 =	sadd.s32 s3, s2  }
0x8d: {  	s2 =	sadd.s32 s2, s14  }
0x8e: {  	[smem:$0x3FC7] =	sst s2  }
0x8f: {  	_ = 	snop  }
0x90: {  	s2 =	sld [smem:$0x3FD0];
	_ =	sdelay $0x2  }
0x91: {  	s15 =	simm.s32 $0xA;
	s4 =	simm.s32 $0x10  }
0x92: {  	[smem:s4], [sflag:s15] =	dma.local [hbm:s2], $0x1  }
0x93: {  	_ =	swait.eq [sflag:s15], $0x1  }
0x94: {  	[sflag:s15] =	ssyncset.done $0x0  }
0x95: {  	[sflag:s15] =	ssyncadd.s32 $0xFFFFFFFF  }
0x96: {  	s16 =	sld [smem:$0x10];
	(tm) =	ssettm $0x1  }
0x97: {  	s17 =	sld [smem:$0x3FFB];
	_ =	sdelay $0x3  }
0x98: {  	_ =	strace s17  }
0x99: {  	s3 =	sld [smem:$0x3FFC];
	_ =	sdelay $0x3  }
0x9a: {  	_ =	strace s3  }
0x9b: {  	s3 =	sld [smem:$0x3FFD];
	_ =	sdelay $0x3  }
0x9c: {  	_ =	strace s3  }
0x9d: {  	_ =	strace $0x8FFFFFFF  }
0x9e: {  	s18 =	sld [smem:$0x3FDB];
	_ =	sdelay $0x1  }
0x9f: {  	s19 =	simm.s32 $_scs_section_size  }
0xa0: {  	s5 =	simm.s32 $_size__tile_overlayer_lowered;
	s6 =	simm.s32 $_tile_overlayer_lowered  }
0xa1: {  	s22 =	simm.s32 $0x1BFF;
	s21 =	sshll.u32 s6, $0x1;
	s3 =	sadd.s32 s19, s18  }
0xa2: {  	s7 =	simm.s32 $0x0;
	s20 =	sshll.u32 s5, $0x1;
	s5 =	sadd.s32 s21, s3  }
0xa3: {  	[timem:s7], [sflag:s22] =	dma.local [hbm:s5], s20  }
0xa4: {  	_ =	swait.ge [sflag:s22], s20  }
0xa5: {  	s4 =	ssub.s32 $0x0, s20;
	[sflag:s22] =	ssyncset.done $0x0  }
0xa6: {  	[sflag:s22] =	ssyncadd.s32 s4;
	_ =	sdelay $0x1  }
0xa7: {  	s23 =	simm.s32 $0x1B8B  }
0xa8: {  	_ =	swait.ge [sflag:s23], $0x1  }
0xa9: {  	[sflag:s23] =	ssyncset.done $0x0  }
0xaa: {  	s25 =	simm.s32 $0x1B8E;
	s24 =	sld [smem:$0x3FFE];
	[sflag:s23] =	ssyncadd.s32 $0xFFFFFFFF  }
0xab: {  	s26 =	simm.s32 $execute0_lowered;
	[smem:$0x3FD2] =	sst s25  }
0xac: {  	s5 =	sshll.u32 s26, $0x1;
	_ =	strace $0x80000046;
	[dreg:$0x1] =	wrdreg $0xFFFFFFFF  }
0xad: {  	s28 =	simm.s32 $_size_execute0_lowered;
	s3 =	sadd.s32 s3, s5;
	[dreg:$0x0] =	wrdreg $0x0  }
0xae: {  	s5 =	sshll.u32 s28, $0x1;
	[dreg:$0x2] =	wrdreg s3  }
0xaf: {  	[dreg:$0x3] =	wrdreg s5  }
0xb0: {  	[dreg:$0x4] =	wrdreg $0xC0  }
0xb1: {  	_ =	task [dreg:s7], $0x5FFFF  }
0xb2: {  	[dreg:$0x1] =	wrdreg $0xFFFFFFFF  }
0xb3: {  	[dreg:$0x0] =	wrdreg $0x60  }
0xb4: {  	[dreg:$0x2] =	wrdreg s24  }
0xb5: {  	[dreg:$0x3] =	wrdreg s16  }
0xb6: {  	[dreg:$0x4] =	wrdreg $0x9  }
0xb7: {  	_ =	task.clear_ibuf [dreg:s7], $0x5FFFF;
	_ =	strace $0x90000046  }
0xb8: {  	s29 =	simm.s32 $0x9;
	_ =	strace $0x80000048  }
0xb9: {  	_ =	swait.ge [sflag:s29], $0x1  }
0xba: {  	[sflag:s29] =	ssyncadd.s32 $0xFFFFFFFF  }
0xbb: {  	_ =	strace $0x90000048  }
0xbc: {  	_ =	sfence  }
0xbd: {  	s30 =	sld [smem:$0x0];
	_ =	sdelay $0x2  }
0xbe: {  	s31 =	sshll.u32 s1, $0xD;
	s1 =	sshrl.u32 s1, $0x2  }
0xbf: {  	s3 =	sand.u32 $0x4000, s31;
	s1 =	sadd.s32 s1, s30  }
0xc0: {  	s0 =	sor.u32 s3, s0;
	s1 =	sshll.u32 s1, $0x11  }
0xc1: {  	s0 =	sor.u32 s1, s0  }
0xc2: {  	s0 =	sadd.s32 $0x8F2B, s0  }
0xc3: {  	[sflag:s0] =	ssyncadd.remote.s32 $0x1  }
0xc4: {  	_ =	sfence.sel $0xFFFF  }
0xc5: {  	[dreg:$0x0] =	wrdreg $0xFFFFFFFF;
	(pc) =	sbr.abs _section_cstart, $3  }
0xc6: {  	[dreg:$0x1] =	wrdreg $0xFFFFFFFF  }
0xc7: {  	_ =	task.clear_ibuf [dreg:s7], $0x2FFFF;
	_ =	strace $0x9FFFFFFF  }
0xc8: {  	(tm) =	ssettm $0x7FFFFFFF  }
0xc9: {  	_ =	shalt  }
tec
execute0_lowered:
.L_overlay_start_1:
0x0: {  	(tag) =	ssettag $0x1  }
0x1: {  	v0 =	vlaneseq.u32  }
0x2: {  	v1 =	vmul.u32 $0x10, v0  }
0x3: {  	v2 =	vimm.f32 $0.0e+00;
	v3 =	vimm.f32 $1.000000000e+00  }
0x4: {  	v4 =	vor.u32 $0x1, v1;
	v14 =	vor.u32 $0xB, v1;
	v15 =	vor.u32 $0xC, v1  }
0x5: {  	s3 =	rddreg [dreg:$0x0];
	v16 =	vor.u32 $0xD, v1;
	v17 =	vor.u32 $0xE, v1;
	v18 =	vor.u32 $0xF, v1  }
0x6: {  	s6 =	rddreg [dreg:$0x1];
	v19 =	vor.u32 $0x100, v1;
	v20 =	vor.u32 $0x101, v1;
	v21 =	vor.u32 $0x102, v1  }
0x7: {  	s0 =	rddreg [dreg:$0x2];
	s1 =	simm.s32 $0x0;
	v22 =	vor.u32 $0x103, v1;
	v23 =	vor.u32 $0x104, v1;
	v24 =	vor.u32 $0x105, v1  }
0x8: {  	s4 =	srdreg.scid;
	s2 =	stileid.u32;
	s12 =	simm.s32 $0x4300;
	v25 =	vor.u32 $0x106, v1;
	v26 =	vor.u32 $0x107, v1;
	v27 =	vor.u32 $0x108, v1  }
0x9: {  	s13 =	simm.s32 $0x0;
	[smem:$0x7FF] =	sst s1;
	s4 =	sand.u32 $0x1, s4;
	v28 =	vor.u32 $0x109, v1;
	v29 =	vor.u32 $0x10A, v1;
	[tilespmem:$0x1FF60] =	vst v4;
	v4 =	vor.u32 $0x2, v1  }
0xa: {  	s5 =	sshll.u32 s2, $0x9;
	s8 =	sshrl.u32 s2, $0x1;
	s9 =	sadd.s32 $0x1400, s3;
	v30 =	vor.u32 $0x10B, v1;
	v31 =	vor.u32 $0x10C, v1;
	[tilespmem:$0x1FF70] =	vst v4;
	v4 =	vor.u32 $0x3, v1  }
0xb: {  	s7 =	sshll.u32 s4, $0x8;
	s5 =	sand.u32 $0x200, s5;
	s4 =	ssub.s32 $0x2, s4;
	v32 =	vor.u32 $0x10D, v1;
	v33 =	vor.u32 $0x10E, v1;
	[tilespmem:$0x1FF80] =	vst v4;
	v4 =	vor.u32 $0x4, v1  }
0xc: {  	s26 =	sshll.u32 s8, $0x11;
	s5 =	sor.u32 s7, s5;
	s28 =	sshrl.u32 s4, $0x1;
	v34 =	vor.u32 $0x10F, v1;
	v35 =	vor.u32 $0x200, v1;
	[tilespmem:$0x1FF90] =	vst v4;
	v4 =	vor.u32 $0x5, v1  }
0xd: {  	s30 =	sshll.u32 s8, $0xA;
	v36 =	vor.u32 $0x201, v1;
	v37 =	vor.u32 $0x202, v1;
	s10 =	sor.u32 s26, s5;
	s11 =	ssub.s32 s4, s28;
	[tilespmem:$0x1FFA0] =	vst v4;
	v4 =	vor.u32 $0x6, v1  }
0xe: {  	v38 =	vor.u32 $0x203, v1;
	v39 =	vor.u32 $0x204, v1;
	s8 =	sor.u32 s30, s5;
	s5 =	sor.u32 $0x80, s5;
	s29 =	sshrl.u32 s10, $0x3;
	[tilespmem:$0x1FFB0] =	vst v4;
	v4 =	vor.u32 $0x7, v1  }
0xf: {  	v40 =	vor.u32 $0x205, v1;
	v41 =	vor.u32 $0x206, v1;
	s8 =	sshrl.u32 s8, $0x3;
	s7 =	sor.u32 s26, s5;
	s5 =	sor.u32 s30, s5;
	[tilespmem:$0x1FFC0] =	vst v4;
	v4 =	vor.u32 $0x8, v1  }
0x10: {  	v42 =	vor.u32 $0x207, v1;
	v43 =	vor.u32 $0x208, v1;
	s10 =	simm.s32 $0x1;
	s3 =	sadd.s32 s9, s29;
	s4 =	sadd.s32 s6, s8;
	[tilespmem:$0x1FFD0] =	vst v4;
	v4 =	vor.u32 $0x9, v1  }
0x11: {  	v44 =	vor.u32 $0x209, v1;
	v45 =	vor.u32 $0x20A, v1;
	s7 =	sshrl.u32 s7, $0x3;
	s31 =	sshrl.u32 s5, $0x3;
	s8 =	simm.s32 $0x80;
	[tilespmem:$0x1FFE0] =	vst v4;
	v4 =	vor.u32 $0xA, v1  }
0x12: {  	v46 =	vor.u32 $0x20B, v1;
	v47 =	vor.u32 $0x20C, v1;
	v48 =	vor.u32 $0x20D, v1;
	s5 =	sadd.s32 s9, s7;
	s6 =	sadd.s32 s6, s31;
	s7 =	smax.u32 s11, $0x1;
	[tilespmem:$0x1FFF0] =	vst v4  }
0x13: {  	vm0 =	vmmov $0xf;
	v49 =	vor.u32 $0x20E, v1;
	v50 =	vor.u32 $0x20F, v1;
	s9 =	simm.s32 $0x400;
	s11 =	simm.s32 $0x4000;
	_ =	strace $0x80000047  }
.LBB2_1:
0x14: {  	[tilespmem:s1], [sflag:$0x1] =	stream.strided.gather [hbm4b:s3+s8], $0x4000, s9, s8, $0x38;
	[tilespmem:$0x4380] =	vst v63  }
0x15: {  	_ =	swait.ge [sflag:s10], $0x4000  }
0x16: {  	[sflag:s10] =	ssyncset.done $0x0  }
0x17: {  	[sflag:s10] =	ssyncadd.s32 $0xFFFFC000  }
0x18: {  	[tilespmem:$0x4000] =	vst v2  }
0x19: {  	[tilespmem:$0x4010] =	vst v2  }
0x1a: {  	[tilespmem:$0x4020] =	vst v2  }
0x1b: {  	[tilespmem:$0x4030] =	vst v2  }
0x1c: {  	[tilespmem:$0x4040] =	vst v2  }
0x1d: {  	[tilespmem:$0x4050] =	vst v2  }
0x1e: {  	[tilespmem:$0x4060] =	vst v2  }
0x1f: {  	[tilespmem:$0x4070] =	vst v2  }
0x20: {  	[tilespmem:$0x4080] =	vst v2  }
0x21: {  	[tilespmem:$0x4090] =	vst v2  }
0x22: {  	[tilespmem:$0x40A0] =	vst v2  }
0x23: {  	[tilespmem:$0x40B0] =	vst v2  }
0x24: {  	[tilespmem:$0x40C0] =	vst v2  }
0x25: {  	[tilespmem:$0x40D0] =	vst v2  }
0x26: {  	[tilespmem:$0x40E0] =	vst v2  }
0x27: {  	[tilespmem:$0x40F0] =	vst v2  }
0x28: {  	[tilespmem:$0x4100] =	vst v2  }
0x29: {  	[tilespmem:$0x4110] =	vst v2  }
0x2a: {  	[tilespmem:$0x4120] =	vst v2  }
0x2b: {  	[tilespmem:$0x4130] =	vst v2  }
0x2c: {  	[tilespmem:$0x4140] =	vst v2  }
0x2d: {  	[tilespmem:$0x4150] =	vst v2  }
0x2e: {  	[tilespmem:$0x4160] =	vst v2  }
0x2f: {  	[tilespmem:$0x4170] =	vst v2  }
0x30: {  	[tilespmem:$0x4180] =	vst v2  }
0x31: {  	[tilespmem:$0x4190] =	vst v2  }
0x32: {  	[tilespmem:$0x41A0] =	vst v2  }
0x33: {  	[tilespmem:$0x41B0] =	vst v2  }
0x34: {  	[tilespmem:$0x41C0] =	vst v2  }
0x35: {  	[tilespmem:$0x41D0] =	vst v2  }
0x36: {  	[tilespmem:$0x41E0] =	vst v2  }
0x37: {  	[tilespmem:$0x41F0] =	vst v2  }
0x38: {  	[tilespmem:$0x4200] =	vst v2  }
0x39: {  	[tilespmem:$0x4210] =	vst v2  }
0x3a: {  	[tilespmem:$0x4220] =	vst v2  }
0x3b: {  	[tilespmem:$0x4230] =	vst v2  }
0x3c: {  	[tilespmem:$0x4240] =	vst v2  }
0x3d: {  	[tilespmem:$0x4250] =	vst v2  }
0x3e: {  	[tilespmem:$0x4260] =	vst v2  }
0x3f: {  	[tilespmem:$0x4270] =	vst v2  }
0x40: {  	[tilespmem:$0x4280] =	vst v2  }
0x41: {  	[tilespmem:$0x4290] =	vst v2  }
0x42: {  	[tilespmem:$0x42A0] =	vst v2  }
0x43: {  	[tilespmem:$0x42B0] =	vst v2  }
0x44: {  	[tilespmem:$0x42C0] =	vst v2  }
0x45: {  	[tilespmem:$0x42D0] =	vst v2  }
0x46: {  	[tilespmem:$0x42E0] =	vst v2  }
0x47: {  	s14 =	simm.s32 $0x0;
	[tilespmem:$0x42F0] =	vst v2  }
.LBB2_2:
0x48: {  	s15 =	sshra.s32 s14, $0x2  }
0x49: {  	v51 =	vld [tilespmem:s15+$0x0];
	_ =	sdelay $0x4  }
0x4a: {  	v51 =	vshll.u32 v51, $0x4  }
0x4b: {  	v51 =	vor.u32 v0, v51;
	_ =	sdelay $0x4  }
0x4c: {  	[tilespmem:v51+s11+$0x0] =	vst.idx.add.f32.msk $0xffff, v3  }
0x4d: {  	v51 =	vld [tilespmem:s15+$0x10];
	_ =	sdelay $0x4  }
0x4e: {  	v51 =	vshll.u32 v51, $0x4  }
0x4f: {  	v51 =	vor.u32 v0, v51;
	_ =	sdelay $0x4  }
0x50: {  	[tilespmem:v51+s11+$0x0] =	vst.idx.add.f32.msk $0xffff, v3  }
0x51: {  	v51 =	vld [tilespmem:s15+$0x20];
	_ =	sdelay $0x4  }
0x52: {  	v51 =	vshll.u32 v51, $0x4  }
0x53: {  	v51 =	vor.u32 v0, v51;
	_ =	sdelay $0x4  }
0x54: {  	[tilespmem:v51+s11+$0x0] =	vst.idx.add.f32.msk $0xffff, v3  }
0x55: {  	v51 =	vld [tilespmem:s15+$0x30];
	_ =	sdelay $0x4  }
0x56: {  	v51 =	vshll.u32 v51, $0x4  }
0x57: {  	v51 =	vor.u32 v0, v51;
	_ =	sdelay $0x4  }
0x58: {  	[tilespmem:v51+s11+$0x0] =	vst.idx.add.f32.msk $0xffff, v3  }
0x59: {  	v51 =	vld [tilespmem:s15+$0x40];
	_ =	sdelay $0x4  }
0x5a: {  	v51 =	vshll.u32 v51, $0x4  }
0x5b: {  	v51 =	vor.u32 v0, v51;
	_ =	sdelay $0x4  }
0x5c: {  	[tilespmem:v51+s11+$0x0] =	vst.idx.add.f32.msk $0xffff, v3  }
0x5d: {  	v51 =	vld [tilespmem:s15+$0x50];
	_ =	sdelay $0x4  }
0x5e: {  	v51 =	vshll.u32 v51, $0x4  }
0x5f: {  	v51 =	vor.u32 v0, v51;
	_ =	sdelay $0x4  }
0x60: {  	[tilespmem:v51+s11+$0x0] =	vst.idx.add.f32.msk $0xffff, v3  }
0x61: {  	v51 =	vld [tilespmem:s15+$0x60];
	_ =	sdelay $0x4  }
0x62: {  	v51 =	vshll.u32 v51, $0x4  }
0x63: {  	v51 =	vor.u32 v0, v51;
	_ =	sdelay $0x4  }
0x64: {  	[tilespmem:v51+s11+$0x0] =	vst.idx.add.f32.msk $0xffff, v3  }
0x65: {  	v51 =	vld [tilespmem:s15+$0x70];
	_ =	sdelay $0x4  }
0x66: {  	v51 =	vshll.u32 v51, $0x4  }
0x67: {  	p0 =	sne.s32 s14, $0xFE00;
	v51 =	vor.u32 v0, v51  }
.Ltmp0:
0x68: {  	_ = 	snop;
	(pc) =	sbr.rel @p0 .LBB2_2-.Ltmp0, $2  }
0x69: {  	_ =	sdelay $0x2  }
0x6a: {  	s14 =	sadd.s32 $0x200, s14;
	[tilespmem:v51+s11+$0x0] =	vst.idx.add.f32.msk $0xffff, v3  }
0x6b: {  	v4 =	vld [tilespmem:$0x1FF60];
	_ =	sdelay $0x7  }
0x6c: {  	v52 =	vld.idx.msk [tilespmem:v4+s11+$0x0], $0xffff  }
0x6d: {  	v4 =	vld [tilespmem:$0x1FF70];
	_ =	sdelay $0x7  }
0x6e: {  	v53 =	vld.idx.msk [tilespmem:v4+s11+$0x0], $0xffff  }
0x6f: {  	v4 =	vld [tilespmem:$0x1FF80];
	_ =	sdelay $0x7  }
0x70: {  	v54 =	vld.idx.msk [tilespmem:v4+s11+$0x0], $0xffff  }
0x71: {  	v4 =	vld [tilespmem:$0x1FF90];
	_ =	sdelay $0x7  }
0x72: {  	v55 =	vld.idx.msk [tilespmem:v4+s11+$0x0], $0xffff  }
0x73: {  	v4 =	vld [tilespmem:$0x1FFA0];
	_ =	sdelay $0x7  }
0x74: {  	v56 =	vld.idx.msk [tilespmem:v4+s11+$0x0], $0xffff  }
0x75: {  	v4 =	vld [tilespmem:$0x1FFB0];
	_ =	sdelay $0x7  }
0x76: {  	v57 =	vld.idx.msk [tilespmem:v4+s11+$0x0], $0xffff  }
0x77: {  	v4 =	vld [tilespmem:$0x1FFC0];
	_ =	sdelay $0x1  }
0x78: {  	v51 =	vld.idx.msk [tilespmem:v1+s11+$0x0], $0xffff  }
0x79: {  	v62 =	vld.idx.msk [tilespmem:v14+s11+$0x0], $0xffff  }
0x7a: {  	v63 =	vld.idx.msk [tilespmem:v15+s11+$0x0], $0xffff  }
0x7b: {  	v7 =	vld.idx.msk [tilespmem:v19+s11+$0x0], $0xffff  }
0x7c: {  	v8 =	vld.idx.msk [tilespmem:v35+s11+$0x0], $0xffff  }
0x7d: {  	v9 =	vld.idx.msk [tilespmem:v20+s11+$0x0], $0xffff  }
0x7e: {  	v58 =	vld.idx.msk [tilespmem:v4+s11+$0x0], $0xffff  }
0x7f: {  	v4 =	vld [tilespmem:$0x1FFD0]  }
0x80: {  	v10 =	vld.idx.msk [tilespmem:v36+s11+$0x0], $0xffff  }
0x81: {  	v11 =	vld.idx.msk [tilespmem:v21+s11+$0x0], $0xffff  }
0x82: {  	v12 =	vld.idx.msk [tilespmem:v37+s11+$0x0], $0xffff;
	v7 =	vadd.f32 $0.0e+00, v7  }
0x83: {  	v13 =	vld.idx.msk [tilespmem:v22+s11+$0x0], $0xffff;
	v8 =	vadd.f32 $0.0e+00, v8  }
0x84: {  	v7 =	vadd.f32 v9, v7;
	v9 =	vld.idx.msk [tilespmem:v38+s11+$0x0], $0xffff  }
0x85: {  	v8 =	vadd.f32 v10, v8;
	v10 =	vld.idx.msk [tilespmem:v23+s11+$0x0], $0xffff  }
0x86: {  	v7 =	vadd.f32 v11, v7;
	v11 =	vld.idx.msk [tilespmem:v39+s11+$0x0], $0xffff  }
0x87: {  	v51 =	vadd.f32 $0.0e+00, v51;
	v59 =	vld.idx.msk [tilespmem:v4+s11+$0x0], $0xffff  }
0x88: {  	v4 =	vld [tilespmem:$0x1FFE0]  }
0x89: {  	v8 =	vadd.f32 v12, v8;
	v12 =	vld.idx.msk [tilespmem:v24+s11+$0x0], $0xffff;
	v51 =	vadd.f32 v52, v51  }
0x8a: {  	v5 =	vld.idx.msk [tilespmem:v17+s11+$0x0], $0xffff;
	v7 =	vadd.f32 v13, v7  }
0x8b: {  	v13 =	vld.idx.msk [tilespmem:v40+s11+$0x0], $0xffff;
	v51 =	vadd.f32 v53, v51  }
0x8c: {  	v8 =	vadd.f32 v9, v8;
	v9 =	vld.idx.msk [tilespmem:v25+s11+$0x0], $0xffff;
	v7 =	vadd.f32 v10, v7  }
0x8d: {  	v51 =	vadd.f32 v54, v51;
	v54 =	vld.idx.msk [tilespmem:v41+s11+$0x0], $0xffff  }
0x8e: {  	v8 =	vadd.f32 v11, v8;
	v7 =	vadd.f32 v12, v7;
	v12 =	vld.idx.msk [tilespmem:v42+s11+$0x0], $0xffff  }
0x8f: {  	v51 =	vadd.f32 v55, v51;
	v55 =	vld.idx.msk [tilespmem:v26+s11+$0x0], $0xffff  }
0x90: {  	v8 =	vadd.f32 v13, v8;
	v60 =	vld.idx.msk [tilespmem:v4+s11+$0x0], $0xffff  }
0x91: {  	v4 =	vld [tilespmem:$0x1FFF0]  }
0x92: {  	v6 =	vld.idx.msk [tilespmem:v18+s11+$0x0], $0xffff;
	v8 =	vadd.f32 v54, v8  }
0x93: {  	v13 =	vld.idx.msk [tilespmem:v27+s11+$0x0], $0xffff;
	v51 =	vadd.f32 v56, v51  }
0x94: {  	v7 =	vadd.f32 v9, v7;
	v8 =	vadd.f32 v12, v8;
	v12 =	vld.idx.msk [tilespmem:v29+s11+$0x0], $0xffff  }
0x95: {  	v56 =	vld.idx.msk [tilespmem:v43+s11+$0x0], $0xffff;
	v51 =	vadd.f32 v57, v51  }
0x96: {  	v7 =	vadd.f32 v55, v7;
	v57 =	vld.idx.msk [tilespmem:v28+s11+$0x0], $0xffff  }
0x97: {  	v51 =	vadd.f32 v58, v51;
	v58 =	vld.idx.msk [tilespmem:v44+s11+$0x0], $0xffff  }
0x98: {  	v7 =	vadd.f32 v13, v7;
	v13 =	vld.idx.msk [tilespmem:v45+s11+$0x0], $0xffff  }
0x99: {  	v61 =	vld.idx.msk [tilespmem:v4+s11+$0x0], $0xffff  }
0x9a: {  	v54 =	vld.idx.msk [tilespmem:v30+s11+$0x0], $0xffff;
	v8 =	vadd.f32 v56, v8;
	v51 =	vadd.f32 v59, v51  }
0x9b: {  	v55 =	vld.idx.msk [tilespmem:v46+s11+$0x0], $0xffff;
	v7 =	vadd.f32 v57, v7  }
0x9c: {  	v56 =	vld.idx.msk [tilespmem:v31+s11+$0x0], $0xffff;
	v8 =	vadd.f32 v58, v8;
	v51 =	vadd.f32 v60, v51  }
0x9d: {  	v7 =	vadd.f32 v12, v7;
	v12 =	vld.idx.msk [tilespmem:v47+s11+$0x0], $0xffff  }
0x9e: {  	v8 =	vadd.f32 v13, v8;
	v13 =	vld.idx.msk [tilespmem:v32+s11+$0x0], $0xffff;
	v51 =	vadd.f32 v61, v51  }
0x9f: {  	v4 =	vld.idx.msk [tilespmem:v16+s11+$0x0], $0xffff  }
0xa0: {  	v57 =	vld.idx.msk [tilespmem:v48+s11+$0x0], $0xffff;
	v7 =	vadd.f32 v54, v7;
	v51 =	vadd.f32 v62, v51  }
0xa1: {  	v58 =	vld.idx.msk [tilespmem:v33+s11+$0x0], $0xffff;
	v8 =	vadd.f32 v55, v8  }
0xa2: {  	v7 =	vadd.f32 v56, v7;
	v59 =	vld.idx.msk [tilespmem:v49+s11+$0x0], $0xffff;
	v51 =	vadd.f32 v63, v51  }
0xa3: {  	v8 =	vadd.f32 v12, v8;
	v12 =	vld.idx.msk [tilespmem:v34+s11+$0x0], $0xffff  }
0xa4: {  	v7 =	vadd.f32 v13, v7;
	v13 =	vld.idx.msk [tilespmem:v50+s11+$0x0], $0xffff;
	v4 =	vadd.f32 v4, v51  }
0xa5: {  	v8 =	vadd.f32 v57, v8  }
0xa6: {  	v4 =	vadd.f32 v5, v4;
	v5 =	vadd.f32 v58, v7  }
0xa7: {  	v60 =	vadd.f32 v59, v8  }
0xa8: {  	v4 =	vadd.f32 v6, v4;
	v5 =	vadd.f32 v12, v5  }
0xa9: {  	v61 =	vadd.f32 v13, v60  }
0xaa: {  	v62 =	vadd.f32 v5, v4  }
0xab: {  	v63 =	vnsel vm0, $0x0, v61  }
0xac: {  	v7 =	vadd.f32 v63, v62;
	_ =	sdelay $0x1  }
0xad: {  	(xrf2) =	vadd.scan.msk.f32 $0xffff, v7;
	_ =	sdelay $0x9  }
0xae: {  	v7, _, _ =	vpop (xrf2)  }
0xaf: {  	v7 =	vmax.f32 v7, $1.000000000e+00  }
0xb0: {  	v7 =	vbroadcast v7, $0xF;
	_ =	sdelay $0x1  }
0xb1: {  	(erf) = vrcp.f32 v7;
	_ =	sdelay $0x8  }
0xb2: {  	v7 =	vpop (erf)  }
0xb3: {  	v4 =	vmul.f32 v7, v4  }
0xb4: {  	v5 =	vmul.f32 v7, v5  }
0xb5: {  	[tilespmem:$0x4300] =	vst v4;
	v4 =	vmul.f32 v7, v61  }
0xb6: {  	[tilespmem:$0x4310] =	vst v5  }
0xb7: {  	s14 =	simm.s32 $0x0;
	[tilespmem:$0x4320] =	vst v4  }
0xb8: {  	[hbm4b:s4+s14] =	stream.linear.scatter [tilespmem:s12], [sflag:$0x1], $0x80, $0x38;
	[tilespmem:$0x4380] =	vst v63  }
0xb9: {  	_ =	swait.ge [sflag:s10], $0x80  }
0xba: {  	[sflag:s10] =	ssyncset.done $0x0  }
0xbb: {  	[sflag:s10] =	ssyncadd.s32 $0xFFFFFF80  }
0xbc: {  	[tilespmem:s14], [sflag:$0x1] =	stream.strided.gather [hbm4b:s5+s8], $0x4000, s9, s8, $0x38;
	[tilespmem:$0x4380] =	vst v63  }
0xbd: {  	_ =	swait.ge [sflag:s10], $0x4000  }
0xbe: {  	[sflag:s10] =	ssyncset.done $0x0  }
0xbf: {  	[sflag:s10] =	ssyncadd.s32 $0xFFFFC000  }
0xc0: {  	[tilespmem:$0x4000] =	vst v2  }
0xc1: {  	[tilespmem:$0x4010] =	vst v2  }
0xc2: {  	[tilespmem:$0x4020] =	vst v2  }
0xc3: {  	[tilespmem:$0x4030] =	vst v2  }
0xc4: {  	[tilespmem:$0x4040] =	vst v2  }
0xc5: {  	[tilespmem:$0x4050] =	vst v2  }
0xc6: {  	[tilespmem:$0x4060] =	vst v2  }
0xc7: {  	[tilespmem:$0x4070] =	vst v2  }
0xc8: {  	[tilespmem:$0x4080] =	vst v2  }
0xc9: {  	[tilespmem:$0x4090] =	vst v2  }
0xca: {  	[tilespmem:$0x40A0] =	vst v2  }
0xcb: {  	[tilespmem:$0x40B0] =	vst v2  }
0xcc: {  	[tilespmem:$0x40C0] =	vst v2  }
0xcd: {  	[tilespmem:$0x40D0] =	vst v2  }
0xce: {  	[tilespmem:$0x40E0] =	vst v2  }
0xcf: {  	[tilespmem:$0x40F0] =	vst v2  }
0xd0: {  	[tilespmem:$0x4100] =	vst v2  }
0xd1: {  	[tilespmem:$0x4110] =	vst v2  }
0xd2: {  	[tilespmem:$0x4120] =	vst v2  }
0xd3: {  	[tilespmem:$0x4130] =	vst v2  }
0xd4: {  	[tilespmem:$0x4140] =	vst v2  }
0xd5: {  	[tilespmem:$0x4150] =	vst v2  }
0xd6: {  	[tilespmem:$0x4160] =	vst v2  }
0xd7: {  	[tilespmem:$0x4170] =	vst v2  }
0xd8: {  	[tilespmem:$0x4180] =	vst v2  }
0xd9: {  	[tilespmem:$0x4190] =	vst v2  }
0xda: {  	[tilespmem:$0x41A0] =	vst v2  }
0xdb: {  	[tilespmem:$0x41B0] =	vst v2  }
0xdc: {  	[tilespmem:$0x41C0] =	vst v2  }
0xdd: {  	[tilespmem:$0x41D0] =	vst v2  }
0xde: {  	[tilespmem:$0x41E0] =	vst v2  }
0xdf: {  	[tilespmem:$0x41F0] =	vst v2  }
0xe0: {  	[tilespmem:$0x4200] =	vst v2  }
0xe1: {  	[tilespmem:$0x4210] =	vst v2  }
0xe2: {  	[tilespmem:$0x4220] =	vst v2  }
0xe3: {  	[tilespmem:$0x4230] =	vst v2  }
0xe4: {  	[tilespmem:$0x4240] =	vst v2  }
0xe5: {  	[tilespmem:$0x4250] =	vst v2  }
0xe6: {  	[tilespmem:$0x4260] =	vst v2  }
0xe7: {  	[tilespmem:$0x4270] =	vst v2  }
0xe8: {  	[tilespmem:$0x4280] =	vst v2  }
0xe9: {  	[tilespmem:$0x4290] =	vst v2  }
0xea: {  	[tilespmem:$0x42A0] =	vst v2  }
0xeb: {  	[tilespmem:$0x42B0] =	vst v2  }
0xec: {  	[tilespmem:$0x42C0] =	vst v2  }
0xed: {  	[tilespmem:$0x42D0] =	vst v2  }
0xee: {  	[tilespmem:$0x42E0] =	vst v2  }
0xef: {  	[tilespmem:$0x42F0] =	vst v2  }
.LBB2_4:
0xf0: {  	s15 =	sshra.s32 s14, $0x2  }
0xf1: {  	v4 =	vld [tilespmem:s15+$0x0];
	_ =	sdelay $0x4  }
0xf2: {  	v4 =	vshll.u32 v4, $0x4  }
0xf3: {  	v4 =	vor.u32 v0, v4;
	_ =	sdelay $0x4  }
0xf4: {  	[tilespmem:v4+s11+$0x0] =	vst.idx.add.f32.msk $0xffff, v3  }
0xf5: {  	v4 =	vld [tilespmem:s15+$0x10];
	_ =	sdelay $0x4  }
0xf6: {  	v4 =	vshll.u32 v4, $0x4  }
0xf7: {  	v4 =	vor.u32 v0, v4;
	_ =	sdelay $0x4  }
0xf8: {  	[tilespmem:v4+s11+$0x0] =	vst.idx.add.f32.msk $0xffff, v3  }
0xf9: {  	v4 =	vld [tilespmem:s15+$0x20];
	_ =	sdelay $0x4  }
0xfa: {  	v4 =	vshll.u32 v4, $0x4  }
0xfb: {  	v4 =	vor.u32 v0, v4;
	_ =	sdelay $0x4  }
0xfc: {  	[tilespmem:v4+s11+$0x0] =	vst.idx.add.f32.msk $0xffff, v3  }
0xfd: {  	v4 =	vld [tilespmem:s15+$0x30];
	_ =	sdelay $0x4  }
0xfe: {  	v4 =	vshll.u32 v4, $0x4  }
0xff: {  	v4 =	vor.u32 v0, v4;
	_ =	sdelay $0x4  }
0x100: {  	[tilespmem:v4+s11+$0x0] =	vst.idx.add.f32.msk $0xffff, v3  }
0x101: {  	v4 =	vld [tilespmem:s15+$0x40];
	_ =	sdelay $0x4  }
0x102: {  	v4 =	vshll.u32 v4, $0x4  }
0x103: {  	v4 =	vor.u32 v0, v4;
	_ =	sdelay $0x4  }
0x104: {  	[tilespmem:v4+s11+$0x0] =	vst.idx.add.f32.msk $0xffff, v3  }
0x105: {  	v4 =	vld [tilespmem:s15+$0x50];
	_ =	sdelay $0x4  }
0x106: {  	v4 =	vshll.u32 v4, $0x4  }
0x107: {  	v4 =	vor.u32 v0, v4;
	_ =	sdelay $0x4  }
0x108: {  	[tilespmem:v4+s11+$0x0] =	vst.idx.add.f32.msk $0xffff, v3  }
0x109: {  	v4 =	vld [tilespmem:s15+$0x60];
	_ =	sdelay $0x4  }
0x10a: {  	v4 =	vshll.u32 v4, $0x4  }
0x10b: {  	v4 =	vor.u32 v0, v4;
	_ =	sdelay $0x4  }
0x10c: {  	[tilespmem:v4+s11+$0x0] =	vst.idx.add.f32.msk $0xffff, v3  }
0x10d: {  	v4 =	vld [tilespmem:s15+$0x70];
	_ =	sdelay $0x4  }
0x10e: {  	v4 =	vshll.u32 v4, $0x4  }
0x10f: {  	p0 =	sne.s32 s14, $0xFE00;
	v4 =	vor.u32 v0, v4  }
.Ltmp1:
0x110: {  	_ = 	snop;
	(pc) =	sbr.rel @p0 .LBB2_4-.Ltmp1, $2  }
0x111: {  	_ =	sdelay $0x2  }
0x112: {  	s14 =	sadd.s32 $0x200, s14;
	[tilespmem:v4+s11+$0x0] =	vst.idx.add.f32.msk $0xffff, v3  }
0x113: {  	_ =	sdelay $0x3  }
0x114: {  	v4 =	vld.idx.msk [tilespmem:v1+s11+$0x0], $0xffff  }
0x115: {  	v5 =	vld [tilespmem:$0x1FF60]  }
0x116: {  	v6 =	vld [tilespmem:$0x1FF70]  }
0x117: {  	v7 =	vld [tilespmem:$0x1FF80]  }
0x118: {  	v8 =	vld [tilespmem:$0x1FF90]  }
0x119: {  	v9 =	vld [tilespmem:$0x1FFA0]  }
0x11a: {  	v10 =	vld [tilespmem:$0x1FFB0]  }
0x11b: {  	v11 =	vld [tilespmem:$0x1FFC0]  }
0x11c: {  	v12 =	vld [tilespmem:$0x1FFD0]  }
0x11d: {  	v13 =	vld [tilespmem:$0x1FFE0]  }
0x11e: {  	v51 =	vld [tilespmem:$0x1FFF0]  }
0x11f: {  	v52 =	vld.idx.msk [tilespmem:v14+s11+$0x0], $0xffff  }
0x120: {  	v53 =	vld.idx.msk [tilespmem:v15+s11+$0x0], $0xffff  }
0x121: {  	v54 =	vld.idx.msk [tilespmem:v16+s11+$0x0], $0xffff  }
0x122: {  	v55 =	vld.idx.msk [tilespmem:v17+s11+$0x0], $0xffff  }
0x123: {  	v56 =	vld.idx.msk [tilespmem:v18+s11+$0x0], $0xffff  }
0x124: {  	v58 =	vld.idx.msk [tilespmem:v35+s11+$0x0], $0xffff  }
0x125: {  	v57 =	vld.idx.msk [tilespmem:v19+s11+$0x0], $0xffff  }
0x126: {  	v60 =	vld.idx.msk [tilespmem:v36+s11+$0x0], $0xffff  }
0x127: {  	v59 =	vld.idx.msk [tilespmem:v20+s11+$0x0], $0xffff  }
0x128: {  	v61 =	vld.idx.msk [tilespmem:v21+s11+$0x0], $0xffff  }
0x129: {  	v62 =	vld.idx.msk [tilespmem:v37+s11+$0x0], $0xffff;
	v58 =	vadd.f32 $0.0e+00, v58  }
0x12a: {  	v63 =	vld.idx.msk [tilespmem:v22+s11+$0x0], $0xffff  }
0x12b: {  	v58 =	vadd.f32 v60, v58;
	v60 =	vld.idx.msk [tilespmem:v24+s11+$0x0], $0xffff  }
0x12c: {  	v5 =	vld.idx.msk [tilespmem:v5+s11+$0x0], $0xffff  }
0x12d: {  	v6 =	vld.idx.msk [tilespmem:v6+s11+$0x0], $0xffff  }
0x12e: {  	v7 =	vld.idx.msk [tilespmem:v7+s11+$0x0], $0xffff  }
0x12f: {  	v8 =	vld.idx.msk [tilespmem:v8+s11+$0x0], $0xffff  }
0x130: {  	v9 =	vld.idx.msk [tilespmem:v9+s11+$0x0], $0xffff  }
0x131: {  	v10 =	vld.idx.msk [tilespmem:v10+s11+$0x0], $0xffff  }
0x132: {  	v11 =	vld.idx.msk [tilespmem:v11+s11+$0x0], $0xffff  }
0x133: {  	v4 =	vadd.f32 $0.0e+00, v4;
	v57 =	vadd.f32 $0.0e+00, v57;
	v12 =	vld.idx.msk [tilespmem:v12+s11+$0x0], $0xffff  }
0x134: {  	v13 =	vld.idx.msk [tilespmem:v13+s11+$0x0], $0xffff  }
0x135: {  	v4 =	vadd.f32 v5, v4;
	v5 =	vadd.f32 v59, v57;
	v57 =	vld.idx.msk [tilespmem:v38+s11+$0x0], $0xffff  }
0x136: {  	v59 =	vld.idx.msk [tilespmem:v23+s11+$0x0], $0xffff  }
0x137: {  	v4 =	vadd.f32 v6, v4;
	v5 =	vadd.f32 v61, v5;
	v6 =	vld.idx.msk [tilespmem:v39+s11+$0x0], $0xffff  }
0x138: {  	v51 =	vld.idx.msk [tilespmem:v51+s11+$0x0], $0xffff;
	v58 =	vadd.f32 v62, v58  }
0x139: {  	v61 =	vld.idx.msk [tilespmem:v40+s11+$0x0], $0xffff;
	v4 =	vadd.f32 v7, v4;
	v5 =	vadd.f32 v63, v5  }
0x13a: {  	v62 =	vld.idx.msk [tilespmem:v25+s11+$0x0], $0xffff;
	v57 =	vadd.f32 v57, v58  }
0x13b: {  	v63 =	vld.idx.msk [tilespmem:v41+s11+$0x0], $0xffff;
	v4 =	vadd.f32 v8, v4;
	v5 =	vadd.f32 v59, v5  }
0x13c: {  	v6 =	vadd.f32 v6, v57;
	v57 =	vld.idx.msk [tilespmem:v26+s11+$0x0], $0xffff  }
0x13d: {  	v4 =	vadd.f32 v9, v4;
	v5 =	vadd.f32 v60, v5;
	v60 =	vld.idx.msk [tilespmem:v42+s11+$0x0], $0xffff  }
0x13e: {  	v6 =	vadd.f32 v61, v6;
	v61 =	vld.idx.msk [tilespmem:v27+s11+$0x0], $0xffff  }
0x13f: {  	v4 =	vadd.f32 v10, v4;
	v5 =	vadd.f32 v62, v5;
	v62 =	vld.idx.msk [tilespmem:v43+s11+$0x0], $0xffff  }
0x140: {  	v6 =	vadd.f32 v63, v6;
	v63 =	vld.idx.msk [tilespmem:v28+s11+$0x0], $0xffff  }
0x141: {  	v4 =	vadd.f32 v11, v4;
	v5 =	vadd.f32 v57, v5;
	v57 =	vld.idx.msk [tilespmem:v44+s11+$0x0], $0xffff  }
0x142: {  	v58 =	vld.idx.msk [tilespmem:v29+s11+$0x0], $0xffff;
	v6 =	vadd.f32 v60, v6  }
0x143: {  	v59 =	vld.idx.msk [tilespmem:v45+s11+$0x0], $0xffff;
	v4 =	vadd.f32 v12, v4;
	v5 =	vadd.f32 v61, v5  }
0x144: {  	v60 =	vld.idx.msk [tilespmem:v30+s11+$0x0], $0xffff;
	v6 =	vadd.f32 v62, v6  }
0x145: {  	v61 =	vld.idx.msk [tilespmem:v46+s11+$0x0], $0xffff;
	v4 =	vadd.f32 v13, v4;
	v5 =	vadd.f32 v63, v5  }
0x146: {  	v62 =	vld.idx.msk [tilespmem:v31+s11+$0x0], $0xffff;
	v6 =	vadd.f32 v57, v6  }
0x147: {  	v63 =	vld.idx.msk [tilespmem:v47+s11+$0x0], $0xffff;
	v4 =	vadd.f32 v51, v4;
	v5 =	vadd.f32 v58, v5  }
0x148: {  	v51 =	vld.idx.msk [tilespmem:v32+s11+$0x0], $0xffff;
	v6 =	vadd.f32 v59, v6  }
0x149: {  	v57 =	vld.idx.msk [tilespmem:v48+s11+$0x0], $0xffff;
	v4 =	vadd.f32 v52, v4;
	v5 =	vadd.f32 v60, v5  }
0x14a: {  	v58 =	vld.idx.msk [tilespmem:v33+s11+$0x0], $0xffff;
	v6 =	vadd.f32 v61, v6  }
0x14b: {  	v59 =	vld.idx.msk [tilespmem:v49+s11+$0x0], $0xffff;
	v4 =	vadd.f32 v53, v4;
	v5 =	vadd.f32 v62, v5  }
0x14c: {  	v60 =	vld.idx.msk [tilespmem:v34+s11+$0x0], $0xffff;
	v6 =	vadd.f32 v63, v6  }
0x14d: {  	v61 =	vld.idx.msk [tilespmem:v50+s11+$0x0], $0xffff;
	v4 =	vadd.f32 v54, v4;
	v5 =	vadd.f32 v51, v5  }
0x14e: {  	v6 =	vadd.f32 v57, v6  }
0x14f: {  	v4 =	vadd.f32 v55, v4;
	v5 =	vadd.f32 v58, v5  }
0x150: {  	v6 =	vadd.f32 v59, v6  }
0x151: {  	v4 =	vadd.f32 v56, v4;
	v5 =	vadd.f32 v60, v5  }
0x152: {  	v6 =	vadd.f32 v61, v6  }
0x153: {  	v62 =	vadd.f32 v5, v4  }
0x154: {  	v63 =	vnsel vm0, $0x0, v6  }
0x155: {  	v7 =	vadd.f32 v63, v62;
	_ =	sdelay $0x1  }
0x156: {  	(xrf2) =	vadd.scan.msk.f32 $0xffff, v7;
	_ =	sdelay $0x9  }
0x157: {  	v7, _, _ =	vpop (xrf2)  }
0x158: {  	v7 =	vmax.f32 v7, $1.000000000e+00  }
0x159: {  	v7 =	vbroadcast v7, $0xF;
	_ =	sdelay $0x1  }
0x15a: {  	(erf) = vrcp.f32 v7;
	_ =	sdelay $0x8  }
0x15b: {  	v7 =	vpop (erf)  }
0x15c: {  	v4 =	vmul.f32 v7, v4  }
0x15d: {  	v5 =	vmul.f32 v7, v5  }
0x15e: {  	s13 =	sadd.s32 $0x1, s13;
	[tilespmem:$0x4300] =	vst v4;
	v4 =	vmul.f32 v7, v6  }
0x15f: {  	p0 =	sne.s32 s13, s7;
	[tilespmem:$0x4310] =	vst v5  }
.Ltmp2:
0x160: {  	[tilespmem:$0x4320] =	vst v4;
	(pc) =	sbr.rel @p0 .LBB2_1-.Ltmp2, $4  }
0x161: {  	[hbm4b:s6+s1] =	stream.linear.scatter [tilespmem:s12], [sflag:$0x1], $0x80, $0x38;
	[tilespmem:$0x4380] =	vst v63  }
0x162: {  	_ =	swait.ge [sflag:s10], $0x80  }
0x163: {  	[sflag:s10] =	ssyncset.done $0x0  }
0x164: {  	[sflag:s10] =	ssyncadd.s32 $0xFFFFFF80  }
0x165: {  	_ =	sfence.sel $0x180000  }
0x166: {  	[bflag:$0x0] =	sbarrier.arrive $0xFFFF  }
0x167: {  	p0 =	sne.s32 s2, $0x0;
	_ =	strace $0x90000047  }
0x168: {  	s0 =	sadd.s32 @!p0 $0x100000, s0;
	[bflag:$0x2] =	sbarrier.arrive $0xFFFF  }
0x169: {  	[sflag:s0] =	ssyncadd.tile.s32 @!p0 $0x1;
	_ =	shalt  }
.Lfunc_end2:
_tile_overlayer_lowered:
.L_overlay_start_2:
0x16a: {  	(tag) =	ssettag $0x2  }
0x16b: {  	s0 =	rddreg [dreg:$0x0];
	s2 =	stileid.u32  }
0x16c: {  	s1 =	rddreg [dreg:$0x1];
	p0 =	sne.s32 s2, $0x0  }
0x16d: {  	s3 =	rddreg [dreg:$0x2];
	[bflag:$0x3] =	sbarrier.arrive $0xFFFF;
	s2 =	simm.s32 @!p0 $0x1C01  }
0x16e: {  	[timem:s3], [sflag:s2] =	dma.local @!p0 [hbm:s0], s1  }
0x16f: {  	s0 =	simm.s32 @!p0 $0x1  }
0x170: {  	_ =	swait.ge @!p0 [sflag:s0], s1  }
0x171: {  	s1 =	ssub.s32 @!p0 $0x0, s1;
	[sflag:s0] =	ssyncset.done @!p0 $0x0  }
0x172: {  	[sflag:s0] =	ssyncadd.s32 @!p0 s1  }
0x173: {  	[bflag:$0x3] =	sbarrier.arrive $0xFFFF  }
0x174: {  	_ =	shalt  }

</sc_bundles>
